<compile_context>
chip_gen: v7x
topology: tpu7x:2x2x1
jax: 0.10.2.dev20260603
libtpu: 0.0.44.dev20260713+nightly
codegen_flags: <defaults>
</compile_context>

<pallas_src>
import functools
import math

import jax
import jax.numpy as jnp
from jax import lax
from jax.experimental import pallas as pl
from jax.experimental.pallas import tpu as pltpu
from jax.experimental.pallas import tpu_sc as plsc

D_MODEL = 64
SCALE = math.sqrt(D_MODEL)
LANES = 16

_NC = 2
_NS = 16
_NW = _NC * _NS

_CHUNK_ROWS = 2
_IDX_MINOR = 128
_CHUNK = _CHUNK_ROWS * _IDX_MINOR
_NBUF = 4


def _emb_kernel(n_rows_total, lut_hbm, idx_hbm, out_hbm,
                idx0, idx1, idx2, idx3, rows0, rows1, rows2, rows3,
                sem_g, sem_s, sem_i):
    wid = lax.axis_index("s") * _NC + lax.axis_index("c")
    rows_per_w = n_rows_total // _NW
    n_chunks = rows_per_w // _CHUNK_ROWS
    base_row = wid * rows_per_w
    idx_bufs = (idx0, idx1, idx2, idx3)
    row_bufs = (rows0, rows1, rows2, rows3)

    def stage_idx(ch, b):
        row0 = base_row + ch * _CHUNK_ROWS
        pltpu.async_copy(
            idx_hbm.at[pl.ds(row0, _CHUNK_ROWS)], idx_bufs[b], sem_i)

    def fire_gathers(b):
        pltpu.make_async_copy(
            idx_hbm.at[pl.ds(0, _CHUNK_ROWS)], idx_bufs[b], sem_i).wait()
        for j in range(_CHUNK_ROWS):
            pltpu.async_copy(
                lut_hbm.at[idx_bufs[b].at[j]],
                row_bufs[b].at[pl.ds(j * _IDX_MINOR, _IDX_MINOR)],
                sem_g,
            )

    def wait_gather(b):
        for j in range(_CHUNK_ROWS):
            pltpu.make_async_copy(
                lut_hbm.at[idx_bufs[b].at[j]],
                row_bufs[b].at[pl.ds(j * _IDX_MINOR, _IDX_MINOR)],
                sem_g,
            ).wait()

    def scale(b):
        rv = row_bufs[b]

        def body(r, carry):
            for u in range(8):
                rr = r * 8 + u
                for c in range(D_MODEL // LANES):
                    sl = pl.ds(c * LANES, LANES)
                    rv[rr, sl] = rv[rr, sl] * SCALE
            return carry

        lax.fori_loop(0, _CHUNK // 8, body, 0)

    def fire_store(ch, b):
        row0 = base_row + ch * _CHUNK_ROWS
        pltpu.async_copy(
            row_bufs[b], out_hbm.at[pl.ds(row0 * _IDX_MINOR, _CHUNK)], sem_s)

    def wait_store(b):
        pltpu.make_async_copy(
            row_bufs[b], out_hbm.at[pl.ds(0, _CHUNK)], sem_s).wait()

    stage_idx(0, 0)
    stage_idx(1, 1)
    stage_idx(2, 2)
    fire_gathers(0)
    fire_gathers(1)

    def outer(g, carry):
        for b in range(_NBUF):
            ch = _NBUF * g + b
            nxt = ch + 2
            nb = (b + 2) % _NBUF

            @pl.when(ch + 3 < n_chunks)
            def _():
                stage_idx(ch + 3, (b + 3) % _NBUF)

            @pl.when(nxt < n_chunks)
            def _():
                @pl.when(ch >= 2)
                def _():
                    wait_store(nb)

                fire_gathers(nb)

            wait_gather(b)
            scale(b)
            fire_store(ch, b)
        return carry

    lax.fori_loop(0, n_chunks // _NBUF, outer, 0)
    for b in range(_NBUF):
        wait_store(b)


def kernel(x, lut):
    b, t = x.shape
    n = b * t
    assert n % (_NW * _CHUNK) == 0
    n_rows_total = n // _IDX_MINOR
    idx2d = x.reshape(n_rows_total, _IDX_MINOR).astype(jnp.int32)

    mesh = plsc.VectorSubcoreMesh(core_axis_name="c", subcore_axis_name="s")
    run = pl.kernel(
        functools.partial(_emb_kernel, n_rows_total),
        out_type=jax.ShapeDtypeStruct((n, D_MODEL), jnp.float32),
        mesh=mesh,
        scratch_types=(
            [pltpu.VMEM((_CHUNK_ROWS, _IDX_MINOR), jnp.int32)] * _NBUF
            + [pltpu.VMEM((_CHUNK, D_MODEL), jnp.float32)] * _NBUF
            + [pltpu.SemaphoreType.DMA] * 3
        ),
        compiler_params=pltpu.CompilerParams(use_tc_tiling_on_sc=False),
    )
    out = run(lut, idx2d)
    return out.reshape(b, t, D_MODEL)

# --- scband reference (transcript-rebuilt; emitter-appended) ---
"""Pipeline reference for scband-embeddings-17970143167197 (READ-ONLY COPY).

The authoritative reference and input builder live on the scoring server;
editing this copy changes nothing except your own understanding.
"""

import math
import jax, jax.numpy as jnp
import numpy as np

N_TOKEN = 1000000
D_MODEL = 64

def setup_inputs(seed: int = 0) -> dict:
    key = jax.random.key(seed)
    k1, k2 = jax.random.split(key)
    x = jax.random.randint(k1, (4096, 200), 0, N_TOKEN, dtype=jnp.int64 if jax.config.jax_enable_x64 else jnp.int32)
    lut = jax.random.normal(k2, (N_TOKEN, D_MODEL), dtype=jnp.float32)
    return {"x": x, "lut": lut}

def reference(x, lut):
    # Embedding lookup scaled by sqrt(d_model)
    emb = jnp.take(lut, x, axis=0)
    return emb * math.sqrt(D_MODEL)

if __name__ == "__main__":
    import jax
    _d = setup_inputs()
    print(jax.jit(kernel)(*tuple(_d.values())))

</pallas_src>

<mosaic_0001>
#map = affine_map<(d0, d1) -> (0, 0)>
module attributes {stable_mosaic.version = 14 : i64} {
  func.func @_emb_kernel(%arg0: i32, %arg1: i32, %arg2: memref<1000000x64xf32, #tpu.memory_space<hbm>>, %arg3: memref<6400x128xi32, #tpu.memory_space<hbm>>, %arg4: memref<819200x64xf32, #tpu.memory_space<hbm>>, %arg5: memref<2x128xi32, #tpu.memory_space<vmem>>, %arg6: memref<2x128xi32, #tpu.memory_space<vmem>>, %arg7: memref<2x128xi32, #tpu.memory_space<vmem>>, %arg8: memref<2x128xi32, #tpu.memory_space<vmem>>, %arg9: memref<256x64xf32, #tpu.memory_space<vmem>>, %arg10: memref<256x64xf32, #tpu.memory_space<vmem>>, %arg11: memref<256x64xf32, #tpu.memory_space<vmem>>, %arg12: memref<256x64xf32, #tpu.memory_space<vmem>>, %arg13: memref<!tpu.dma_semaphore, #tpu.memory_space<semaphore_mem>>, %arg14: memref<!tpu.dma_semaphore, #tpu.memory_space<semaphore_mem>>, %arg15: memref<!tpu.dma_semaphore, #tpu.memory_space<semaphore_mem>>) attributes {dimension_semantics = [#tpu.dimension_semantics<core_parallel>, #tpu.dimension_semantics<subcore_parallel>], iteration_bounds = array<i64: 2, 16>, scalar_prefetch = 0 : i64, scratch_operands = 11 : i64, tpu.core_type = #tpu.core_type<sc_vector_subcore>, window_params = [{transform_indices = #map}, {transform_indices = #map}, {transform_indices = #map}]} {
    %mul3A = arith.constant 2 : i32
    %mul3A_0 = arith.muli %arg1, %mul3A : i32
    %add3A = arith.addi %mul3A_0, %arg0 : i32
    %mul3A_1 = arith.constant 200 : i32
    %mul3A_2 = arith.muli %add3A, %mul3A_1 : i32
    %add3A_3 = arith.constant 0 : i32
    %add3A_4 = arith.addi %mul3A_2, %add3A_3 : i32
    %dma_start3A = arith.constant 0 : i32
    %dma_start3A_5 = tpu.memref_slice %arg3[%add3A_4, %dma_start3A] : memref<6400x128xi32, #tpu.memory_space<hbm>> -> memref<2x128xi32, #tpu.memory_space<hbm>>
    %dma_start3A_6 = arith.constant 0 : i32
    %dma_start3A_7 = tpu.memref_slice %arg3[%add3A_4, %dma_start3A_6] : memref<6400x128xi32, #tpu.memory_space<hbm>> -> memref<2x128xi32, #tpu.memory_space<hbm>>
    tpu.enqueue_dma source(%dma_start3A_7 : memref<2x128xi32, #tpu.memory_space<hbm>>) target(%arg5 : memref<2x128xi32, #tpu.memory_space<vmem>>) target_semaphore(%arg15 : memref<!tpu.dma_semaphore, #tpu.memory_space<semaphore_mem>>)
    %add3A_8 = arith.constant 2 : i32
    %add3A_9 = arith.addi %mul3A_2, %add3A_8 : i32
    %dma_start3A_10 = arith.constant 0 : i32
    %dma_start3A_11 = tpu.memref_slice %arg3[%add3A_9, %dma_start3A_10] : memref<6400x128xi32, #tpu.memory_space<hbm>> -> memref<2x128xi32, #tpu.memory_space<hbm>>
    %dma_start3A_12 = arith.constant 0 : i32
    %dma_start3A_13 = tpu.memref_slice %arg3[%add3A_9, %dma_start3A_12] : memref<6400x128xi32, #tpu.memory_space<hbm>> -> memref<2x128xi32, #tpu.memory_space<hbm>>
    tpu.enqueue_dma source(%dma_start3A_13 : memref<2x128xi32, #tpu.memory_space<hbm>>) target(%arg6 : memref<2x128xi32, #tpu.memory_space<vmem>>) target_semaphore(%arg15 : memref<!tpu.dma_semaphore, #tpu.memory_space<semaphore_mem>>)
    %add3A_14 = arith.constant 4 : i32
    %add3A_15 = arith.addi %mul3A_2, %add3A_14 : i32
    %dma_start3A_16 = arith.constant 0 : i32
    %dma_start3A_17 = tpu.memref_slice %arg3[%add3A_15, %dma_start3A_16] : memref<6400x128xi32, #tpu.memory_space<hbm>> -> memref<2x128xi32, #tpu.memory_space<hbm>>
    %dma_start3A_18 = arith.constant 0 : i32
    %dma_start3A_19 = tpu.memref_slice %arg3[%add3A_15, %dma_start3A_18] : memref<6400x128xi32, #tpu.memory_space<hbm>> -> memref<2x128xi32, #tpu.memory_space<hbm>>
    tpu.enqueue_dma source(%dma_start3A_19 : memref<2x128xi32, #tpu.memory_space<hbm>>) target(%arg7 : memref<2x128xi32, #tpu.memory_space<vmem>>) target_semaphore(%arg15 : memref<!tpu.dma_semaphore, #tpu.memory_space<semaphore_mem>>)
    %dma_wait3A = arith.constant 0 : i32
    %dma_wait3A_20 = arith.constant 0 : i32
    %dma_wait3A_21 = tpu.memref_slice %arg3[%dma_wait3A, %dma_wait3A_20] : memref<6400x128xi32, #tpu.memory_space<hbm>> -> memref<2x128xi32, #tpu.memory_space<hbm>>
    %dma_wait3A_22 = arith.constant 0 : i32
    %dma_wait3A_23 = arith.constant 0 : i32
    %dma_wait3A_24 = tpu.memref_slice %arg3[%dma_wait3A_22, %dma_wait3A_23] : memref<6400x128xi32, #tpu.memory_space<hbm>> -> memref<2x128xi32, #tpu.memory_space<hbm>>
    tpu.wait_dma2 semaphore(%arg15 : memref<!tpu.dma_semaphore, #tpu.memory_space<semaphore_mem>>) src(%dma_wait3A_24 : memref<2x128xi32, #tpu.memory_space<hbm>>) dst(%arg5 : memref<2x128xi32, #tpu.memory_space<vmem>>)
    %dma_start3A_25 = arith.constant 0 : i32
    %dma_start3A_26 = arith.constant 0 : i32
    %dma_start3A_27 = arith.constant 0 : i32
    %dma_start3A_28 = tpu.memref_slice %arg9[%dma_start3A_26, %dma_start3A_27] : memref<256x64xf32, #tpu.memory_space<vmem>> -> memref<128x64xf32, #tpu.memory_space<vmem>>
    %dma_start3A_29 = arith.constant 0 : i32
    %dma_start3A_30 = tpu.memref_slice %arg5[%dma_start3A_25, %dma_start3A_29] : memref<2x128xi32, #tpu.memory_space<vmem>> -> memref<1x128xi32, #tpu.memory_space<vmem>>
    %dma_start3A_31 = tpu.memref_squeeze %dma_start3A_30 : memref<1x128xi32, #tpu.memory_space<vmem>> -> memref<128xi32, #tpu.memory_space<vmem>>
    %dma_start3A_32 = arith.constant 0 : i32
    %dma_start3A_33 = arith.constant 0 : i32
    %dma_start3A_34 = tpu.memref_slice %arg2[%dma_start3A_32, %dma_start3A_33] : memref<1000000x64xf32, #tpu.memory_space<hbm>> -> memref<1000000x64xf32, #tpu.memory_space<hbm>>
    tpu.enqueue_indirect_dma source(%dma_start3A_34 : memref<1000000x64xf32, #tpu.memory_space<hbm>>) target(%dma_start3A_28 : memref<128x64xf32, #tpu.memory_space<vmem>>) offsets(%dma_start3A_31 : memref<128xi32, #tpu.memory_space<vmem>>) semaphore(%arg13 : memref<!tpu.dma_semaphore, #tpu.memory_space<semaphore_mem>>)
    %dma_start3A_35 = arith.constant 1 : i32
    %dma_start3A_36 = arith.constant 128 : i32
    %dma_start3A_37 = arith.constant 0 : i32
    %dma_start3A_38 = tpu.memref_slice %arg9[%dma_start3A_36, %dma_start3A_37] : memref<256x64xf32, #tpu.memory_space<vmem>> -> memref<128x64xf32, #tpu.memory_space<vmem>>
    %dma_start3A_39 = arith.constant 0 : i32
    %dma_start3A_40 = tpu.memref_slice %arg5[%dma_start3A_35, %dma_start3A_39] : memref<2x128xi32, #tpu.memory_space<vmem>> -> memref<1x128xi32, #tpu.memory_space<vmem>>
    %dma_start3A_41 = tpu.memref_squeeze %dma_start3A_40 : memref<1x128xi32, #tpu.memory_space<vmem>> -> memref<128xi32, #tpu.memory_space<vmem>>
    %dma_start3A_42 = arith.constant 0 : i32
    %dma_start3A_43 = arith.constant 0 : i32
    %dma_start3A_44 = tpu.memref_slice %arg2[%dma_start3A_42, %dma_start3A_43] : memref<1000000x64xf32, #tpu.memory_space<hbm>> -> memref<1000000x64xf32, #tpu.memory_space<hbm>>
    tpu.enqueue_indirect_dma source(%dma_start3A_44 : memref<1000000x64xf32, #tpu.memory_space<hbm>>) target(%dma_start3A_38 : memref<128x64xf32, #tpu.memory_space<vmem>>) offsets(%dma_start3A_41 : memref<128xi32, #tpu.memory_space<vmem>>) semaphore(%arg13 : memref<!tpu.dma_semaphore, #tpu.memory_space<semaphore_mem>>)
    %dma_wait3A_45 = arith.constant 0 : i32
    %dma_wait3A_46 = arith.constant 0 : i32
    %dma_wait3A_47 = tpu.memref_slice %arg3[%dma_wait3A_45, %dma_wait3A_46] : memref<6400x128xi32, #tpu.memory_space<hbm>> -> memref<2x128xi32, #tpu.memory_space<hbm>>
    %dma_wait3A_48 = arith.constant 0 : i32
    %dma_wait3A_49 = arith.constant 0 : i32
    %dma_wait3A_50 = tpu.memref_slice %arg3[%dma_wait3A_48, %dma_wait3A_49] : memref<6400x128xi32, #tpu.memory_space<hbm>> -> memref<2x128xi32, #tpu.memory_space<hbm>>
    tpu.wait_dma2 semaphore(%arg15 : memref<!tpu.dma_semaphore, #tpu.memory_space<semaphore_mem>>) src(%dma_wait3A_50 : memref<2x128xi32, #tpu.memory_space<hbm>>) dst(%arg6 : memref<2x128xi32, #tpu.memory_space<vmem>>)
    %dma_start3A_51 = arith.constant 0 : i32
    %dma_start3A_52 = arith.constant 0 : i32
    %dma_start3A_53 = arith.constant 0 : i32
    %dma_start3A_54 = tpu.memref_slice %arg10[%dma_start3A_52, %dma_start3A_53] : memref<256x64xf32, #tpu.memory_space<vmem>> -> memref<128x64xf32, #tpu.memory_space<vmem>>
    %dma_start3A_55 = arith.constant 0 : i32
    %dma_start3A_56 = tpu.memref_slice %arg6[%dma_start3A_51, %dma_start3A_55] : memref<2x128xi32, #tpu.memory_space<vmem>> -> memref<1x128xi32, #tpu.memory_space<vmem>>
    %dma_start3A_57 = tpu.memref_squeeze %dma_start3A_56 : memref<1x128xi32, #tpu.memory_space<vmem>> -> memref<128xi32, #tpu.memory_space<vmem>>
    %dma_start3A_58 = arith.constant 0 : i32
    %dma_start3A_59 = arith.constant 0 : i32
    %dma_start3A_60 = tpu.memref_slice %arg2[%dma_start3A_58, %dma_start3A_59] : memref<1000000x64xf32, #tpu.memory_space<hbm>> -> memref<1000000x64xf32, #tpu.memory_space<hbm>>
    tpu.enqueue_indirect_dma source(%dma_start3A_60 : memref<1000000x64xf32, #tpu.memory_space<hbm>>) target(%dma_start3A_54 : memref<128x64xf32, #tpu.memory_space<vmem>>) offsets(%dma_start3A_57 : memref<128xi32, #tpu.memory_space<vmem>>) semaphore(%arg13 : memref<!tpu.dma_semaphore, #tpu.memory_space<semaphore_mem>>)
    %dma_start3A_61 = arith.constant 1 : i32
    %dma_start3A_62 = arith.constant 128 : i32
    %dma_start3A_63 = arith.constant 0 : i32
    %dma_start3A_64 = tpu.memref_slice %arg10[%dma_start3A_62, %dma_start3A_63] : memref<256x64xf32, #tpu.memory_space<vmem>> -> memref<128x64xf32, #tpu.memory_space<vmem>>
    %dma_start3A_65 = arith.constant 0 : i32
    %dma_start3A_66 = tpu.memref_slice %arg6[%dma_start3A_61, %dma_start3A_65] : memref<2x128xi32, #tpu.memory_space<vmem>> -> memref<1x128xi32, #tpu.memory_space<vmem>>
    %dma_start3A_67 = tpu.memref_squeeze %dma_start3A_66 : memref<1x128xi32, #tpu.memory_space<vmem>> -> memref<128xi32, #tpu.memory_space<vmem>>
    %dma_start3A_68 = arith.constant 0 : i32
    %dma_start3A_69 = arith.constant 0 : i32
    %dma_start3A_70 = tpu.memref_slice %arg2[%dma_start3A_68, %dma_start3A_69] : memref<1000000x64xf32, #tpu.memory_space<hbm>> -> memref<1000000x64xf32, #tpu.memory_space<hbm>>
    tpu.enqueue_indirect_dma source(%dma_start3A_70 : memref<1000000x64xf32, #tpu.memory_space<hbm>>) target(%dma_start3A_64 : memref<128x64xf32, #tpu.memory_space<vmem>>) offsets(%dma_start3A_67 : memref<128xi32, #tpu.memory_space<vmem>>) semaphore(%arg13 : memref<!tpu.dma_semaphore, #tpu.memory_space<semaphore_mem>>)
    %scan3A = arith.constant 0 : i32
    %scan3A_71 = arith.constant 0 : i32
    %scan3A_72 = arith.constant 25 : i32
    %scan3A_73 = arith.addi %scan3A_71, %scan3A_72 : i32
    %scan3A_74 = arith.constant 1 : i32
    scf.for %scan3A_100 = %scan3A_71 to %scan3A_73 step %scan3A_74  : i32 {
      %mul3A_101 = arith.constant 4 : i32
      %mul3A_102 = arith.muli %mul3A_101, %scan3A_100 : i32
      %add3A_103 = arith.constant 0 : i32
      %add3A_104 = arith.addi %mul3A_102, %add3A_103 : i32
      %add3A_105 = arith.constant 2 : i32
      %add3A_106 = arith.addi %add3A_104, %add3A_105 : i32
      %add3A_107 = arith.constant 3 : i32
      %add3A_108 = arith.addi %add3A_104, %add3A_107 : i32
      %lt3A = arith.constant 100 : i32
      %lt3A_109 = arith.cmpi slt, %add3A_108, %lt3A : i32
      %convert_element_type3A = arith.extui %lt3A_109 : i1 to i32
      %cond3A = arith.constant 0 : i32
      %cond3A_110 = arith.cmpi ne, %convert_element_type3A, %cond3A : i32
      scf.if %cond3A_110 {
        %add3A_310 = arith.constant 3 : i32
        %add3A_311 = arith.addi %add3A_104, %add3A_310 : i32
        %mul3A_312 = arith.constant 2 : i32
        %mul3A_313 = arith.muli %add3A_311, %mul3A_312 : i32
        %add3A_314 = arith.addi %mul3A_2, %mul3A_313 : i32
        %dma_start3A_315 = arith.constant 0 : i32
        %dma_start3A_316 = tpu.memref_slice %arg3[%add3A_314, %dma_start3A_315] : memref<6400x128xi32, #tpu.memory_space<hbm>> -> memref<2x128xi32, #tpu.memory_space<hbm>>
        %dma_start3A_317 = arith.constant 0 : i32
        %dma_start3A_318 = tpu.memref_slice %arg3[%add3A_314, %dma_start3A_317] : memref<6400x128xi32, #tpu.memory_space<hbm>> -> memref<2x128xi32, #tpu.memory_space<hbm>>
        tpu.enqueue_dma source(%dma_start3A_318 : memref<2x128xi32, #tpu.memory_space<hbm>>) target(%arg8 : memref<2x128xi32, #tpu.memory_space<vmem>>) target_semaphore(%arg15 : memref<!tpu.dma_semaphore, #tpu.memory_space<semaphore_mem>>)
      } else {
      }
      %lt3A_111 = arith.constant 100 : i32
      %lt3A_112 = arith.cmpi slt, %add3A_106, %lt3A_111 : i32
      %convert_element_type3A_113 = arith.extui %lt3A_112 : i1 to i32
      %cond3A_114 = arith.constant 0 : i32
      %cond3A_115 = arith.cmpi ne, %convert_element_type3A_113, %cond3A_114 : i32
      scf.if %cond3A_115 {
        %ge3A = arith.constant 2 : i32
        %ge3A_310 = arith.cmpi sge, %add3A_104, %ge3A : i32
        %convert_element_type3A_311 = arith.extui %ge3A_310 : i1 to i32
        %cond3A_312 = arith.constant 0 : i32
        %cond3A_313 = arith.cmpi ne, %convert_element_type3A_311, %cond3A_312 : i32
        scf.if %cond3A_313 {
          %dma_wait3A_340 = arith.constant 0 : i32
          %dma_wait3A_341 = arith.constant 0 : i32
          %dma_wait3A_342 = tpu.memref_slice %arg4[%dma_wait3A_340, %dma_wait3A_341] : memref<819200x64xf32, #tpu.memory_space<hbm>> -> memref<256x64xf32, #tpu.memory_space<hbm>>
          %dma_wait3A_343 = arith.constant 0 : i32
          %dma_wait3A_344 = arith.constant 0 : i32
          %dma_wait3A_345 = tpu.memref_slice %arg4[%dma_wait3A_343, %dma_wait3A_344] : memref<819200x64xf32, #tpu.memory_space<hbm>> -> memref<256x64xf32, #tpu.memory_space<hbm>>
          tpu.wait_dma2 semaphore(%arg14 : memref<!tpu.dma_semaphore, #tpu.memory_space<semaphore_mem>>) src(%arg11 : memref<256x64xf32, #tpu.memory_space<vmem>>) dst(%dma_wait3A_345 : memref<256x64xf32, #tpu.memory_space<hbm>>)
        } else {
        }
        %dma_wait3A_314 = arith.constant 0 : i32
        %dma_wait3A_315 = arith.constant 0 : i32
        %dma_wait3A_316 = tpu.memref_slice %arg3[%dma_wait3A_314, %dma_wait3A_315] : memref<6400x128xi32, #tpu.memory_space<hbm>> -> memref<2x128xi32, #tpu.memory_space<hbm>>
        %dma_wait3A_317 = arith.constant 0 : i32
        %dma_wait3A_318 = arith.constant 0 : i32
        %dma_wait3A_319 = tpu.memref_slice %arg3[%dma_wait3A_317, %dma_wait3A_318] : memref<6400x128xi32, #tpu.memory_space<hbm>> -> memref<2x128xi32, #tpu.memory_space<hbm>>
        tpu.wait_dma2 semaphore(%arg15 : memref<!tpu.dma_semaphore, #tpu.memory_space<semaphore_mem>>) src(%dma_wait3A_319 : memref<2x128xi32, #tpu.memory_space<hbm>>) dst(%arg7 : memref<2x128xi32, #tpu.memory_space<vmem>>)
        %dma_start3A_320 = arith.constant 0 : i32
        %dma_start3A_321 = arith.constant 0 : i32
        %dma_start3A_322 = arith.constant 0 : i32
        %dma_start3A_323 = tpu.memref_slice %arg11[%dma_start3A_321, %dma_start3A_322] : memref<256x64xf32, #tpu.memory_space<vmem>> -> memref<128x64xf32, #tpu.memory_space<vmem>>
        %dma_start3A_324 = arith.constant 0 : i32
        %dma_start3A_325 = tpu.memref_slice %arg7[%dma_start3A_320, %dma_start3A_324] : memref<2x128xi32, #tpu.memory_space<vmem>> -> memref<1x128xi32, #tpu.memory_space<vmem>>
        %dma_start3A_326 = tpu.memref_squeeze %dma_start3A_325 : memref<1x128xi32, #tpu.memory_space<vmem>> -> memref<128xi32, #tpu.memory_space<vmem>>
        %dma_start3A_327 = arith.constant 0 : i32
        %dma_start3A_328 = arith.constant 0 : i32
        %dma_start3A_329 = tpu.memref_slice %arg2[%dma_start3A_327, %dma_start3A_328] : memref<1000000x64xf32, #tpu.memory_space<hbm>> -> memref<1000000x64xf32, #tpu.memory_space<hbm>>
        tpu.enqueue_indirect_dma source(%dma_start3A_329 : memref<1000000x64xf32, #tpu.memory_space<hbm>>) target(%dma_start3A_323 : memref<128x64xf32, #tpu.memory_space<vmem>>) offsets(%dma_start3A_326 : memref<128xi32, #tpu.memory_space<vmem>>) semaphore(%arg13 : memref<!tpu.dma_semaphore, #tpu.memory_space<semaphore_mem>>)
        %dma_start3A_330 = arith.constant 1 : i32
        %dma_start3A_331 = arith.constant 128 : i32
        %dma_start3A_332 = arith.constant 0 : i32
        %dma_start3A_333 = tpu.memref_slice %arg11[%dma_start3A_331, %dma_start3A_332] : memref<256x64xf32, #tpu.memory_space<vmem>> -> memref<128x64xf32, #tpu.memory_space<vmem>>
        %dma_start3A_334 = arith.constant 0 : i32
        %dma_start3A_335 = tpu.memref_slice %arg7[%dma_start3A_330, %dma_start3A_334] : memref<2x128xi32, #tpu.memory_space<vmem>> -> memref<1x128xi32, #tpu.memory_space<vmem>>
        %dma_start3A_336 = tpu.memref_squeeze %dma_start3A_335 : memref<1x128xi32, #tpu.memory_space<vmem>> -> memref<128xi32, #tpu.memory_space<vmem>>
        %dma_start3A_337 = arith.constant 0 : i32
        %dma_start3A_338 = arith.constant 0 : i32
        %dma_start3A_339 = tpu.memref_slice %arg2[%dma_start3A_337, %dma_start3A_338] : memref<1000000x64xf32, #tpu.memory_space<hbm>> -> memref<1000000x64xf32, #tpu.memory_space<hbm>>
        tpu.enqueue_indirect_dma source(%dma_start3A_339 : memref<1000000x64xf32, #tpu.memory_space<hbm>>) target(%dma_start3A_333 : memref<128x64xf32, #tpu.memory_space<vmem>>) offsets(%dma_start3A_336 : memref<128xi32, #tpu.memory_space<vmem>>) semaphore(%arg13 : memref<!tpu.dma_semaphore, #tpu.memory_space<semaphore_mem>>)
      } else {
      }
      %dma_wait3A_116 = arith.constant 0 : i32
      %dma_wait3A_117 = arith.constant 0 : i32
      %dma_wait3A_118 = arith.constant 0 : i32
      %dma_wait3A_119 = tpu.memref_slice %arg9[%dma_wait3A_117, %dma_wait3A_118] : memref<256x64xf32, #tpu.memory_space<vmem>> -> memref<128x64xf32, #tpu.memory_space<vmem>>
      %dma_wait3A_120 = arith.constant 0 : i32
      %dma_wait3A_121 = tpu.memref_slice %arg5[%dma_wait3A_116, %dma_wait3A_120] : memref<2x128xi32, #tpu.memory_space<vmem>> -> memref<1x128xi32, #tpu.memory_space<vmem>>
      %dma_wait3A_122 = tpu.memref_squeeze %dma_wait3A_121 : memref<1x128xi32, #tpu.memory_space<vmem>> -> memref<128xi32, #tpu.memory_space<vmem>>
      %dma_wait3A_123 = arith.constant 0 : i32
      %dma_wait3A_124 = arith.constant 0 : i32
      %dma_wait3A_125 = tpu.memref_slice %arg2[%dma_wait3A_123, %dma_wait3A_124] : memref<1000000x64xf32, #tpu.memory_space<hbm>> -> memref<1000000x64xf32, #tpu.memory_space<hbm>>
      tpu.wait_indirect_dma semaphore(%arg13 : memref<!tpu.dma_semaphore, #tpu.memory_space<semaphore_mem>>) src(%dma_wait3A_125 : memref<1000000x64xf32, #tpu.memory_space<hbm>>) dst(%dma_wait3A_119 : memref<128x64xf32, #tpu.memory_space<vmem>>)
      %dma_wait3A_126 = arith.constant 1 : i32
      %dma_wait3A_127 = arith.constant 128 : i32
      %dma_wait3A_128 = arith.constant 0 : i32
      %dma_wait3A_129 = tpu.memref_slice %arg9[%dma_wait3A_127, %dma_wait3A_128] : memref<256x64xf32, #tpu.memory_space<vmem>> -> memref<128x64xf32, #tpu.memory_space<vmem>>
      %dma_wait3A_130 = arith.constant 0 : i32
      %dma_wait3A_131 = tpu.memref_slice %arg5[%dma_wait3A_126, %dma_wait3A_130] : memref<2x128xi32, #tpu.memory_space<vmem>> -> memref<1x128xi32, #tpu.memory_space<vmem>>
      %dma_wait3A_132 = tpu.memref_squeeze %dma_wait3A_131 : memref<1x128xi32, #tpu.memory_space<vmem>> -> memref<128xi32, #tpu.memory_space<vmem>>
      %dma_wait3A_133 = arith.constant 0 : i32
      %dma_wait3A_134 = arith.constant 0 : i32
      %dma_wait3A_135 = tpu.memref_slice %arg2[%dma_wait3A_133, %dma_wait3A_134] : memref<1000000x64xf32, #tpu.memory_space<hbm>> -> memref<1000000x64xf32, #tpu.memory_space<hbm>>
      tpu.wait_indirect_dma semaphore(%arg13 : memref<!tpu.dma_semaphore, #tpu.memory_space<semaphore_mem>>) src(%dma_wait3A_135 : memref<1000000x64xf32, #tpu.memory_space<hbm>>) dst(%dma_wait3A_129 : memref<128x64xf32, #tpu.memory_space<vmem>>)
      %scan3A_136 = arith.constant 0 : i32
      %scan3A_137 = arith.constant 0 : i32
      %scan3A_138 = arith.constant 32 : i32
      %scan3A_139 = arith.addi %scan3A_137, %scan3A_138 : i32
      %scan3A_140 = arith.constant 1 : i32
      scf.for %scan3A_310 = %scan3A_137 to %scan3A_139 step %scan3A_140  : i32 {
        %mul3A_311 = arith.constant 8 : i32
        %mul3A_312 = arith.muli %scan3A_310, %mul3A_311 : i32
        %add3A_313 = arith.constant 0 : i32
        %add3A_314 = arith.addi %mul3A_312, %add3A_313 : i32
        %get3A = arith.index_cast %add3A_314 : i32 to index
        %get3A_315 = arith.constant 0 : index
        %get3A_316 = tpu.vector_load %arg9[%get3A, %get3A_315] {strides = array<i32>} : memref<256x64xf32, #tpu.memory_space<vmem>>, vector<1x16xf32>,
        %get3A_317 = vector.shape_cast %get3A_316 : vector<1x16xf32> to vector<16xf32>
        %mul3A_318 = arith.constant 8.000000e+00 : f32
        %mul3A_319 = vector.broadcast %mul3A_318 : f32 to vector<16xf32>
        %mul3A_320 = arith.mulf %get3A_317, %mul3A_319 : vector<16xf32>
        %swap3A = arith.index_cast %add3A_314 : i32 to index
        %swap3A_321 = arith.constant 0 : index
        %swap3A_322 = tpu.vector_load %arg9[%swap3A, %swap3A_321] {strides = array<i32>} : memref<256x64xf32, #tpu.memory_space<vmem>>, vector<1x16xf32>,
        %swap3A_323 = vector.shape_cast %swap3A_322 : vector<1x16xf32> to vector<16xf32>
        %swap3A_324 = vector.shape_cast %mul3A_320 : vector<16xf32> to vector<1x16xf32>
        tpu.vector_store %arg9[%swap3A, %swap3A_321], %swap3A_324 {strides = array<i32>} : memref<256x64xf32, #tpu.memory_space<vmem>>, vector<1x16xf32>,
        %get3A_325 = arith.index_cast %add3A_314 : i32 to index
        %get3A_326 = arith.constant 16 : index
        %get3A_327 = tpu.vector_load %arg9[%get3A_325, %get3A_326] {strides = array<i32>} : memref<256x64xf32, #tpu.memory_space<vmem>>, vector<1x16xf32>,
        %get3A_328 = vector.shape_cast %get3A_327 : vector<1x16xf32> to vector<16xf32>
        %mul3A_329 = arith.constant 8.000000e+00 : f32
        %mul3A_330 = vector.broadcast %mul3A_329 : f32 to vector<16xf32>
        %mul3A_331 = arith.mulf %get3A_328, %mul3A_330 : vector<16xf32>
        %swap3A_332 = arith.index_cast %add3A_314 : i32 to index
        %swap3A_333 = arith.constant 16 : index
        %swap3A_334 = tpu.vector_load %arg9[%swap3A_332, %swap3A_333] {strides = array<i32>} : memref<256x64xf32, #tpu.memory_space<vmem>>, vector<1x16xf32>,
        %swap3A_335 = vector.shape_cast %swap3A_334 : vector<1x16xf32> to vector<16xf32>
        %swap3A_336 = vector.shape_cast %mul3A_331 : vector<16xf32> to vector<1x16xf32>
        tpu.vector_store %arg9[%swap3A_332, %swap3A_333], %swap3A_336 {strides = array<i32>} : memref<256x64xf32, #tpu.memory_space<vmem>>, vector<1x16xf32>,
        %get3A_337 = arith.index_cast %add3A_314 : i32 to index
        %get3A_338 = arith.constant 32 : index
        %get3A_339 = tpu.vector_load %arg9[%get3A_337, %get3A_338] {strides = array<i32>} : memref<256x64xf32, #tpu.memory_space<vmem>>, vector<1x16xf32>,
        %get3A_340 = vector.shape_cast %get3A_339 : vector<1x16xf32> to vector<16xf32>
        %mul3A_341 = arith.constant 8.000000e+00 : f32
        %mul3A_342 = vector.broadcast %mul3A_341 : f32 to vector<16xf32>
        %mul3A_343 = arith.mulf %get3A_340, %mul3A_342 : vector<16xf32>
        %swap3A_344 = arith.index_cast %add3A_314 : i32 to index
        %swap3A_345 = arith.constant 32 : index
        %swap3A_346 = tpu.vector_load %arg9[%swap3A_344, %swap3A_345] {strides = array<i32>} : memref<256x64xf32, #tpu.memory_space<vmem>>, vector<1x16xf32>,
        %swap3A_347 = vector.shape_cast %swap3A_346 : vector<1x16xf32> to vector<16xf32>
        %swap3A_348 = vector.shape_cast %mul3A_343 : vector<16xf32> to vector<1x16xf32>
        tpu.vector_store %arg9[%swap3A_344, %swap3A_345], %swap3A_348 {strides = array<i32>} : memref<256x64xf32, #tpu.memory_space<vmem>>, vector<1x16xf32>,
        %get3A_349 = arith.index_cast %add3A_314 : i32 to index
        %get3A_350 = arith.constant 48 : index
        %get3A_351 = tpu.vector_load %arg9[%get3A_349, %get3A_350] {strides = array<i32>} : memref<256x64xf32, #tpu.memory_space<vmem>>, vector<1x16xf32>,
        %get3A_352 = vector.shape_cast %get3A_351 : vector<1x16xf32> to vector<16xf32>
        %mul3A_353 = arith.constant 8.000000e+00 : f32
        %mul3A_354 = vector.broadcast %mul3A_353 : f32 to vector<16xf32>
        %mul3A_355 = arith.mulf %get3A_352, %mul3A_354 : vector<16xf32>
        %swap3A_356 = arith.index_cast %add3A_314 : i32 to index
        %swap3A_357 = arith.constant 48 : index
        %swap3A_358 = tpu.vector_load %arg9[%swap3A_356, %swap3A_357] {strides = array<i32>} : memref<256x64xf32, #tpu.memory_space<vmem>>, vector<1x16xf32>,
        %swap3A_359 = vector.shape_cast %swap3A_358 : vector<1x16xf32> to vector<16xf32>
        %swap3A_360 = vector.shape_cast %mul3A_355 : vector<16xf32> to vector<1x16xf32>
        tpu.vector_store %arg9[%swap3A_356, %swap3A_357], %swap3A_360 {strides = array<i32>} : memref<256x64xf32, #tpu.memory_space<vmem>>, vector<1x16xf32>,
        %mul3A_361 = arith.constant 8 : i32
        %mul3A_362 = arith.muli %scan3A_310, %mul3A_361 : i32
        %add3A_363 = arith.constant 1 : i32
        %add3A_364 = arith.addi %mul3A_362, %add3A_363 : i32
        %get3A_365 = arith.index_cast %add3A_364 : i32 to index
        %get3A_366 = arith.constant 0 : index
        %get3A_367 = tpu.vector_load %arg9[%get3A_365, %get3A_366] {strides = array<i32>} : memref<256x64xf32, #tpu.memory_space<vmem>>, vector<1x16xf32>,
        %get3A_368 = vector.shape_cast %get3A_367 : vector<1x16xf32> to vector<16xf32>
        %mul3A_369 = arith.constant 8.000000e+00 : f32
        %mul3A_370 = vector.broadcast %mul3A_369 : f32 to vector<16xf32>
        %mul3A_371 = arith.mulf %get3A_368, %mul3A_370 : vector<16xf32>
        %swap3A_372 = arith.index_cast %add3A_364 : i32 to index
        %swap3A_373 = arith.constant 0 : index
        %swap3A_374 = tpu.vector_load %arg9[%swap3A_372, %swap3A_373] {strides = array<i32>} : memref<256x64xf32, #tpu.memory_space<vmem>>, vector<1x16xf32>,
        %swap3A_375 = vector.shape_cast %swap3A_374 : vector<1x16xf32> to vector<16xf32>
        %swap3A_376 = vector.shape_cast %mul3A_371 : vector<16xf32> to vector<1x16xf32>
        tpu.vector_store %arg9[%swap3A_372, %swap3A_373], %swap3A_376 {strides = array<i32>} : memref<256x64xf32, #tpu.memory_space<vmem>>, vector<1x16xf32>,
        %get3A_377 = arith.index_cast %add3A_364 : i32 to index
        %get3A_378 = arith.constant 16 : index
        %get3A_379 = tpu.vector_load %arg9[%get3A_377, %get3A_378] {strides = array<i32>} : memref<256x64xf32, #tpu.memory_space<vmem>>, vector<1x16xf32>,
        %get3A_380 = vector.shape_cast %get3A_379 : vector<1x16xf32> to vector<16xf32>
        %mul3A_381 = arith.constant 8.000000e+00 : f32
        %mul3A_382 = vector.broadcast %mul3A_381 : f32 to vector<16xf32>
        %mul3A_383 = arith.mulf %get3A_380, %mul3A_382 : vector<16xf32>
        %swap3A_384 = arith.index_cast %add3A_364 : i32 to index
        %swap3A_385 = arith.constant 16 : index
        %swap3A_386 = tpu.vector_load %arg9[%swap3A_384, %swap3A_385] {strides = array<i32>} : memref<256x64xf32, #tpu.memory_space<vmem>>, vector<1x16xf32>,
        %swap3A_387 = vector.shape_cast %swap3A_386 : vector<1x16xf32> to vector<16xf32>
        %swap3A_388 = vector.shape_cast %mul3A_383 : vector<16xf32> to vector<1x16xf32>
        tpu.vector_store %arg9[%swap3A_384, %swap3A_385], %swap3A_388 {strides = array<i32>} : memref<256x64xf32, #tpu.memory_space<vmem>>, vector<1x16xf32>,
        %get3A_389 = arith.index_cast %add3A_364 : i32 to index
        %get3A_390 = arith.constant 32 : index
        %get3A_391 = tpu.vector_load %arg9[%get3A_389, %get3A_390] {strides = array<i32>} : memref<256x64xf32, #tpu.memory_space<vmem>>, vector<1x16xf32>,
        %get3A_392 = vector.shape_cast %get3A_391 : vector<1x16xf32> to vector<16xf32>
        %mul3A_393 = arith.constant 8.000000e+00 : f32
        %mul3A_394 = vector.broadcast %mul3A_393 : f32 to vector<16xf32>
        %mul3A_395 = arith.mulf %get3A_392, %mul3A_394 : vector<16xf32>
        %swap3A_396 = arith.index_cast %add3A_364 : i32 to index
        %swap3A_397 = arith.constant 32 : index
        %swap3A_398 = tpu.vector_load %arg9[%swap3A_396, %swap3A_397] {strides = array<i32>} : memref<256x64xf32, #tpu.memory_space<vmem>>, vector<1x16xf32>,
        %swap3A_399 = vector.shape_cast %swap3A_398 : vector<1x16xf32> to vector<16xf32>
        %swap3A_400 = vector.shape_cast %mul3A_395 : vector<16xf32> to vector<1x16xf32>
        tpu.vector_store %arg9[%swap3A_396, %swap3A_397], %swap3A_400 {strides = array<i32>} : memref<256x64xf32, #tpu.memory_space<vmem>>, vector<1x16xf32>,
        %get3A_401 = arith.index_cast %add3A_364 : i32 to index
        %get3A_402 = arith.constant 48 : index
        %get3A_403 = tpu.vector_load %arg9[%get3A_401, %get3A_402] {strides = array<i32>} : memref<256x64xf32, #tpu.memory_space<vmem>>, vector<1x16xf32>,
        %get3A_404 = vector.shape_cast %get3A_403 : vector<1x16xf32> to vector<16xf32>
        %mul3A_405 = arith.constant 8.000000e+00 : f32
        %mul3A_406 = vector.broadcast %mul3A_405 : f32 to vector<16xf32>
        %mul3A_407 = arith.mulf %get3A_404, %mul3A_406 : vector<16xf32>
        %swap3A_408 = arith.index_cast %add3A_364 : i32 to index
        %swap3A_409 = arith.constant 48 : index
        %swap3A_410 = tpu.vector_load %arg9[%swap3A_408, %swap3A_409] {strides = array<i32>} : memref<256x64xf32, #tpu.memory_space<vmem>>, vector<1x16xf32>,
        %swap3A_411 = vector.shape_cast %swap3A_410 : vector<1x16xf32> to vector<16xf32>
        %swap3A_412 = vector.shape_cast %mul3A_407 : vector<16xf32> to vector<1x16xf32>
        tpu.vector_store %arg9[%swap3A_408, %swap3A_409], %swap3A_412 {strides = array<i32>} : memref<256x64xf32, #tpu.memory_space<vmem>>, vector<1x16xf32>,
        %mul3A_413 = arith.constant 8 : i32
        %mul3A_414 = arith.muli %scan3A_310, %mul3A_413 : i32
        %add3A_415 = arith.constant 2 : i32
        %add3A_416 = arith.addi %mul3A_414, %add3A_415 : i32
        %get3A_417 = arith.index_cast %add3A_416 : i32 to index
        %get3A_418 = arith.constant 0 : index
        %get3A_419 = tpu.vector_load %arg9[%get3A_417, %get3A_418] {strides = array<i32>} : memref<256x64xf32, #tpu.memory_space<vmem>>, vector<1x16xf32>,
        %get3A_420 = vector.shape_cast %get3A_419 : vector<1x16xf32> to vector<16xf32>
        %mul3A_421 = arith.constant 8.000000e+00 : f32
        %mul3A_422 = vector.broadcast %mul3A_421 : f32 to vector<16xf32>
        %mul3A_423 = arith.mulf %get3A_420, %mul3A_422 : vector<16xf32>
        %swap3A_424 = arith.index_cast %add3A_416 : i32 to index
        %swap3A_425 = arith.constant 0 : index
        %swap3A_426 = tpu.vector_load %arg9[%swap3A_424, %swap3A_425] {strides = array<i32>} : memref<256x64xf32, #tpu.memory_space<vmem>>, vector<1x16xf32>,
        %swap3A_427 = vector.shape_cast %swap3A_426 : vector<1x16xf32> to vector<16xf32>
        %swap3A_428 = vector.shape_cast %mul3A_423 : vector<16xf32> to vector<1x16xf32>
        tpu.vector_store %arg9[%swap3A_424, %swap3A_425], %swap3A_428 {strides = array<i32>} : memref<256x64xf32, #tpu.memory_space<vmem>>, vector<1x16xf32>,
        %get3A_429 = arith.index_cast %add3A_416 : i32 to index
        %get3A_430 = arith.constant 16 : index
        %get3A_431 = tpu.vector_load %arg9[%get3A_429, %get3A_430] {strides = array<i32>} : memref<256x64xf32, #tpu.memory_space<vmem>>, vector<1x16xf32>,
        %get3A_432 = vector.shape_cast %get3A_431 : vector<1x16xf32> to vector<16xf32>
        %mul3A_433 = arith.constant 8.000000e+00 : f32
        %mul3A_434 = vector.broadcast %mul3A_433 : f32 to vector<16xf32>
        %mul3A_435 = arith.mulf %get3A_432, %mul3A_434 : vector<16xf32>
        %swap3A_436 = arith.index_cast %add3A_416 : i32 to index
        %swap3A_437 = arith.constant 16 : index
        %swap3A_438 = tpu.vector_load %arg9[%swap3A_436, %swap3A_437] {strides = array<i32>} : memref<256x64xf32, #tpu.memory_space<vmem>>, vector<1x16xf32>,
        %swap3A_439 = vector.shape_cast %swap3A_438 : vector<1x16xf32> to vector<16xf32>
        %swap3A_440 = vector.shape_cast %mul3A_435 : vector<16xf32> to vector<1x16xf32>
        tpu.vector_store %arg9[%swap3A_436, %swap3A_437], %swap3A_440 {strides = array<i32>} : memref<256x64xf32, #tpu.memory_space<vmem>>, vector<1x16xf32>,
        %get3A_441 = arith.index_cast %add3A_416 : i32 to index
        %get3A_442 = arith.constant 32 : index
        %get3A_443 = tpu.vector_load %arg9[%get3A_441, %get3A_442] {strides = array<i32>} : memref<256x64xf32, #tpu.memory_space<vmem>>, vector<1x16xf32>,
        %get3A_444 = vector.shape_cast %get3A_443 : vector<1x16xf32> to vector<16xf32>
        %mul3A_445 = arith.constant 8.000000e+00 : f32
        %mul3A_446 = vector.broadcast %mul3A_445 : f32 to vector<16xf32>
        %mul3A_447 = arith.mulf %get3A_444, %mul3A_446 : vector<16xf32>
        %swap3A_448 = arith.index_cast %add3A_416 : i32 to index
        %swap3A_449 = arith.constant 32 : index
        %swap3A_450 = tpu.vector_load %arg9[%swap3A_448, %swap3A_449] {strides = array<i32>} : memref<256x64xf32, #tpu.memory_space<vmem>>, vector<1x16xf32>,
        %swap3A_451 = vector.shape_cast %swap3A_450 : vector<1x16xf32> to vector<16xf32>
        %swap3A_452 = vector.shape_cast %mul3A_447 : vector<16xf32> to vector<1x16xf32>
        tpu.vector_store %arg9[%swap3A_448, %swap3A_449], %swap3A_452 {strides = array<i32>} : memref<256x64xf32, #tpu.memory_space<vmem>>, vector<1x16xf32>,
        %get3A_453 = arith.index_cast %add3A_416 : i32 to index
        %get3A_454 = arith.constant 48 : index
        %get3A_455 = tpu.vector_load %arg9[%get3A_453, %get3A_454] {strides = array<i32>} : memref<256x64xf32, #tpu.memory_space<vmem>>, vector<1x16xf32>,
        %get3A_456 = vector.shape_cast %get3A_455 : vector<1x16xf32> to vector<16xf32>
        %mul3A_457 = arith.constant 8.000000e+00 : f32
        %mul3A_458 = vector.broadcast %mul3A_457 : f32 to vector<16xf32>
        %mul3A_459 = arith.mulf %get3A_456, %mul3A_458 : vector<16xf32>
        %swap3A_460 = arith.index_cast %add3A_416 : i32 to index
        %swap3A_461 = arith.constant 48 : index
        %swap3A_462 = tpu.vector_load %arg9[%swap3A_460, %swap3A_461] {strides = array<i32>} : memref<256x64xf32, #tpu.memory_space<vmem>>, vector<1x16xf32>,
        %swap3A_463 = vector.shape_cast %swap3A_462 : vector<1x16xf32> to vector<16xf32>
        %swap3A_464 = vector.shape_cast %mul3A_459 : vector<16xf32> to vector<1x16xf32>
        tpu.vector_store %arg9[%swap3A_460, %swap3A_461], %swap3A_464 {strides = array<i32>} : memref<256x64xf32, #tpu.memory_space<vmem>>, vector<1x16xf32>,
        %mul3A_465 = arith.constant 8 : i32
        %mul3A_466 = arith.muli %scan3A_310, %mul3A_465 : i32
        %add3A_467 = arith.constant 3 : i32
        %add3A_468 = arith.addi %mul3A_466, %add3A_467 : i32
        %get3A_469 = arith.index_cast %add3A_468 : i32 to index
        %get3A_470 = arith.constant 0 : index
        %get3A_471 = tpu.vector_load %arg9[%get3A_469, %get3A_470] {strides = array<i32>} : memref<256x64xf32, #tpu.memory_space<vmem>>, vector<1x16xf32>,
        %get3A_472 = vector.shape_cast %get3A_471 : vector<1x16xf32> to vector<16xf32>
        %mul3A_473 = arith.constant 8.000000e+00 : f32
        %mul3A_474 = vector.broadcast %mul3A_473 : f32 to vector<16xf32>
        %mul3A_475 = arith.mulf %get3A_472, %mul3A_474 : vector<16xf32>
        %swap3A_476 = arith.index_cast %add3A_468 : i32 to index
        %swap3A_477 = arith.constant 0 : index
        %swap3A_478 = tpu.vector_load %arg9[%swap3A_476, %swap3A_477] {strides = array<i32>} : memref<256x64xf32, #tpu.memory_space<vmem>>, vector<1x16xf32>,
        %swap3A_479 = vector.shape_cast %swap3A_478 : vector<1x16xf32> to vector<16xf32>
        %swap3A_480 = vector.shape_cast %mul3A_475 : vector<16xf32> to vector<1x16xf32>
        tpu.vector_store %arg9[%swap3A_476, %swap3A_477], %swap3A_480 {strides = array<i32>} : memref<256x64xf32, #tpu.memory_space<vmem>>, vector<1x16xf32>,
        %get3A_481 = arith.index_cast %add3A_468 : i32 to index
        %get3A_482 = arith.constant 16 : index
        %get3A_483 = tpu.vector_load %arg9[%get3A_481, %get3A_482] {strides = array<i32>} : memref<256x64xf32, #tpu.memory_space<vmem>>, vector<1x16xf32>,
        %get3A_484 = vector.shape_cast %get3A_483 : vector<1x16xf32> to vector<16xf32>
        %mul3A_485 = arith.constant 8.000000e+00 : f32
        %mul3A_486 = vector.broadcast %mul3A_485 : f32 to vector<16xf32>
        %mul3A_487 = arith.mulf %get3A_484, %mul3A_486 : vector<16xf32>
        %swap3A_488 = arith.index_cast %add3A_468 : i32 to index
        %swap3A_489 = arith.constant 16 : index
        %swap3A_490 = tpu.vector_load %arg9[%swap3A_488, %swap3A_489] {strides = array<i32>} : memref<256x64xf32, #tpu.memory_space<vmem>>, vector<1x16xf32>,
        %swap3A_491 = vector.shape_cast %swap3A_490 : vector<1x16xf32> to vector<16xf32>
        %swap3A_492 = vector.shape_cast %mul3A_487 : vector<16xf32> to vector<1x16xf32>
        tpu.vector_store %arg9[%swap3A_488, %swap3A_489], %swap3A_492 {strides = array<i32>} : memref<256x64xf32, #tpu.memory_space<vmem>>, vector<1x16xf32>,
        %get3A_493 = arith.index_cast %add3A_468 : i32 to index
        %get3A_494 = arith.constant 32 : index
        %get3A_495 = tpu.vector_load %arg9[%get3A_493, %get3A_494] {strides = array<i32>} : memref<256x64xf32, #tpu.memory_space<vmem>>, vector<1x16xf32>,
        %get3A_496 = vector.shape_cast %get3A_495 : vector<1x16xf32> to vector<16xf32>
        %mul3A_497 = arith.constant 8.000000e+00 : f32
        %mul3A_498 = vector.broadcast %mul3A_497 : f32 to vector<16xf32>
        %mul3A_499 = arith.mulf %get3A_496, %mul3A_498 : vector<16xf32>
        %swap3A_500 = arith.index_cast %add3A_468 : i32 to index
        %swap3A_501 = arith.constant 32 : index
        %swap3A_502 = tpu.vector_load %arg9[%swap3A_500, %swap3A_501] {strides = array<i32>} : memref<256x64xf32, #tpu.memory_space<vmem>>, vector<1x16xf32>,
        %swap3A_503 = vector.shape_cast %swap3A_502 : vector<1x16xf32> to vector<16xf32>
        %swap3A_504 = vector.shape_cast %mul3A_499 : vector<16xf32> to vector<1x16xf32>
        tpu.vector_store %arg9[%swap3A_500, %swap3A_501], %swap3A_504 {strides = array<i32>} : memref<256x64xf32, #tpu.memory_space<vmem>>, vector<1x16xf32>,
        %get3A_505 = arith.index_cast %add3A_468 : i32 to index
        %get3A_506 = arith.constant 48 : index
        %get3A_507 = tpu.vector_load %arg9[%get3A_505, %get3A_506] {strides = array<i32>} : memref<256x64xf32, #tpu.memory_space<vmem>>, vector<1x16xf32>,
        %get3A_508 = vector.shape_cast %get3A_507 : vector<1x16xf32> to vector<16xf32>
        %mul3A_509 = arith.constant 8.000000e+00 : f32
        %mul3A_510 = vector.broadcast %mul3A_509 : f32 to vector<16xf32>
        %mul3A_511 = arith.mulf %get3A_508, %mul3A_510 : vector<16xf32>
        %swap3A_512 = arith.index_cast %add3A_468 : i32 to index
        %swap3A_513 = arith.constant 48 : index
        %swap3A_514 = tpu.vector_load %arg9[%swap3A_512, %swap3A_513] {strides = array<i32>} : memref<256x64xf32, #tpu.memory_space<vmem>>, vector<1x16xf32>,
        %swap3A_515 = vector.shape_cast %swap3A_514 : vector<1x16xf32> to vector<16xf32>
        %swap3A_516 = vector.shape_cast %mul3A_511 : vector<16xf32> to vector<1x16xf32>
        tpu.vector_store %arg9[%swap3A_512, %swap3A_513], %swap3A_516 {strides = array<i32>} : memref<256x64xf32, #tpu.memory_space<vmem>>, vector<1x16xf32>,
        %mul3A_517 = arith.constant 8 : i32
        %mul3A_518 = arith.muli %scan3A_310, %mul3A_517 : i32
        %add3A_519 = arith.constant 4 : i32
        %add3A_520 = arith.addi %mul3A_518, %add3A_519 : i32
        %get3A_521 = arith.index_cast %add3A_520 : i32 to index
        %get3A_522 = arith.constant 0 : index
        %get3A_523 = tpu.vector_load %arg9[%get3A_521, %get3A_522] {strides = array<i32>} : memref<256x64xf32, #tpu.memory_space<vmem>>, vector<1x16xf32>,
        %get3A_524 = vector.shape_cast %get3A_523 : vector<1x16xf32> to vector<16xf32>
        %mul3A_525 = arith.constant 8.000000e+00 : f32
        %mul3A_526 = vector.broadcast %mul3A_525 : f32 to vector<16xf32>
        %mul3A_527 = arith.mulf %get3A_524, %mul3A_526 : vector<16xf32>
        %swap3A_528 = arith.index_cast %add3A_520 : i32 to index
        %swap3A_529 = arith.constant 0 : index
        %swap3A_530 = tpu.vector_load %arg9[%swap3A_528, %swap3A_529] {strides = array<i32>} : memref<256x64xf32, #tpu.memory_space<vmem>>, vector<1x16xf32>,
        %swap3A_531 = vector.shape_cast %swap3A_530 : vector<1x16xf32> to vector<16xf32>
        %swap3A_532 = vector.shape_cast %mul3A_527 : vector<16xf32> to vector<1x16xf32>
        tpu.vector_store %arg9[%swap3A_528, %swap3A_529], %swap3A_532 {strides = array<i32>} : memref<256x64xf32, #tpu.memory_space<vmem>>, vector<1x16xf32>,
        %get3A_533 = arith.index_cast %add3A_520 : i32 to index
        %get3A_534 = arith.constant 16 : index
        %get3A_535 = tpu.vector_load %arg9[%get3A_533, %get3A_534] {strides = array<i32>} : memref<256x64xf32, #tpu.memory_space<vmem>>, vector<1x16xf32>,
        %get3A_536 = vector.shape_cast %get3A_535 : vector<1x16xf32> to vector<16xf32>
        %mul3A_537 = arith.constant 8.000000e+00 : f32
        %mul3A_538 = vector.broadcast %mul3A_537 : f32 to vector<16xf32>
        %mul3A_539 = arith.mulf %get3A_536, %mul3A_538 : vector<16xf32>
        %swap3A_540 = arith.index_cast %add3A_520 : i32 to index
        %swap3A_541 = arith.constant 16 : index
        %swap3A_542 = tpu.vector_load %arg9[%swap3A_540, %swap3A_541] {strides = array<i32>} : memref<256x64xf32, #tpu.memory_space<vmem>>, vector<1x16xf32>,
        %swap3A_543 = vector.shape_cast %swap3A_542 : vector<1x16xf32> to vector<16xf32>
        %swap3A_544 = vector.shape_cast %mul3A_539 : vector<16xf32> to vector<1x16xf32>
        tpu.vector_store %arg9[%swap3A_540, %swap3A_541], %swap3A_544 {strides = array<i32>} : memref<256x64xf32, #tpu.memory_space<vmem>>, vector<1x16xf32>,
        %get3A_545 = arith.index_cast %add3A_520 : i32 to index
        %get3A_546 = arith.constant 32 : index
        %get3A_547 = tpu.vector_load %arg9[%get3A_545, %get3A_546] {strides = array<i32>} : memref<256x64xf32, #tpu.memory_space<vmem>>, vector<1x16xf32>,
        %get3A_548 = vector.shape_cast %get3A_547 : vector<1x16xf32> to vector<16xf32>
        %mul3A_549 = arith.constant 8.000000e+00 : f32
        %mul3A_550 = vector.broadcast %mul3A_549 : f32 to vector<16xf32>
        %mul3A_551 = arith.mulf %get3A_548, %mul3A_550 : vector<16xf32>
        %swap3A_552 = arith.index_cast %add3A_520 : i32 to index
        %swap3A_553 = arith.constant 32 : index
        %swap3A_554 = tpu.vector_load %arg9[%swap3A_552, %swap3A_553] {strides = array<i32>} : memref<256x64xf32, #tpu.memory_space<vmem>>, vector<1x16xf32>,
        %swap3A_555 = vector.shape_cast %swap3A_554 : vector<1x16xf32> to vector<16xf32>
        %swap3A_556 = vector.shape_cast %mul3A_551 : vector<16xf32> to vector<1x16xf32>
        tpu.vector_store %arg9[%swap3A_552, %swap3A_553], %swap3A_556 {strides = array<i32>} : memref<256x64xf32, #tpu.memory_space<vmem>>, vector<1x16xf32>,
        %get3A_557 = arith.index_cast %add3A_520 : i32 to index
        %get3A_558 = arith.constant 48 : index
        %get3A_559 = tpu.vector_load %arg9[%get3A_557, %get3A_558] {strides = array<i32>} : memref<256x64xf32, #tpu.memory_space<vmem>>, vector<1x16xf32>,
        %get3A_560 = vector.shape_cast %get3A_559 : vector<1x16xf32> to vector<16xf32>
        %mul3A_561 = arith.constant 8.000000e+00 : f32
        %mul3A_562 = vector.broadcast %mul3A_561 : f32 to vector<16xf32>
        %mul3A_563 = arith.mulf %get3A_560, %mul3A_562 : vector<16xf32>
        %swap3A_564 = arith.index_cast %add3A_520 : i32 to index
        %swap3A_565 = arith.constant 48 : index
        %swap3A_566 = tpu.vector_load %arg9[%swap3A_564, %swap3A_565] {strides = array<i32>} : memref<256x64xf32, #tpu.memory_space<vmem>>, vector<1x16xf32>,
        %swap3A_567 = vector.shape_cast %swap3A_566 : vector<1x16xf32> to vector<16xf32>
        %swap3A_568 = vector.shape_cast %mul3A_563 : vector<16xf32> to vector<1x16xf32>
        tpu.vector_store %arg9[%swap3A_564, %swap3A_565], %swap3A_568 {strides = array<i32>} : memref<256x64xf32, #tpu.memory_space<vmem>>, vector<1x16xf32>,
        %mul3A_569 = arith.constant 8 : i32
        %mul3A_570 = arith.muli %scan3A_310, %mul3A_569 : i32
        %add3A_571 = arith.constant 5 : i32
        %add3A_572 = arith.addi %mul3A_570, %add3A_571 : i32
        %get3A_573 = arith.index_cast %add3A_572 : i32 to index
        %get3A_574 = arith.constant 0 : index
        %get3A_575 = tpu.vector_load %arg9[%get3A_573, %get3A_574] {strides = array<i32>} : memref<256x64xf32, #tpu.memory_space<vmem>>, vector<1x16xf32>,
        %get3A_576 = vector.shape_cast %get3A_575 : vector<1x16xf32> to vector<16xf32>
        %mul3A_577 = arith.constant 8.000000e+00 : f32
        %mul3A_578 = vector.broadcast %mul3A_577 : f32 to vector<16xf32>
        %mul3A_579 = arith.mulf %get3A_576, %mul3A_578 : vector<16xf32>
        %swap3A_580 = arith.index_cast %add3A_572 : i32 to index
        %swap3A_581 = arith.constant 0 : index
        %swap3A_582 = tpu.vector_load %arg9[%swap3A_580, %swap3A_581] {strides = array<i32>} : memref<256x64xf32, #tpu.memory_space<vmem>>, vector<1x16xf32>,
        %swap3A_583 = vector.shape_cast %swap3A_582 : vector<1x16xf32> to vector<16xf32>
        %swap3A_584 = vector.shape_cast %mul3A_579 : vector<16xf32> to vector<1x16xf32>
        tpu.vector_store %arg9[%swap3A_580, %swap3A_581], %swap3A_584 {strides = array<i32>} : memref<256x64xf32, #tpu.memory_space<vmem>>, vector<1x16xf32>,
        %get3A_585 = arith.index_cast %add3A_572 : i32 to index
        %get3A_586 = arith.constant 16 : index
        %get3A_587 = tpu.vector_load %arg9[%get3A_585, %get3A_586] {strides = array<i32>} : memref<256x64xf32, #tpu.memory_space<vmem>>, vector<1x16xf32>,
        %get3A_588 = vector.shape_cast %get3A_587 : vector<1x16xf32> to vector<16xf32>
        %mul3A_589 = arith.constant 8.000000e+00 : f32
        %mul3A_590 = vector.broadcast %mul3A_589 : f32 to vector<16xf32>
        %mul3A_591 = arith.mulf %get3A_588, %mul3A_590 : vector<16xf32>
        %swap3A_592 = arith.index_cast %add3A_572 : i32 to index
        %swap3A_593 = arith.constant 16 : index
        %swap3A_594 = tpu.vector_load %arg9[%swap3A_592, %swap3A_593] {strides = array<i32>} : memref<256x64xf32, #tpu.memory_space<vmem>>, vector<1x16xf32>,
        %swap3A_595 = vector.shape_cast %swap3A_594 : vector<1x16xf32> to vector<16xf32>
        %swap3A_596 = vector.shape_cast %mul3A_591 : vector<16xf32> to vector<1x16xf32>
        tpu.vector_store %arg9[%swap3A_592, %swap3A_593], %swap3A_596 {strides = array<i32>} : memref<256x64xf32, #tpu.memory_space<vmem>>, vector<1x16xf32>,
        %get3A_597 = arith.index_cast %add3A_572 : i32 to index
        %get3A_598 = arith.constant 32 : index
        %get3A_599 = tpu.vector_load %arg9[%get3A_597, %get3A_598] {strides = array<i32>} : memref<256x64xf32, #tpu.memory_space<vmem>>, vector<1x16xf32>,
        %get3A_600 = vector.shape_cast %get3A_599 : vector<1x16xf32> to vector<16xf32>
        %mul3A_601 = arith.constant 8.000000e+00 : f32
        %mul3A_602 = vector.broadcast %mul3A_601 : f32 to vector<16xf32>
        %mul3A_603 = arith.mulf %get3A_600, %mul3A_602 : vector<16xf32>
        %swap3A_604 = arith.index_cast %add3A_572 : i32 to index
        %swap3A_605 = arith.constant 32 : index
        %swap3A_606 = tpu.vector_load %arg9[%swap3A_604, %swap3A_605] {strides = array<i32>} : memref<256x64xf32, #tpu.memory_space<vmem>>, vector<1x16xf32>,
        %swap3A_607 = vector.shape_cast %swap3A_606 : vector<1x16xf32> to vector<16xf32>
        %swap3A_608 = vector.shape_cast %mul3A_603 : vector<16xf32> to vector<1x16xf32>
        tpu.vector_store %arg9[%swap3A_604, %swap3A_605], %swap3A_608 {strides = array<i32>} : memref<256x64xf32, #tpu.memory_space<vmem>>, vector<1x16xf32>,
        %get3A_609 = arith.index_cast %add3A_572 : i32 to index
        %get3A_610 = arith.constant 48 : index
        %get3A_611 = tpu.vector_load %arg9[%get3A_609, %get3A_610] {strides = array<i32>} : memref<256x64xf32, #tpu.memory_space<vmem>>, vector<1x16xf32>,
        %get3A_612 = vector.shape_cast %get3A_611 : vector<1x16xf32> to vector<16xf32>
        %mul3A_613 = arith.constant 8.000000e+00 : f32
        %mul3A_614 = vector.broadcast %mul3A_613 : f32 to vector<16xf32>
        %mul3A_615 = arith.mulf %get3A_612, %mul3A_614 : vector<16xf32>
        %swap3A_616 = arith.index_cast %add3A_572 : i32 to index
        %swap3A_617 = arith.constant 48 : index
        %swap3A_618 = tpu.vector_load %arg9[%swap3A_616, %swap3A_617] {strides = array<i32>} : memref<256x64xf32, #tpu.memory_space<vmem>>, vector<1x16xf32>,
        %swap3A_619 = vector.shape_cast %swap3A_618 : vector<1x16xf32> to vector<16xf32>
        %swap3A_620 = vector.shape_cast %mul3A_615 : vector<16xf32> to vector<1x16xf32>
        tpu.vector_store %arg9[%swap3A_616, %swap3A_617], %swap3A_620 {strides = array<i32>} : memref<256x64xf32, #tpu.memory_space<vmem>>, vector<1x16xf32>,
        %mul3A_621 = arith.constant 8 : i32
        %mul3A_622 = arith.muli %scan3A_310, %mul3A_621 : i32
        %add3A_623 = arith.constant 6 : i32
        %add3A_624 = arith.addi %mul3A_622, %add3A_623 : i32
        %get3A_625 = arith.index_cast %add3A_624 : i32 to index
        %get3A_626 = arith.constant 0 : index
        %get3A_627 = tpu.vector_load %arg9[%get3A_625, %get3A_626] {strides = array<i32>} : memref<256x64xf32, #tpu.memory_space<vmem>>, vector<1x16xf32>,
        %get3A_628 = vector.shape_cast %get3A_627 : vector<1x16xf32> to vector<16xf32>
        %mul3A_629 = arith.constant 8.000000e+00 : f32
        %mul3A_630 = vector.broadcast %mul3A_629 : f32 to vector<16xf32>
        %mul3A_631 = arith.mulf %get3A_628, %mul3A_630 : vector<16xf32>
        %swap3A_632 = arith.index_cast %add3A_624 : i32 to index
        %swap3A_633 = arith.constant 0 : index
        %swap3A_634 = tpu.vector_load %arg9[%swap3A_632, %swap3A_633] {strides = array<i32>} : memref<256x64xf32, #tpu.memory_space<vmem>>, vector<1x16xf32>,
        %swap3A_635 = vector.shape_cast %swap3A_634 : vector<1x16xf32> to vector<16xf32>
        %swap3A_636 = vector.shape_cast %mul3A_631 : vector<16xf32> to vector<1x16xf32>
        tpu.vector_store %arg9[%swap3A_632, %swap3A_633], %swap3A_636 {strides = array<i32>} : memref<256x64xf32, #tpu.memory_space<vmem>>, vector<1x16xf32>,
        %get3A_637 = arith.index_cast %add3A_624 : i32 to index
        %get3A_638 = arith.constant 16 : index
        %get3A_639 = tpu.vector_load %arg9[%get3A_637, %get3A_638] {strides = array<i32>} : memref<256x64xf32, #tpu.memory_space<vmem>>, vector<1x16xf32>,
        %get3A_640 = vector.shape_cast %get3A_639 : vector<1x16xf32> to vector<16xf32>
        %mul3A_641 = arith.constant 8.000000e+00 : f32
        %mul3A_642 = vector.broadcast %mul3A_641 : f32 to vector<16xf32>
        %mul3A_643 = arith.mulf %get3A_640, %mul3A_642 : vector<16xf32>
        %swap3A_644 = arith.index_cast %add3A_624 : i32 to index
        %swap3A_645 = arith.constant 16 : index
        %swap3A_646 = tpu.vector_load %arg9[%swap3A_644, %swap3A_645] {strides = array<i32>} : memref<256x64xf32, #tpu.memory_space<vmem>>, vector<1x16xf32>,
        %swap3A_647 = vector.shape_cast %swap3A_646 : vector<1x16xf32> to vector<16xf32>
        %swap3A_648 = vector.shape_cast %mul3A_643 : vector<16xf32> to vector<1x16xf32>
        tpu.vector_store %arg9[%swap3A_644, %swap3A_645], %swap3A_648 {strides = array<i32>} : memref<256x64xf32, #tpu.memory_space<vmem>>, vector<1x16xf32>,
        %get3A_649 = arith.index_cast %add3A_624 : i32 to index
        %get3A_650 = arith.constant 32 : index
        %get3A_651 = tpu.vector_load %arg9[%get3A_649, %get3A_650] {strides = array<i32>} : memref<256x64xf32, #tpu.memory_space<vmem>>, vector<1x16xf32>,
        %get3A_652 = vector.shape_cast %get3A_651 : vector<1x16xf32> to vector<16xf32>
        %mul3A_653 = arith.constant 8.000000e+00 : f32
        %mul3A_654 = vector.broadcast %mul3A_653 : f32 to vector<16xf32>
        %mul3A_655 = arith.mulf %get3A_652, %mul3A_654 : vector<16xf32>
        %swap3A_656 = arith.index_cast %add3A_624 : i32 to index
        %swap3A_657 = arith.constant 32 : index
        %swap3A_658 = tpu.vector_load %arg9[%swap3A_656, %swap3A_657] {strides = array<i32>} : memref<256x64xf32, #tpu.memory_space<vmem>>, vector<1x16xf32>,
        %swap3A_659 = vector.shape_cast %swap3A_658 : vector<1x16xf32> to vector<16xf32>
        %swap3A_660 = vector.shape_cast %mul3A_655 : vector<16xf32> to vector<1x16xf32>
        tpu.vector_store %arg9[%swap3A_656, %swap3A_657], %swap3A_660 {strides = array<i32>} : memref<256x64xf32, #tpu.memory_space<vmem>>, vector<1x16xf32>,
        %get3A_661 = arith.index_cast %add3A_624 : i32 to index
        %get3A_662 = arith.constant 48 : index
        %get3A_663 = tpu.vector_load %arg9[%get3A_661, %get3A_662] {strides = array<i32>} : memref<256x64xf32, #tpu.memory_space<vmem>>, vector<1x16xf32>,
        %get3A_664 = vector.shape_cast %get3A_663 : vector<1x16xf32> to vector<16xf32>
        %mul3A_665 = arith.constant 8.000000e+00 : f32
        %mul3A_666 = vector.broadcast %mul3A_665 : f32 to vector<16xf32>
        %mul3A_667 = arith.mulf %get3A_664, %mul3A_666 : vector<16xf32>
        %swap3A_668 = arith.index_cast %add3A_624 : i32 to index
        %swap3A_669 = arith.constant 48 : index
        %swap3A_670 = tpu.vector_load %arg9[%swap3A_668, %swap3A_669] {strides = array<i32>} : memref<256x64xf32, #tpu.memory_space<vmem>>, vector<1x16xf32>,
        %swap3A_671 = vector.shape_cast %swap3A_670 : vector<1x16xf32> to vector<16xf32>
        %swap3A_672 = vector.shape_cast %mul3A_667 : vector<16xf32> to vector<1x16xf32>
        tpu.vector_store %arg9[%swap3A_668, %swap3A_669], %swap3A_672 {strides = array<i32>} : memref<256x64xf32, #tpu.memory_space<vmem>>, vector<1x16xf32>,
        %mul3A_673 = arith.constant 8 : i32
        %mul3A_674 = arith.muli %scan3A_310, %mul3A_673 : i32
        %add3A_675 = arith.constant 7 : i32
        %add3A_676 = arith.addi %mul3A_674, %add3A_675 : i32
        %get3A_677 = arith.index_cast %add3A_676 : i32 to index
        %get3A_678 = arith.constant 0 : index
        %get3A_679 = tpu.vector_load %arg9[%get3A_677, %get3A_678] {strides = array<i32>} : memref<256x64xf32, #tpu.memory_space<vmem>>, vector<1x16xf32>,
        %get3A_680 = vector.shape_cast %get3A_679 : vector<1x16xf32> to vector<16xf32>
        %mul3A_681 = arith.constant 8.000000e+00 : f32
        %mul3A_682 = vector.broadcast %mul3A_681 : f32 to vector<16xf32>
        %mul3A_683 = arith.mulf %get3A_680, %mul3A_682 : vector<16xf32>
        %swap3A_684 = arith.index_cast %add3A_676 : i32 to index
        %swap3A_685 = arith.constant 0 : index
        %swap3A_686 = tpu.vector_load %arg9[%swap3A_684, %swap3A_685] {strides = array<i32>} : memref<256x64xf32, #tpu.memory_space<vmem>>, vector<1x16xf32>,
        %swap3A_687 = vector.shape_cast %swap3A_686 : vector<1x16xf32> to vector<16xf32>
        %swap3A_688 = vector.shape_cast %mul3A_683 : vector<16xf32> to vector<1x16xf32>
        tpu.vector_store %arg9[%swap3A_684, %swap3A_685], %swap3A_688 {strides = array<i32>} : memref<256x64xf32, #tpu.memory_space<vmem>>, vector<1x16xf32>,
        %get3A_689 = arith.index_cast %add3A_676 : i32 to index
        %get3A_690 = arith.constant 16 : index
        %get3A_691 = tpu.vector_load %arg9[%get3A_689, %get3A_690] {strides = array<i32>} : memref<256x64xf32, #tpu.memory_space<vmem>>, vector<1x16xf32>,
        %get3A_692 = vector.shape_cast %get3A_691 : vector<1x16xf32> to vector<16xf32>
        %mul3A_693 = arith.constant 8.000000e+00 : f32
        %mul3A_694 = vector.broadcast %mul3A_693 : f32 to vector<16xf32>
        %mul3A_695 = arith.mulf %get3A_692, %mul3A_694 : vector<16xf32>
        %swap3A_696 = arith.index_cast %add3A_676 : i32 to index
        %swap3A_697 = arith.constant 16 : index
        %swap3A_698 = tpu.vector_load %arg9[%swap3A_696, %swap3A_697] {strides = array<i32>} : memref<256x64xf32, #tpu.memory_space<vmem>>, vector<1x16xf32>,
        %swap3A_699 = vector.shape_cast %swap3A_698 : vector<1x16xf32> to vector<16xf32>
        %swap3A_700 = vector.shape_cast %mul3A_695 : vector<16xf32> to vector<1x16xf32>
        tpu.vector_store %arg9[%swap3A_696, %swap3A_697], %swap3A_700 {strides = array<i32>} : memref<256x64xf32, #tpu.memory_space<vmem>>, vector<1x16xf32>,
        %get3A_701 = arith.index_cast %add3A_676 : i32 to index
        %get3A_702 = arith.constant 32 : index
        %get3A_703 = tpu.vector_load %arg9[%get3A_701, %get3A_702] {strides = array<i32>} : memref<256x64xf32, #tpu.memory_space<vmem>>, vector<1x16xf32>,
        %get3A_704 = vector.shape_cast %get3A_703 : vector<1x16xf32> to vector<16xf32>
        %mul3A_705 = arith.constant 8.000000e+00 : f32
        %mul3A_706 = vector.broadcast %mul3A_705 : f32 to vector<16xf32>
        %mul3A_707 = arith.mulf %get3A_704, %mul3A_706 : vector<16xf32>
        %swap3A_708 = arith.index_cast %add3A_676 : i32 to index
        %swap3A_709 = arith.constant 32 : index
        %swap3A_710 = tpu.vector_load %arg9[%swap3A_708, %swap3A_709] {strides = array<i32>} : memref<256x64xf32, #tpu.memory_space<vmem>>, vector<1x16xf32>,
        %swap3A_711 = vector.shape_cast %swap3A_710 : vector<1x16xf32> to vector<16xf32>
        %swap3A_712 = vector.shape_cast %mul3A_707 : vector<16xf32> to vector<1x16xf32>
        tpu.vector_store %arg9[%swap3A_708, %swap3A_709], %swap3A_712 {strides = array<i32>} : memref<256x64xf32, #tpu.memory_space<vmem>>, vector<1x16xf32>,
        %get3A_713 = arith.index_cast %add3A_676 : i32 to index
        %get3A_714 = arith.constant 48 : index
        %get3A_715 = tpu.vector_load %arg9[%get3A_713, %get3A_714] {strides = array<i32>} : memref<256x64xf32, #tpu.memory_space<vmem>>, vector<1x16xf32>,
        %get3A_716 = vector.shape_cast %get3A_715 : vector<1x16xf32> to vector<16xf32>
        %mul3A_717 = arith.constant 8.000000e+00 : f32
        %mul3A_718 = vector.broadcast %mul3A_717 : f32 to vector<16xf32>
        %mul3A_719 = arith.mulf %get3A_716, %mul3A_718 : vector<16xf32>
        %swap3A_720 = arith.index_cast %add3A_676 : i32 to index
        %swap3A_721 = arith.constant 48 : index
        %swap3A_722 = tpu.vector_load %arg9[%swap3A_720, %swap3A_721] {strides = array<i32>} : memref<256x64xf32, #tpu.memory_space<vmem>>, vector<1x16xf32>,
        %swap3A_723 = vector.shape_cast %swap3A_722 : vector<1x16xf32> to vector<16xf32>
        %swap3A_724 = vector.shape_cast %mul3A_719 : vector<16xf32> to vector<1x16xf32>
        tpu.vector_store %arg9[%swap3A_720, %swap3A_721], %swap3A_724 {strides = array<i32>} : memref<256x64xf32, #tpu.memory_space<vmem>>, vector<1x16xf32>,
      }
      %scan3A_141 = arith.constant 32 : i32
      %mul3A_142 = arith.constant 2 : i32
      %mul3A_143 = arith.muli %add3A_104, %mul3A_142 : i32
      %add3A_144 = arith.addi %mul3A_2, %mul3A_143 : i32
      %mul3A_145 = arith.constant 128 : i32
      %mul3A_146 = arith.muli %add3A_144, %mul3A_145 : i32
      %dma_start3A_147 = arith.constant 0 : i32
      %dma_start3A_148 = tpu.memref_slice %arg4[%mul3A_146, %dma_start3A_147] : memref<819200x64xf32, #tpu.memory_space<hbm>> -> memref<256x64xf32, #tpu.memory_space<hbm>>
      %dma_start3A_149 = arith.constant 0 : i32
      %dma_start3A_150 = tpu.memref_slice %arg4[%mul3A_146, %dma_start3A_149] : memref<819200x64xf32, #tpu.memory_space<hbm>> -> memref<256x64xf32, #tpu.memory_space<hbm>>
      tpu.enqueue_dma source(%arg9 : memref<256x64xf32, #tpu.memory_space<vmem>>) target(%dma_start3A_150 : memref<256x64xf32, #tpu.memory_space<hbm>>) target_semaphore(%arg14 : memref<!tpu.dma_semaphore, #tpu.memory_space<semaphore_mem>>)
      %mul3A_151 = arith.constant 4 : i32
      %mul3A_152 = arith.muli %mul3A_151, %scan3A_100 : i32
      %add3A_153 = arith.constant 1 : i32
      %add3A_154 = arith.addi %mul3A_152, %add3A_153 : i32
      %add3A_155 = arith.constant 2 : i32
      %add3A_156 = arith.addi %add3A_154, %add3A_155 : i32
      %add3A_157 = arith.constant 3 : i32
      %add3A_158 = arith.addi %add3A_154, %add3A_157 : i32
      %lt3A_159 = arith.constant 100 : i32
      %lt3A_160 = arith.cmpi slt, %add3A_158, %lt3A_159 : i32
      %convert_element_type3A_161 = arith.extui %lt3A_160 : i1 to i32
      %cond3A_162 = arith.constant 0 : i32
      %cond3A_163 = arith.cmpi ne, %convert_element_type3A_161, %cond3A_162 : i32
      scf.if %cond3A_163 {
        %add3A_310 = arith.constant 3 : i32
        %add3A_311 = arith.addi %add3A_154, %add3A_310 : i32
        %mul3A_312 = arith.constant 2 : i32
        %mul3A_313 = arith.muli %add3A_311, %mul3A_312 : i32
        %add3A_314 = arith.addi %mul3A_2, %mul3A_313 : i32
        %dma_start3A_315 = arith.constant 0 : i32
        %dma_start3A_316 = tpu.memref_slice %arg3[%add3A_314, %dma_start3A_315] : memref<6400x128xi32, #tpu.memory_space<hbm>> -> memref<2x128xi32, #tpu.memory_space<hbm>>
        %dma_start3A_317 = arith.constant 0 : i32
        %dma_start3A_318 = tpu.memref_slice %arg3[%add3A_314, %dma_start3A_317] : memref<6400x128xi32, #tpu.memory_space<hbm>> -> memref<2x128xi32, #tpu.memory_space<hbm>>
        tpu.enqueue_dma source(%dma_start3A_318 : memref<2x128xi32, #tpu.memory_space<hbm>>) target(%arg5 : memref<2x128xi32, #tpu.memory_space<vmem>>) target_semaphore(%arg15 : memref<!tpu.dma_semaphore, #tpu.memory_space<semaphore_mem>>)
      } else {
      }
      %lt3A_164 = arith.constant 100 : i32
      %lt3A_165 = arith.cmpi slt, %add3A_156, %lt3A_164 : i32
      %convert_element_type3A_166 = arith.extui %lt3A_165 : i1 to i32
      %cond3A_167 = arith.constant 0 : i32
      %cond3A_168 = arith.cmpi ne, %convert_element_type3A_166, %cond3A_167 : i32
      scf.if %cond3A_168 {
        %ge3A = arith.constant 2 : i32
        %ge3A_310 = arith.cmpi sge, %add3A_154, %ge3A : i32
        %convert_element_type3A_311 = arith.extui %ge3A_310 : i1 to i32
        %cond3A_312 = arith.constant 0 : i32
        %cond3A_313 = arith.cmpi ne, %convert_element_type3A_311, %cond3A_312 : i32
        scf.if %cond3A_313 {
          %dma_wait3A_340 = arith.constant 0 : i32
          %dma_wait3A_341 = arith.constant 0 : i32
          %dma_wait3A_342 = tpu.memref_slice %arg4[%dma_wait3A_340, %dma_wait3A_341] : memref<819200x64xf32, #tpu.memory_space<hbm>> -> memref<256x64xf32, #tpu.memory_space<hbm>>
          %dma_wait3A_343 = arith.constant 0 : i32
          %dma_wait3A_344 = arith.constant 0 : i32
          %dma_wait3A_345 = tpu.memref_slice %arg4[%dma_wait3A_343, %dma_wait3A_344] : memref<819200x64xf32, #tpu.memory_space<hbm>> -> memref<256x64xf32, #tpu.memory_space<hbm>>
          tpu.wait_dma2 semaphore(%arg14 : memref<!tpu.dma_semaphore, #tpu.memory_space<semaphore_mem>>) src(%arg12 : memref<256x64xf32, #tpu.memory_space<vmem>>) dst(%dma_wait3A_345 : memref<256x64xf32, #tpu.memory_space<hbm>>)
        } else {
        }
        %dma_wait3A_314 = arith.constant 0 : i32
        %dma_wait3A_315 = arith.constant 0 : i32
        %dma_wait3A_316 = tpu.memref_slice %arg3[%dma_wait3A_314, %dma_wait3A_315] : memref<6400x128xi32, #tpu.memory_space<hbm>> -> memref<2x128xi32, #tpu.memory_space<hbm>>
        %dma_wait3A_317 = arith.constant 0 : i32
        %dma_wait3A_318 = arith.constant 0 : i32
        %dma_wait3A_319 = tpu.memref_slice %arg3[%dma_wait3A_317, %dma_wait3A_318] : memref<6400x128xi32, #tpu.memory_space<hbm>> -> memref<2x128xi32, #tpu.memory_space<hbm>>
        tpu.wait_dma2 semaphore(%arg15 : memref<!tpu.dma_semaphore, #tpu.memory_space<semaphore_mem>>) src(%dma_wait3A_319 : memref<2x128xi32, #tpu.memory_space<hbm>>) dst(%arg8 : memref<2x128xi32, #tpu.memory_space<vmem>>)
        %dma_start3A_320 = arith.constant 0 : i32
        %dma_start3A_321 = arith.constant 0 : i32
        %dma_start3A_322 = arith.constant 0 : i32
        %dma_start3A_323 = tpu.memref_slice %arg12[%dma_start3A_321, %dma_start3A_322] : memref<256x64xf32, #tpu.memory_space<vmem>> -> memref<128x64xf32, #tpu.memory_space<vmem>>
        %dma_start3A_324 = arith.constant 0 : i32
        %dma_start3A_325 = tpu.memref_slice %arg8[%dma_start3A_320, %dma_start3A_324] : memref<2x128xi32, #tpu.memory_space<vmem>> -> memref<1x128xi32, #tpu.memory_space<vmem>>
        %dma_start3A_326 = tpu.memref_squeeze %dma_start3A_325 : memref<1x128xi32, #tpu.memory_space<vmem>> -> memref<128xi32, #tpu.memory_space<vmem>>
        %dma_start3A_327 = arith.constant 0 : i32
        %dma_start3A_328 = arith.constant 0 : i32
        %dma_start3A_329 = tpu.memref_slice %arg2[%dma_start3A_327, %dma_start3A_328] : memref<1000000x64xf32, #tpu.memory_space<hbm>> -> memref<1000000x64xf32, #tpu.memory_space<hbm>>
        tpu.enqueue_indirect_dma source(%dma_start3A_329 : memref<1000000x64xf32, #tpu.memory_space<hbm>>) target(%dma_start3A_323 : memref<128x64xf32, #tpu.memory_space<vmem>>) offsets(%dma_start3A_326 : memref<128xi32, #tpu.memory_space<vmem>>) semaphore(%arg13 : memref<!tpu.dma_semaphore, #tpu.memory_space<semaphore_mem>>)
        %dma_start3A_330 = arith.constant 1 : i32
        %dma_start3A_331 = arith.constant 128 : i32
        %dma_start3A_332 = arith.constant 0 : i32
        %dma_start3A_333 = tpu.memref_slice %arg12[%dma_start3A_331, %dma_start3A_332] : memref<256x64xf32, #tpu.memory_space<vmem>> -> memref<128x64xf32, #tpu.memory_space<vmem>>
        %dma_start3A_334 = arith.constant 0 : i32
        %dma_start3A_335 = tpu.memref_slice %arg8[%dma_start3A_330, %dma_start3A_334] : memref<2x128xi32, #tpu.memory_space<vmem>> -> memref<1x128xi32, #tpu.memory_space<vmem>>
        %dma_start3A_336 = tpu.memref_squeeze %dma_start3A_335 : memref<1x128xi32, #tpu.memory_space<vmem>> -> memref<128xi32, #tpu.memory_space<vmem>>
        %dma_start3A_337 = arith.constant 0 : i32
        %dma_start3A_338 = arith.constant 0 : i32
        %dma_start3A_339 = tpu.memref_slice %arg2[%dma_start3A_337, %dma_start3A_338] : memref<1000000x64xf32, #tpu.memory_space<hbm>> -> memref<1000000x64xf32, #tpu.memory_space<hbm>>
        tpu.enqueue_indirect_dma source(%dma_start3A_339 : memref<1000000x64xf32, #tpu.memory_space<hbm>>) target(%dma_start3A_333 : memref<128x64xf32, #tpu.memory_space<vmem>>) offsets(%dma_start3A_336 : memref<128xi32, #tpu.memory_space<vmem>>) semaphore(%arg13 : memref<!tpu.dma_semaphore, #tpu.memory_space<semaphore_mem>>)
      } else {
      }
      %dma_wait3A_169 = arith.constant 0 : i32
      %dma_wait3A_170 = arith.constant 0 : i32
      %dma_wait3A_171 = arith.constant 0 : i32
      %dma_wait3A_172 = tpu.memref_slice %arg10[%dma_wait3A_170, %dma_wait3A_171] : memref<256x64xf32, #tpu.memory_space<vmem>> -> memref<128x64xf32, #tpu.memory_space<vmem>>
      %dma_wait3A_173 = arith.constant 0 : i32
      %dma_wait3A_174 = tpu.memref_slice %arg6[%dma_wait3A_169, %dma_wait3A_173] : memref<2x128xi32, #tpu.memory_space<vmem>> -> memref<1x128xi32, #tpu.memory_space<vmem>>
      %dma_wait3A_175 = tpu.memref_squeeze %dma_wait3A_174 : memref<1x128xi32, #tpu.memory_space<vmem>> -> memref<128xi32, #tpu.memory_space<vmem>>
      %dma_wait3A_176 = arith.constant 0 : i32
      %dma_wait3A_177 = arith.constant 0 : i32
      %dma_wait3A_178 = tpu.memref_slice %arg2[%dma_wait3A_176, %dma_wait3A_177] : memref<1000000x64xf32, #tpu.memory_space<hbm>> -> memref<1000000x64xf32, #tpu.memory_space<hbm>>
      tpu.wait_indirect_dma semaphore(%arg13 : memref<!tpu.dma_semaphore, #tpu.memory_space<semaphore_mem>>) src(%dma_wait3A_178 : memref<1000000x64xf32, #tpu.memory_space<hbm>>) dst(%dma_wait3A_172 : memref<128x64xf32, #tpu.memory_space<vmem>>)
      %dma_wait3A_179 = arith.constant 1 : i32
      %dma_wait3A_180 = arith.constant 128 : i32
      %dma_wait3A_181 = arith.constant 0 : i32
      %dma_wait3A_182 = tpu.memref_slice %arg10[%dma_wait3A_180, %dma_wait3A_181] : memref<256x64xf32, #tpu.memory_space<vmem>> -> memref<128x64xf32, #tpu.memory_space<vmem>>
      %dma_wait3A_183 = arith.constant 0 : i32
      %dma_wait3A_184 = tpu.memref_slice %arg6[%dma_wait3A_179, %dma_wait3A_183] : memref<2x128xi32, #tpu.memory_space<vmem>> -> memref<1x128xi32, #tpu.memory_space<vmem>>
      %dma_wait3A_185 = tpu.memref_squeeze %dma_wait3A_184 : memref<1x128xi32, #tpu.memory_space<vmem>> -> memref<128xi32, #tpu.memory_space<vmem>>
      %dma_wait3A_186 = arith.constant 0 : i32
      %dma_wait3A_187 = arith.constant 0 : i32
      %dma_wait3A_188 = tpu.memref_slice %arg2[%dma_wait3A_186, %dma_wait3A_187] : memref<1000000x64xf32, #tpu.memory_space<hbm>> -> memref<1000000x64xf32, #tpu.memory_space<hbm>>
      tpu.wait_indirect_dma semaphore(%arg13 : memref<!tpu.dma_semaphore, #tpu.memory_space<semaphore_mem>>) src(%dma_wait3A_188 : memref<1000000x64xf32, #tpu.memory_space<hbm>>) dst(%dma_wait3A_182 : memref<128x64xf32, #tpu.memory_space<vmem>>)
      %scan3A_189 = arith.constant 0 : i32
      %scan3A_190 = arith.constant 0 : i32
      %scan3A_191 = arith.constant 32 : i32
      %scan3A_192 = arith.addi %scan3A_190, %scan3A_191 : i32
      %scan3A_193 = arith.constant 1 : i32
      scf.for %scan3A_310 = %scan3A_190 to %scan3A_192 step %scan3A_193  : i32 {
        %mul3A_311 = arith.constant 8 : i32
        %mul3A_312 = arith.muli %scan3A_310, %mul3A_311 : i32
        %add3A_313 = arith.constant 0 : i32
        %add3A_314 = arith.addi %mul3A_312, %add3A_313 : i32
        %get3A = arith.index_cast %add3A_314 : i32 to index
        %get3A_315 = arith.constant 0 : index
        %get3A_316 = tpu.vector_load %arg10[%get3A, %get3A_315] {strides = array<i32>} : memref<256x64xf32, #tpu.memory_space<vmem>>, vector<1x16xf32>,
        %get3A_317 = vector.shape_cast %get3A_316 : vector<1x16xf32> to vector<16xf32>
        %mul3A_318 = arith.constant 8.000000e+00 : f32
        %mul3A_319 = vector.broadcast %mul3A_318 : f32 to vector<16xf32>
        %mul3A_320 = arith.mulf %get3A_317, %mul3A_319 : vector<16xf32>
        %swap3A = arith.index_cast %add3A_314 : i32 to index
        %swap3A_321 = arith.constant 0 : index
        %swap3A_322 = tpu.vector_load %arg10[%swap3A, %swap3A_321] {strides = array<i32>} : memref<256x64xf32, #tpu.memory_space<vmem>>, vector<1x16xf32>,
        %swap3A_323 = vector.shape_cast %swap3A_322 : vector<1x16xf32> to vector<16xf32>
        %swap3A_324 = vector.shape_cast %mul3A_320 : vector<16xf32> to vector<1x16xf32>
        tpu.vector_store %arg10[%swap3A, %swap3A_321], %swap3A_324 {strides = array<i32>} : memref<256x64xf32, #tpu.memory_space<vmem>>, vector<1x16xf32>,
        %get3A_325 = arith.index_cast %add3A_314 : i32 to index
        %get3A_326 = arith.constant 16 : index
        %get3A_327 = tpu.vector_load %arg10[%get3A_325, %get3A_326] {strides = array<i32>} : memref<256x64xf32, #tpu.memory_space<vmem>>, vector<1x16xf32>,
        %get3A_328 = vector.shape_cast %get3A_327 : vector<1x16xf32> to vector<16xf32>
        %mul3A_329 = arith.constant 8.000000e+00 : f32
        %mul3A_330 = vector.broadcast %mul3A_329 : f32 to vector<16xf32>
        %mul3A_331 = arith.mulf %get3A_328, %mul3A_330 : vector<16xf32>
        %swap3A_332 = arith.index_cast %add3A_314 : i32 to index
        %swap3A_333 = arith.constant 16 : index
        %swap3A_334 = tpu.vector_load %arg10[%swap3A_332, %swap3A_333] {strides = array<i32>} : memref<256x64xf32, #tpu.memory_space<vmem>>, vector<1x16xf32>,
        %swap3A_335 = vector.shape_cast %swap3A_334 : vector<1x16xf32> to vector<16xf32>
        %swap3A_336 = vector.shape_cast %mul3A_331 : vector<16xf32> to vector<1x16xf32>
        tpu.vector_store %arg10[%swap3A_332, %swap3A_333], %swap3A_336 {strides = array<i32>} : memref<256x64xf32, #tpu.memory_space<vmem>>, vector<1x16xf32>,
        %get3A_337 = arith.index_cast %add3A_314 : i32 to index
        %get3A_338 = arith.constant 32 : index
        %get3A_339 = tpu.vector_load %arg10[%get3A_337, %get3A_338] {strides = array<i32>} : memref<256x64xf32, #tpu.memory_space<vmem>>, vector<1x16xf32>,
        %get3A_340 = vector.shape_cast %get3A_339 : vector<1x16xf32> to vector<16xf32>
        %mul3A_341 = arith.constant 8.000000e+00 : f32
        %mul3A_342 = vector.broadcast %mul3A_341 : f32 to vector<16xf32>
        %mul3A_343 = arith.mulf %get3A_340, %mul3A_342 : vector<16xf32>
        %swap3A_344 = arith.index_cast %add3A_314 : i32 to index
        %swap3A_345 = arith.constant 32 : index
        %swap3A_346 = tpu.vector_load %arg10[%swap3A_344, %swap3A_345] {strides = array<i32>} : memref<256x64xf32, #tpu.memory_space<vmem>>, vector<1x16xf32>,
        %swap3A_347 = vector.shape_cast %swap3A_346 : vector<1x16xf32> to vector<16xf32>
        %swap3A_348 = vector.shape_cast %mul3A_343 : vector<16xf32> to vector<1x16xf32>
        tpu.vector_store %arg10[%swap3A_344, %swap3A_345], %swap3A_348 {strides = array<i32>} : memref<256x64xf32, #tpu.memory_space<vmem>>, vector<1x16xf32>,
        %get3A_349 = arith.index_cast %add3A_314 : i32 to index
        %get3A_350 = arith.constant 48 : index
        %get3A_351 = tpu.vector_load %arg10[%get3A_349, %get3A_350] {strides = array<i32>} : memref<256x64xf32, #tpu.memory_space<vmem>>, vector<1x16xf32>,
        %get3A_352 = vector.shape_cast %get3A_351 : vector<1x16xf32> to vector<16xf32>
        %mul3A_353 = arith.constant 8.000000e+00 : f32
        %mul3A_354 = vector.broadcast %mul3A_353 : f32 to vector<16xf32>
        %mul3A_355 = arith.mulf %get3A_352, %mul3A_354 : vector<16xf32>
        %swap3A_356 = arith.index_cast %add3A_314 : i32 to index
        %swap3A_357 = arith.constant 48 : index
        %swap3A_358 = tpu.vector_load %arg10[%swap3A_356, %swap3A_357] {strides = array<i32>} : memref<256x64xf32, #tpu.memory_space<vmem>>, vector<1x16xf32>,
        %swap3A_359 = vector.shape_cast %swap3A_358 : vector<1x16xf32> to vector<16xf32>
        %swap3A_360 = vector.shape_cast %mul3A_355 : vector<16xf32> to vector<1x16xf32>
        tpu.vector_store %arg10[%swap3A_356, %swap3A_357], %swap3A_360 {strides = array<i32>} : memref<256x64xf32, #tpu.memory_space<vmem>>, vector<1x16xf32>,
        %mul3A_361 = arith.constant 8 : i32
        %mul3A_362 = arith.muli %scan3A_310, %mul3A_361 : i32
        %add3A_363 = arith.constant 1 : i32
        %add3A_364 = arith.addi %mul3A_362, %add3A_363 : i32
        %get3A_365 = arith.index_cast %add3A_364 : i32 to index
        %get3A_366 = arith.constant 0 : index
        %get3A_367 = tpu.vector_load %arg10[%get3A_365, %get3A_366] {strides = array<i32>} : memref<256x64xf32, #tpu.memory_space<vmem>>, vector<1x16xf32>,
        %get3A_368 = vector.shape_cast %get3A_367 : vector<1x16xf32> to vector<16xf32>
        %mul3A_369 = arith.constant 8.000000e+00 : f32
        %mul3A_370 = vector.broadcast %mul3A_369 : f32 to vector<16xf32>
        %mul3A_371 = arith.mulf %get3A_368, %mul3A_370 : vector<16xf32>
        %swap3A_372 = arith.index_cast %add3A_364 : i32 to index
        %swap3A_373 = arith.constant 0 : index
        %swap3A_374 = tpu.vector_load %arg10[%swap3A_372, %swap3A_373] {strides = array<i32>} : memref<256x64xf32, #tpu.memory_space<vmem>>, vector<1x16xf32>,
        %swap3A_375 = vector.shape_cast %swap3A_374 : vector<1x16xf32> to vector<16xf32>
        %swap3A_376 = vector.shape_cast %mul3A_371 : vector<16xf32> to vector<1x16xf32>
        tpu.vector_store %arg10[%swap3A_372, %swap3A_373], %swap3A_376 {strides = array<i32>} : memref<256x64xf32, #tpu.memory_space<vmem>>, vector<1x16xf32>,
        %get3A_377 = arith.index_cast %add3A_364 : i32 to index
        %get3A_378 = arith.constant 16 : index
        %get3A_379 = tpu.vector_load %arg10[%get3A_377, %get3A_378] {strides = array<i32>} : memref<256x64xf32, #tpu.memory_space<vmem>>, vector<1x16xf32>,
        %get3A_380 = vector.shape_cast %get3A_379 : vector<1x16xf32> to vector<16xf32>
        %mul3A_381 = arith.constant 8.000000e+00 : f32
        %mul3A_382 = vector.broadcast %mul3A_381 : f32 to vector<16xf32>
        %mul3A_383 = arith.mulf %get3A_380, %mul3A_382 : vector<16xf32>
        %swap3A_384 = arith.index_cast %add3A_364 : i32 to index
        %swap3A_385 = arith.constant 16 : index
        %swap3A_386 = tpu.vector_load %arg10[%swap3A_384, %swap3A_385] {strides = array<i32>} : memref<256x64xf32, #tpu.memory_space<vmem>>, vector<1x16xf32>,
        %swap3A_387 = vector.shape_cast %swap3A_386 : vector<1x16xf32> to vector<16xf32>
        %swap3A_388 = vector.shape_cast %mul3A_383 : vector<16xf32> to vector<1x16xf32>
        tpu.vector_store %arg10[%swap3A_384, %swap3A_385], %swap3A_388 {strides = array<i32>} : memref<256x64xf32, #tpu.memory_space<vmem>>, vector<1x16xf32>,
        %get3A_389 = arith.index_cast %add3A_364 : i32 to index
        %get3A_390 = arith.constant 32 : index
        %get3A_391 = tpu.vector_load %arg10[%get3A_389, %get3A_390] {strides = array<i32>} : memref<256x64xf32, #tpu.memory_space<vmem>>, vector<1x16xf32>,
        %get3A_392 = vector.shape_cast %get3A_391 : vector<1x16xf32> to vector<16xf32>
        %mul3A_393 = arith.constant 8.000000e+00 : f32
        %mul3A_394 = vector.broadcast %mul3A_393 : f32 to vector<16xf32>
        %mul3A_395 = arith.mulf %get3A_392, %mul3A_394 : vector<16xf32>
        %swap3A_396 = arith.index_cast %add3A_364 : i32 to index
        %swap3A_397 = arith.constant 32 : index
        %swap3A_398 = tpu.vector_load %arg10[%swap3A_396, %swap3A_397] {strides = array<i32>} : memref<256x64xf32, #tpu.memory_space<vmem>>, vector<1x16xf32>,
        %swap3A_399 = vector.shape_cast %swap3A_398 : vector<1x16xf32> to vector<16xf32>
        %swap3A_400 = vector.shape_cast %mul3A_395 : vector<16xf32> to vector<1x16xf32>
        tpu.vector_store %arg10[%swap3A_396, %swap3A_397], %swap3A_400 {strides = array<i32>} : memref<256x64xf32, #tpu.memory_space<vmem>>, vector<1x16xf32>,
        %get3A_401 = arith.index_cast %add3A_364 : i32 to index
        %get3A_402 = arith.constant 48 : index
        %get3A_403 = tpu.vector_load %arg10[%get3A_401, %get3A_402] {strides = array<i32>} : memref<256x64xf32, #tpu.memory_space<vmem>>, vector<1x16xf32>,
        %get3A_404 = vector.shape_cast %get3A_403 : vector<1x16xf32> to vector<16xf32>
        %mul3A_405 = arith.constant 8.000000e+00 : f32
        %mul3A_406 = vector.broadcast %mul3A_405 : f32 to vector<16xf32>
        %mul3A_407 = arith.mulf %get3A_404, %mul3A_406 : vector<16xf32>
        %swap3A_408 = arith.index_cast %add3A_364 : i32 to index
        %swap3A_409 = arith.constant 48 : index
        %swap3A_410 = tpu.vector_load %arg10[%swap3A_408, %swap3A_409] {strides = array<i32>} : memref<256x64xf32, #tpu.memory_space<vmem>>, vector<1x16xf32>,
        %swap3A_411 = vector.shape_cast %swap3A_410 : vector<1x16xf32> to vector<16xf32>
        %swap3A_412 = vector.shape_cast %mul3A_407 : vector<16xf32> to vector<1x16xf32>
        tpu.vector_store %arg10[%swap3A_408, %swap3A_409], %swap3A_412 {strides = array<i32>} : memref<256x64xf32, #tpu.memory_space<vmem>>, vector<1x16xf32>,
        %mul3A_413 = arith.constant 8 : i32
        %mul3A_414 = arith.muli %scan3A_310, %mul3A_413 : i32
        %add3A_415 = arith.constant 2 : i32
        %add3A_416 = arith.addi %mul3A_414, %add3A_415 : i32
        %get3A_417 = arith.index_cast %add3A_416 : i32 to index
        %get3A_418 = arith.constant 0 : index
        %get3A_419 = tpu.vector_load %arg10[%get3A_417, %get3A_418] {strides = array<i32>} : memref<256x64xf32, #tpu.memory_space<vmem>>, vector<1x16xf32>,
        %get3A_420 = vector.shape_cast %get3A_419 : vector<1x16xf32> to vector<16xf32>
        %mul3A_421 = arith.constant 8.000000e+00 : f32
        %mul3A_422 = vector.broadcast %mul3A_421 : f32 to vector<16xf32>
        %mul3A_423 = arith.mulf %get3A_420, %mul3A_422 : vector<16xf32>
        %swap3A_424 = arith.index_cast %add3A_416 : i32 to index
        %swap3A_425 = arith.constant 0 : index
        %swap3A_426 = tpu.vector_load %arg10[%swap3A_424, %swap3A_425] {strides = array<i32>} : memref<256x64xf32, #tpu.memory_space<vmem>>, vector<1x16xf32>,
        %swap3A_427 = vector.shape_cast %swap3A_426 : vector<1x16xf32> to vector<16xf32>
        %swap3A_428 = vector.shape_cast %mul3A_423 : vector<16xf32> to vector<1x16xf32>
        tpu.vector_store %arg10[%swap3A_424, %swap3A_425], %swap3A_428 {strides = array<i32>} : memref<256x64xf32, #tpu.memory_space<vmem>>, vector<1x16xf32>,
        %get3A_429 = arith.index_cast %add3A_416 : i32 to index
        %get3A_430 = arith.constant 16 : index
        %get3A_431 = tpu.vector_load %arg10[%get3A_429, %get3A_430] {strides = array<i32>} : memref<256x64xf32, #tpu.memory_space<vmem>>, vector<1x16xf32>,
        %get3A_432 = vector.shape_cast %get3A_431 : vector<1x16xf32> to vector<16xf32>
        %mul3A_433 = arith.constant 8.000000e+00 : f32
        %mul3A_434 = vector.broadcast %mul3A_433 : f32 to vector<16xf32>
        %mul3A_435 = arith.mulf %get3A_432, %mul3A_434 : vector<16xf32>
        %swap3A_436 = arith.index_cast %add3A_416 : i32 to index
        %swap3A_437 = arith.constant 16 : index
        %swap3A_438 = tpu.vector_load %arg10[%swap3A_436, %swap3A_437] {strides = array<i32>} : memref<256x64xf32, #tpu.memory_space<vmem>>, vector<1x16xf32>,
        %swap3A_439 = vector.shape_cast %swap3A_438 : vector<1x16xf32> to vector<16xf32>
        %swap3A_440 = vector.shape_cast %mul3A_435 : vector<16xf32> to vector<1x16xf32>
        tpu.vector_store %arg10[%swap3A_436, %swap3A_437], %swap3A_440 {strides = array<i32>} : memref<256x64xf32, #tpu.memory_space<vmem>>, vector<1x16xf32>,
        %get3A_441 = arith.index_cast %add3A_416 : i32 to index
        %get3A_442 = arith.constant 32 : index
        %get3A_443 = tpu.vector_load %arg10[%get3A_441, %get3A_442] {strides = array<i32>} : memref<256x64xf32, #tpu.memory_space<vmem>>, vector<1x16xf32>,
        %get3A_444 = vector.shape_cast %get3A_443 : vector<1x16xf32> to vector<16xf32>
        %mul3A_445 = arith.constant 8.000000e+00 : f32
        %mul3A_446 = vector.broadcast %mul3A_445 : f32 to vector<16xf32>
        %mul3A_447 = arith.mulf %get3A_444, %mul3A_446 : vector<16xf32>
        %swap3A_448 = arith.index_cast %add3A_416 : i32 to index
        %swap3A_449 = arith.constant 32 : index
        %swap3A_450 = tpu.vector_load %arg10[%swap3A_448, %swap3A_449] {strides = array<i32>} : memref<256x64xf32, #tpu.memory_space<vmem>>, vector<1x16xf32>,
        %swap3A_451 = vector.shape_cast %swap3A_450 : vector<1x16xf32> to vector<16xf32>
        %swap3A_452 = vector.shape_cast %mul3A_447 : vector<16xf32> to vector<1x16xf32>
        tpu.vector_store %arg10[%swap3A_448, %swap3A_449], %swap3A_452 {strides = array<i32>} : memref<256x64xf32, #tpu.memory_space<vmem>>, vector<1x16xf32>,
        %get3A_453 = arith.index_cast %add3A_416 : i32 to index
        %get3A_454 = arith.constant 48 : index
        %get3A_455 = tpu.vector_load %arg10[%get3A_453, %get3A_454] {strides = array<i32>} : memref<256x64xf32, #tpu.memory_space<vmem>>, vector<1x16xf32>,
        %get3A_456 = vector.shape_cast %get3A_455 : vector<1x16xf32> to vector<16xf32>
        %mul3A_457 = arith.constant 8.000000e+00 : f32
        %mul3A_458 = vector.broadcast %mul3A_457 : f32 to vector<16xf32>
        %mul3A_459 = arith.mulf %get3A_456, %mul3A_458 : vector<16xf32>
        %swap3A_460 = arith.index_cast %add3A_416 : i32 to index
        %swap3A_461 = arith.constant 48 : index
        %swap3A_462 = tpu.vector_load %arg10[%swap3A_460, %swap3A_461] {strides = array<i32>} : memref<256x64xf32, #tpu.memory_space<vmem>>, vector<1x16xf32>,
        %swap3A_463 = vector.shape_cast %swap3A_462 : vector<1x16xf32> to vector<16xf32>
        %swap3A_464 = vector.shape_cast %mul3A_459 : vector<16xf32> to vector<1x16xf32>
        tpu.vector_store %arg10[%swap3A_460, %swap3A_461], %swap3A_464 {strides = array<i32>} : memref<256x64xf32, #tpu.memory_space<vmem>>, vector<1x16xf32>,
        %mul3A_465 = arith.constant 8 : i32
        %mul3A_466 = arith.muli %scan3A_310, %mul3A_465 : i32
        %add3A_467 = arith.constant 3 : i32
        %add3A_468 = arith.addi %mul3A_466, %add3A_467 : i32
        %get3A_469 = arith.index_cast %add3A_468 : i32 to index
        %get3A_470 = arith.constant 0 : index
        %get3A_471 = tpu.vector_load %arg10[%get3A_469, %get3A_470] {strides = array<i32>} : memref<256x64xf32, #tpu.memory_space<vmem>>, vector<1x16xf32>,
        %get3A_472 = vector.shape_cast %get3A_471 : vector<1x16xf32> to vector<16xf32>
        %mul3A_473 = arith.constant 8.000000e+00 : f32
        %mul3A_474 = vector.broadcast %mul3A_473 : f32 to vector<16xf32>
        %mul3A_475 = arith.mulf %get3A_472, %mul3A_474 : vector<16xf32>
        %swap3A_476 = arith.index_cast %add3A_468 : i32 to index
        %swap3A_477 = arith.constant 0 : index
        %swap3A_478 = tpu.vector_load %arg10[%swap3A_476, %swap3A_477] {strides = array<i32>} : memref<256x64xf32, #tpu.memory_space<vmem>>, vector<1x16xf32>,
        %swap3A_479 = vector.shape_cast %swap3A_478 : vector<1x16xf32> to vector<16xf32>
        %swap3A_480 = vector.shape_cast %mul3A_475 : vector<16xf32> to vector<1x16xf32>
        tpu.vector_store %arg10[%swap3A_476, %swap3A_477], %swap3A_480 {strides = array<i32>} : memref<256x64xf32, #tpu.memory_space<vmem>>, vector<1x16xf32>,
        %get3A_481 = arith.index_cast %add3A_468 : i32 to index
        %get3A_482 = arith.constant 16 : index
        %get3A_483 = tpu.vector_load %arg10[%get3A_481, %get3A_482] {strides = array<i32>} : memref<256x64xf32, #tpu.memory_space<vmem>>, vector<1x16xf32>,
        %get3A_484 = vector.shape_cast %get3A_483 : vector<1x16xf32> to vector<16xf32>
        %mul3A_485 = arith.constant 8.000000e+00 : f32
        %mul3A_486 = vector.broadcast %mul3A_485 : f32 to vector<16xf32>
        %mul3A_487 = arith.mulf %get3A_484, %mul3A_486 : vector<16xf32>
        %swap3A_488 = arith.index_cast %add3A_468 : i32 to index
        %swap3A_489 = arith.constant 16 : index
        %swap3A_490 = tpu.vector_load %arg10[%swap3A_488, %swap3A_489] {strides = array<i32>} : memref<256x64xf32, #tpu.memory_space<vmem>>, vector<1x16xf32>,
        %swap3A_491 = vector.shape_cast %swap3A_490 : vector<1x16xf32> to vector<16xf32>
        %swap3A_492 = vector.shape_cast %mul3A_487 : vector<16xf32> to vector<1x16xf32>
        tpu.vector_store %arg10[%swap3A_488, %swap3A_489], %swap3A_492 {strides = array<i32>} : memref<256x64xf32, #tpu.memory_space<vmem>>, vector<1x16xf32>,
        %get3A_493 = arith.index_cast %add3A_468 : i32 to index
        %get3A_494 = arith.constant 32 : index
        %get3A_495 = tpu.vector_load %arg10[%get3A_493, %get3A_494] {strides = array<i32>} : memref<256x64xf32, #tpu.memory_space<vmem>>, vector<1x16xf32>,
        %get3A_496 = vector.shape_cast %get3A_495 : vector<1x16xf32> to vector<16xf32>
        %mul3A_497 = arith.constant 8.000000e+00 : f32
        %mul3A_498 = vector.broadcast %mul3A_497 : f32 to vector<16xf32>
        %mul3A_499 = arith.mulf %get3A_496, %mul3A_498 : vector<16xf32>
        %swap3A_500 = arith.index_cast %add3A_468 : i32 to index
        %swap3A_501 = arith.constant 32 : index
        %swap3A_502 = tpu.vector_load %arg10[%swap3A_500, %swap3A_501] {strides = array<i32>} : memref<256x64xf32, #tpu.memory_space<vmem>>, vector<1x16xf32>,
        %swap3A_503 = vector.shape_cast %swap3A_502 : vector<1x16xf32> to vector<16xf32>
        %swap3A_504 = vector.shape_cast %mul3A_499 : vector<16xf32> to vector<1x16xf32>
        tpu.vector_store %arg10[%swap3A_500, %swap3A_501], %swap3A_504 {strides = array<i32>} : memref<256x64xf32, #tpu.memory_space<vmem>>, vector<1x16xf32>,
        %get3A_505 = arith.index_cast %add3A_468 : i32 to index
        %get3A_506 = arith.constant 48 : index
        %get3A_507 = tpu.vector_load %arg10[%get3A_505, %get3A_506] {strides = array<i32>} : memref<256x64xf32, #tpu.memory_space<vmem>>, vector<1x16xf32>,
        %get3A_508 = vector.shape_cast %get3A_507 : vector<1x16xf32> to vector<16xf32>
        %mul3A_509 = arith.constant 8.000000e+00 : f32
        %mul3A_510 = vector.broadcast %mul3A_509 : f32 to vector<16xf32>
        %mul3A_511 = arith.mulf %get3A_508, %mul3A_510 : vector<16xf32>
        %swap3A_512 = arith.index_cast %add3A_468 : i32 to index
        %swap3A_513 = arith.constant 48 : index
        %swap3A_514 = tpu.vector_load %arg10[%swap3A_512, %swap3A_513] {strides = array<i32>} : memref<256x64xf32, #tpu.memory_space<vmem>>, vector<1x16xf32>,
        %swap3A_515 = vector.shape_cast %swap3A_514 : vector<1x16xf32> to vector<16xf32>
        %swap3A_516 = vector.shape_cast %mul3A_511 : vector<16xf32> to vector<1x16xf32>
        tpu.vector_store %arg10[%swap3A_512, %swap3A_513], %swap3A_516 {strides = array<i32>} : memref<256x64xf32, #tpu.memory_space<vmem>>, vector<1x16xf32>,
        %mul3A_517 = arith.constant 8 : i32
        %mul3A_518 = arith.muli %scan3A_310, %mul3A_517 : i32
        %add3A_519 = arith.constant 4 : i32
        %add3A_520 = arith.addi %mul3A_518, %add3A_519 : i32
        %get3A_521 = arith.index_cast %add3A_520 : i32 to index
        %get3A_522 = arith.constant 0 : index
        %get3A_523 = tpu.vector_load %arg10[%get3A_521, %get3A_522] {strides = array<i32>} : memref<256x64xf32, #tpu.memory_space<vmem>>, vector<1x16xf32>,
        %get3A_524 = vector.shape_cast %get3A_523 : vector<1x16xf32> to vector<16xf32>
        %mul3A_525 = arith.constant 8.000000e+00 : f32
        %mul3A_526 = vector.broadcast %mul3A_525 : f32 to vector<16xf32>
        %mul3A_527 = arith.mulf %get3A_524, %mul3A_526 : vector<16xf32>
        %swap3A_528 = arith.index_cast %add3A_520 : i32 to index
        %swap3A_529 = arith.constant 0 : index
        %swap3A_530 = tpu.vector_load %arg10[%swap3A_528, %swap3A_529] {strides = array<i32>} : memref<256x64xf32, #tpu.memory_space<vmem>>, vector<1x16xf32>,
        %swap3A_531 = vector.shape_cast %swap3A_530 : vector<1x16xf32> to vector<16xf32>
        %swap3A_532 = vector.shape_cast %mul3A_527 : vector<16xf32> to vector<1x16xf32>
        tpu.vector_store %arg10[%swap3A_528, %swap3A_529], %swap3A_532 {strides = array<i32>} : memref<256x64xf32, #tpu.memory_space<vmem>>, vector<1x16xf32>,
        %get3A_533 = arith.index_cast %add3A_520 : i32 to index
        %get3A_534 = arith.constant 16 : index
        %get3A_535 = tpu.vector_load %arg10[%get3A_533, %get3A_534] {strides = array<i32>} : memref<256x64xf32, #tpu.memory_space<vmem>>, vector<1x16xf32>,
        %get3A_536 = vector.shape_cast %get3A_535 : vector<1x16xf32> to vector<16xf32>
        %mul3A_537 = arith.constant 8.000000e+00 : f32
        %mul3A_538 = vector.broadcast %mul3A_537 : f32 to vector<16xf32>
        %mul3A_539 = arith.mulf %get3A_536, %mul3A_538 : vector<16xf32>
        %swap3A_540 = arith.index_cast %add3A_520 : i32 to index
        %swap3A_541 = arith.constant 16 : index
        %swap3A_542 = tpu.vector_load %arg10[%swap3A_540, %swap3A_541] {strides = array<i32>} : memref<256x64xf32, #tpu.memory_space<vmem>>, vector<1x16xf32>,
        %swap3A_543 = vector.shape_cast %swap3A_542 : vector<1x16xf32> to vector<16xf32>
        %swap3A_544 = vector.shape_cast %mul3A_539 : vector<16xf32> to vector<1x16xf32>
        tpu.vector_store %arg10[%swap3A_540, %swap3A_541], %swap3A_544 {strides = array<i32>} : memref<256x64xf32, #tpu.memory_space<vmem>>, vector<1x16xf32>,
        %get3A_545 = arith.index_cast %add3A_520 : i32 to index
        %get3A_546 = arith.constant 32 : index
        %get3A_547 = tpu.vector_load %arg10[%get3A_545, %get3A_546] {strides = array<i32>} : memref<256x64xf32, #tpu.memory_space<vmem>>, vector<1x16xf32>,
        %get3A_548 = vector.shape_cast %get3A_547 : vector<1x16xf32> to vector<16xf32>
        %mul3A_549 = arith.constant 8.000000e+00 : f32
        %mul3A_550 = vector.broadcast %mul3A_549 : f32 to vector<16xf32>
        %mul3A_551 = arith.mulf %get3A_548, %mul3A_550 : vector<16xf32>
        %swap3A_552 = arith.index_cast %add3A_520 : i32 to index
        %swap3A_553 = arith.constant 32 : index
        %swap3A_554 = tpu.vector_load %arg10[%swap3A_552, %swap3A_553] {strides = array<i32>} : memref<256x64xf32, #tpu.memory_space<vmem>>, vector<1x16xf32>,
        %swap3A_555 = vector.shape_cast %swap3A_554 : vector<1x16xf32> to vector<16xf32>
        %swap3A_556 = vector.shape_cast %mul3A_551 : vector<16xf32> to vector<1x16xf32>
        tpu.vector_store %arg10[%swap3A_552, %swap3A_553], %swap3A_556 {strides = array<i32>} : memref<256x64xf32, #tpu.memory_space<vmem>>, vector<1x16xf32>,
        %get3A_557 = arith.index_cast %add3A_520 : i32 to index
        %get3A_558 = arith.constant 48 : index
        %get3A_559 = tpu.vector_load %arg10[%get3A_557, %get3A_558] {strides = array<i32>} : memref<256x64xf32, #tpu.memory_space<vmem>>, vector<1x16xf32>,
        %get3A_560 = vector.shape_cast %get3A_559 : vector<1x16xf32> to vector<16xf32>
        %mul3A_561 = arith.constant 8.000000e+00 : f32
        %mul3A_562 = vector.broadcast %mul3A_561 : f32 to vector<16xf32>
        %mul3A_563 = arith.mulf %get3A_560, %mul3A_562 : vector<16xf32>
        %swap3A_564 = arith.index_cast %add3A_520 : i32 to index
        %swap3A_565 = arith.constant 48 : index
        %swap3A_566 = tpu.vector_load %arg10[%swap3A_564, %swap3A_565] {strides = array<i32>} : memref<256x64xf32, #tpu.memory_space<vmem>>, vector<1x16xf32>,
        %swap3A_567 = vector.shape_cast %swap3A_566 : vector<1x16xf32> to vector<16xf32>
        %swap3A_568 = vector.shape_cast %mul3A_563 : vector<16xf32> to vector<1x16xf32>
        tpu.vector_store %arg10[%swap3A_564, %swap3A_565], %swap3A_568 {strides = array<i32>} : memref<256x64xf32, #tpu.memory_space<vmem>>, vector<1x16xf32>,
        %mul3A_569 = arith.constant 8 : i32
        %mul3A_570 = arith.muli %scan3A_310, %mul3A_569 : i32
        %add3A_571 = arith.constant 5 : i32
        %add3A_572 = arith.addi %mul3A_570, %add3A_571 : i32
        %get3A_573 = arith.index_cast %add3A_572 : i32 to index
        %get3A_574 = arith.constant 0 : index
        %get3A_575 = tpu.vector_load %arg10[%get3A_573, %get3A_574] {strides = array<i32>} : memref<256x64xf32, #tpu.memory_space<vmem>>, vector<1x16xf32>,
        %get3A_576 = vector.shape_cast %get3A_575 : vector<1x16xf32> to vector<16xf32>
        %mul3A_577 = arith.constant 8.000000e+00 : f32
        %mul3A_578 = vector.broadcast %mul3A_577 : f32 to vector<16xf32>
        %mul3A_579 = arith.mulf %get3A_576, %mul3A_578 : vector<16xf32>
        %swap3A_580 = arith.index_cast %add3A_572 : i32 to index
        %swap3A_581 = arith.constant 0 : index
        %swap3A_582 = tpu.vector_load %arg10[%swap3A_580, %swap3A_581] {strides = array<i32>} : memref<256x64xf32, #tpu.memory_space<vmem>>, vector<1x16xf32>,
        %swap3A_583 = vector.shape_cast %swap3A_582 : vector<1x16xf32> to vector<16xf32>
        %swap3A_584 = vector.shape_cast %mul3A_579 : vector<16xf32> to vector<1x16xf32>
        tpu.vector_store %arg10[%swap3A_580, %swap3A_581], %swap3A_584 {strides = array<i32>} : memref<256x64xf32, #tpu.memory_space<vmem>>, vector<1x16xf32>,
        %get3A_585 = arith.index_cast %add3A_572 : i32 to index
        %get3A_586 = arith.constant 16 : index
        %get3A_587 = tpu.vector_load %arg10[%get3A_585, %get3A_586] {strides = array<i32>} : memref<256x64xf32, #tpu.memory_space<vmem>>, vector<1x16xf32>,
        %get3A_588 = vector.shape_cast %get3A_587 : vector<1x16xf32> to vector<16xf32>
        %mul3A_589 = arith.constant 8.000000e+00 : f32
        %mul3A_590 = vector.broadcast %mul3A_589 : f32 to vector<16xf32>
        %mul3A_591 = arith.mulf %get3A_588, %mul3A_590 : vector<16xf32>
        %swap3A_592 = arith.index_cast %add3A_572 : i32 to index
        %swap3A_593 = arith.constant 16 : index
        %swap3A_594 = tpu.vector_load %arg10[%swap3A_592, %swap3A_593] {strides = array<i32>} : memref<256x64xf32, #tpu.memory_space<vmem>>, vector<1x16xf32>,
        %swap3A_595 = vector.shape_cast %swap3A_594 : vector<1x16xf32> to vector<16xf32>
        %swap3A_596 = vector.shape_cast %mul3A_591 : vector<16xf32> to vector<1x16xf32>
        tpu.vector_store %arg10[%swap3A_592, %swap3A_593], %swap3A_596 {strides = array<i32>} : memref<256x64xf32, #tpu.memory_space<vmem>>, vector<1x16xf32>,
        %get3A_597 = arith.index_cast %add3A_572 : i32 to index
        %get3A_598 = arith.constant 32 : index
        %get3A_599 = tpu.vector_load %arg10[%get3A_597, %get3A_598] {strides = array<i32>} : memref<256x64xf32, #tpu.memory_space<vmem>>, vector<1x16xf32>,
        %get3A_600 = vector.shape_cast %get3A_599 : vector<1x16xf32> to vector<16xf32>
        %mul3A_601 = arith.constant 8.000000e+00 : f32
        %mul3A_602 = vector.broadcast %mul3A_601 : f32 to vector<16xf32>
        %mul3A_603 = arith.mulf %get3A_600, %mul3A_602 : vector<16xf32>
        %swap3A_604 = arith.index_cast %add3A_572 : i32 to index
        %swap3A_605 = arith.constant 32 : index
        %swap3A_606 = tpu.vector_load %arg10[%swap3A_604, %swap3A_605] {strides = array<i32>} : memref<256x64xf32, #tpu.memory_space<vmem>>, vector<1x16xf32>,
        %swap3A_607 = vector.shape_cast %swap3A_606 : vector<1x16xf32> to vector<16xf32>
        %swap3A_608 = vector.shape_cast %mul3A_603 : vector<16xf32> to vector<1x16xf32>
        tpu.vector_store %arg10[%swap3A_604, %swap3A_605], %swap3A_608 {strides = array<i32>} : memref<256x64xf32, #tpu.memory_space<vmem>>, vector<1x16xf32>,
        %get3A_609 = arith.index_cast %add3A_572 : i32 to index
        %get3A_610 = arith.constant 48 : index
        %get3A_611 = tpu.vector_load %arg10[%get3A_609, %get3A_610] {strides = array<i32>} : memref<256x64xf32, #tpu.memory_space<vmem>>, vector<1x16xf32>,
        %get3A_612 = vector.shape_cast %get3A_611 : vector<1x16xf32> to vector<16xf32>
        %mul3A_613 = arith.constant 8.000000e+00 : f32
        %mul3A_614 = vector.broadcast %mul3A_613 : f32 to vector<16xf32>
        %mul3A_615 = arith.mulf %get3A_612, %mul3A_614 : vector<16xf32>
        %swap3A_616 = arith.index_cast %add3A_572 : i32 to index
        %swap3A_617 = arith.constant 48 : index
        %swap3A_618 = tpu.vector_load %arg10[%swap3A_616, %swap3A_617] {strides = array<i32>} : memref<256x64xf32, #tpu.memory_space<vmem>>, vector<1x16xf32>,
        %swap3A_619 = vector.shape_cast %swap3A_618 : vector<1x16xf32> to vector<16xf32>
        %swap3A_620 = vector.shape_cast %mul3A_615 : vector<16xf32> to vector<1x16xf32>
        tpu.vector_store %arg10[%swap3A_616, %swap3A_617], %swap3A_620 {strides = array<i32>} : memref<256x64xf32, #tpu.memory_space<vmem>>, vector<1x16xf32>,
        %mul3A_621 = arith.constant 8 : i32
        %mul3A_622 = arith.muli %scan3A_310, %mul3A_621 : i32
        %add3A_623 = arith.constant 6 : i32
        %add3A_624 = arith.addi %mul3A_622, %add3A_623 : i32
        %get3A_625 = arith.index_cast %add3A_624 : i32 to index
        %get3A_626 = arith.constant 0 : index
        %get3A_627 = tpu.vector_load %arg10[%get3A_625, %get3A_626] {strides = array<i32>} : memref<256x64xf32, #tpu.memory_space<vmem>>, vector<1x16xf32>,
        %get3A_628 = vector.shape_cast %get3A_627 : vector<1x16xf32> to vector<16xf32>
        %mul3A_629 = arith.constant 8.000000e+00 : f32
        %mul3A_630 = vector.broadcast %mul3A_629 : f32 to vector<16xf32>
        %mul3A_631 = arith.mulf %get3A_628, %mul3A_630 : vector<16xf32>
        %swap3A_632 = arith.index_cast %add3A_624 : i32 to index
        %swap3A_633 = arith.constant 0 : index
        %swap3A_634 = tpu.vector_load %arg10[%swap3A_632, %swap3A_633] {strides = array<i32>} : memref<256x64xf32, #tpu.memory_space<vmem>>, vector<1x16xf32>,
        %swap3A_635 = vector.shape_cast %swap3A_634 : vector<1x16xf32> to vector<16xf32>
        %swap3A_636 = vector.shape_cast %mul3A_631 : vector<16xf32> to vector<1x16xf32>
        tpu.vector_store %arg10[%swap3A_632, %swap3A_633], %swap3A_636 {strides = array<i32>} : memref<256x64xf32, #tpu.memory_space<vmem>>, vector<1x16xf32>,
        %get3A_637 = arith.index_cast %add3A_624 : i32 to index
        %get3A_638 = arith.constant 16 : index
        %get3A_639 = tpu.vector_load %arg10[%get3A_637, %get3A_638] {strides = array<i32>} : memref<256x64xf32, #tpu.memory_space<vmem>>, vector<1x16xf32>,
        %get3A_640 = vector.shape_cast %get3A_639 : vector<1x16xf32> to vector<16xf32>
        %mul3A_641 = arith.constant 8.000000e+00 : f32
        %mul3A_642 = vector.broadcast %mul3A_641 : f32 to vector<16xf32>
        %mul3A_643 = arith.mulf %get3A_640, %mul3A_642 : vector<16xf32>
        %swap3A_644 = arith.index_cast %add3A_624 : i32 to index
        %swap3A_645 = arith.constant 16 : index
        %swap3A_646 = tpu.vector_load %arg10[%swap3A_644, %swap3A_645] {strides = array<i32>} : memref<256x64xf32, #tpu.memory_space<vmem>>, vector<1x16xf32>,
        %swap3A_647 = vector.shape_cast %swap3A_646 : vector<1x16xf32> to vector<16xf32>
        %swap3A_648 = vector.shape_cast %mul3A_643 : vector<16xf32> to vector<1x16xf32>
        tpu.vector_store %arg10[%swap3A_644, %swap3A_645], %swap3A_648 {strides = array<i32>} : memref<256x64xf32, #tpu.memory_space<vmem>>, vector<1x16xf32>,
        %get3A_649 = arith.index_cast %add3A_624 : i32 to index
        %get3A_650 = arith.constant 32 : index
        %get3A_651 = tpu.vector_load %arg10[%get3A_649, %get3A_650] {strides = array<i32>} : memref<256x64xf32, #tpu.memory_space<vmem>>, vector<1x16xf32>,
        %get3A_652 = vector.shape_cast %get3A_651 : vector<1x16xf32> to vector<16xf32>
        %mul3A_653 = arith.constant 8.000000e+00 : f32
        %mul3A_654 = vector.broadcast %mul3A_653 : f32 to vector<16xf32>
        %mul3A_655 = arith.mulf %get3A_652, %mul3A_654 : vector<16xf32>
        %swap3A_656 = arith.index_cast %add3A_624 : i32 to index
        %swap3A_657 = arith.constant 32 : index
        %swap3A_658 = tpu.vector_load %arg10[%swap3A_656, %swap3A_657] {strides = array<i32>} : memref<256x64xf32, #tpu.memory_space<vmem>>, vector<1x16xf32>,
        %swap3A_659 = vector.shape_cast %swap3A_658 : vector<1x16xf32> to vector<16xf32>
        %swap3A_660 = vector.shape_cast %mul3A_655 : vector<16xf32> to vector<1x16xf32>
        tpu.vector_store %arg10[%swap3A_656, %swap3A_657], %swap3A_660 {strides = array<i32>} : memref<256x64xf32, #tpu.memory_space<vmem>>, vector<1x16xf32>,
        %get3A_661 = arith.index_cast %add3A_624 : i32 to index
        %get3A_662 = arith.constant 48 : index
        %get3A_663 = tpu.vector_load %arg10[%get3A_661, %get3A_662] {strides = array<i32>} : memref<256x64xf32, #tpu.memory_space<vmem>>, vector<1x16xf32>,
        %get3A_664 = vector.shape_cast %get3A_663 : vector<1x16xf32> to vector<16xf32>
        %mul3A_665 = arith.constant 8.000000e+00 : f32
        %mul3A_666 = vector.broadcast %mul3A_665 : f32 to vector<16xf32>
        %mul3A_667 = arith.mulf %get3A_664, %mul3A_666 : vector<16xf32>
        %swap3A_668 = arith.index_cast %add3A_624 : i32 to index
        %swap3A_669 = arith.constant 48 : index
        %swap3A_670 = tpu.vector_load %arg10[%swap3A_668, %swap3A_669] {strides = array<i32>} : memref<256x64xf32, #tpu.memory_space<vmem>>, vector<1x16xf32>,
        %swap3A_671 = vector.shape_cast %swap3A_670 : vector<1x16xf32> to vector<16xf32>
        %swap3A_672 = vector.shape_cast %mul3A_667 : vector<16xf32> to vector<1x16xf32>
        tpu.vector_store %arg10[%swap3A_668, %swap3A_669], %swap3A_672 {strides = array<i32>} : memref<256x64xf32, #tpu.memory_space<vmem>>, vector<1x16xf32>,
        %mul3A_673 = arith.constant 8 : i32
        %mul3A_674 = arith.muli %scan3A_310, %mul3A_673 : i32
        %add3A_675 = arith.constant 7 : i32
        %add3A_676 = arith.addi %mul3A_674, %add3A_675 : i32
        %get3A_677 = arith.index_cast %add3A_676 : i32 to index
        %get3A_678 = arith.constant 0 : index
        %get3A_679 = tpu.vector_load %arg10[%get3A_677, %get3A_678] {strides = array<i32>} : memref<256x64xf32, #tpu.memory_space<vmem>>, vector<1x16xf32>,
        %get3A_680 = vector.shape_cast %get3A_679 : vector<1x16xf32> to vector<16xf32>
        %mul3A_681 = arith.constant 8.000000e+00 : f32
        %mul3A_682 = vector.broadcast %mul3A_681 : f32 to vector<16xf32>
        %mul3A_683 = arith.mulf %get3A_680, %mul3A_682 : vector<16xf32>
        %swap3A_684 = arith.index_cast %add3A_676 : i32 to index
        %swap3A_685 = arith.constant 0 : index
        %swap3A_686 = tpu.vector_load %arg10[%swap3A_684, %swap3A_685] {strides = array<i32>} : memref<256x64xf32, #tpu.memory_space<vmem>>, vector<1x16xf32>,
        %swap3A_687 = vector.shape_cast %swap3A_686 : vector<1x16xf32> to vector<16xf32>
        %swap3A_688 = vector.shape_cast %mul3A_683 : vector<16xf32> to vector<1x16xf32>
        tpu.vector_store %arg10[%swap3A_684, %swap3A_685], %swap3A_688 {strides = array<i32>} : memref<256x64xf32, #tpu.memory_space<vmem>>, vector<1x16xf32>,
        %get3A_689 = arith.index_cast %add3A_676 : i32 to index
        %get3A_690 = arith.constant 16 : index
        %get3A_691 = tpu.vector_load %arg10[%get3A_689, %get3A_690] {strides = array<i32>} : memref<256x64xf32, #tpu.memory_space<vmem>>, vector<1x16xf32>,
        %get3A_692 = vector.shape_cast %get3A_691 : vector<1x16xf32> to vector<16xf32>
        %mul3A_693 = arith.constant 8.000000e+00 : f32
        %mul3A_694 = vector.broadcast %mul3A_693 : f32 to vector<16xf32>
        %mul3A_695 = arith.mulf %get3A_692, %mul3A_694 : vector<16xf32>
        %swap3A_696 = arith.index_cast %add3A_676 : i32 to index
        %swap3A_697 = arith.constant 16 : index
        %swap3A_698 = tpu.vector_load %arg10[%swap3A_696, %swap3A_697] {strides = array<i32>} : memref<256x64xf32, #tpu.memory_space<vmem>>, vector<1x16xf32>,
        %swap3A_699 = vector.shape_cast %swap3A_698 : vector<1x16xf32> to vector<16xf32>
        %swap3A_700 = vector.shape_cast %mul3A_695 : vector<16xf32> to vector<1x16xf32>
        tpu.vector_store %arg10[%swap3A_696, %swap3A_697], %swap3A_700 {strides = array<i32>} : memref<256x64xf32, #tpu.memory_space<vmem>>, vector<1x16xf32>,
        %get3A_701 = arith.index_cast %add3A_676 : i32 to index
        %get3A_702 = arith.constant 32 : index
        %get3A_703 = tpu.vector_load %arg10[%get3A_701, %get3A_702] {strides = array<i32>} : memref<256x64xf32, #tpu.memory_space<vmem>>, vector<1x16xf32>,
        %get3A_704 = vector.shape_cast %get3A_703 : vector<1x16xf32> to vector<16xf32>
        %mul3A_705 = arith.constant 8.000000e+00 : f32
        %mul3A_706 = vector.broadcast %mul3A_705 : f32 to vector<16xf32>
        %mul3A_707 = arith.mulf %get3A_704, %mul3A_706 : vector<16xf32>
        %swap3A_708 = arith.index_cast %add3A_676 : i32 to index
        %swap3A_709 = arith.constant 32 : index
        %swap3A_710 = tpu.vector_load %arg10[%swap3A_708, %swap3A_709] {strides = array<i32>} : memref<256x64xf32, #tpu.memory_space<vmem>>, vector<1x16xf32>,
        %swap3A_711 = vector.shape_cast %swap3A_710 : vector<1x16xf32> to vector<16xf32>
        %swap3A_712 = vector.shape_cast %mul3A_707 : vector<16xf32> to vector<1x16xf32>
        tpu.vector_store %arg10[%swap3A_708, %swap3A_709], %swap3A_712 {strides = array<i32>} : memref<256x64xf32, #tpu.memory_space<vmem>>, vector<1x16xf32>,
        %get3A_713 = arith.index_cast %add3A_676 : i32 to index
        %get3A_714 = arith.constant 48 : index
        %get3A_715 = tpu.vector_load %arg10[%get3A_713, %get3A_714] {strides = array<i32>} : memref<256x64xf32, #tpu.memory_space<vmem>>, vector<1x16xf32>,
        %get3A_716 = vector.shape_cast %get3A_715 : vector<1x16xf32> to vector<16xf32>
        %mul3A_717 = arith.constant 8.000000e+00 : f32
        %mul3A_718 = vector.broadcast %mul3A_717 : f32 to vector<16xf32>
        %mul3A_719 = arith.mulf %get3A_716, %mul3A_718 : vector<16xf32>
        %swap3A_720 = arith.index_cast %add3A_676 : i32 to index
        %swap3A_721 = arith.constant 48 : index
        %swap3A_722 = tpu.vector_load %arg10[%swap3A_720, %swap3A_721] {strides = array<i32>} : memref<256x64xf32, #tpu.memory_space<vmem>>, vector<1x16xf32>,
        %swap3A_723 = vector.shape_cast %swap3A_722 : vector<1x16xf32> to vector<16xf32>
        %swap3A_724 = vector.shape_cast %mul3A_719 : vector<16xf32> to vector<1x16xf32>
        tpu.vector_store %arg10[%swap3A_720, %swap3A_721], %swap3A_724 {strides = array<i32>} : memref<256x64xf32, #tpu.memory_space<vmem>>, vector<1x16xf32>,
      }
      %scan3A_194 = arith.constant 32 : i32
      %mul3A_195 = arith.constant 2 : i32
      %mul3A_196 = arith.muli %add3A_154, %mul3A_195 : i32
      %add3A_197 = arith.addi %mul3A_2, %mul3A_196 : i32
      %mul3A_198 = arith.constant 128 : i32
      %mul3A_199 = arith.muli %add3A_197, %mul3A_198 : i32
      %dma_start3A_200 = arith.constant 0 : i32
      %dma_start3A_201 = tpu.memref_slice %arg4[%mul3A_199, %dma_start3A_200] : memref<819200x64xf32, #tpu.memory_space<hbm>> -> memref<256x64xf32, #tpu.memory_space<hbm>>
      %dma_start3A_202 = arith.constant 0 : i32
      %dma_start3A_203 = tpu.memref_slice %arg4[%mul3A_199, %dma_start3A_202] : memref<819200x64xf32, #tpu.memory_space<hbm>> -> memref<256x64xf32, #tpu.memory_space<hbm>>
      tpu.enqueue_dma source(%arg10 : memref<256x64xf32, #tpu.memory_space<vmem>>) target(%dma_start3A_203 : memref<256x64xf32, #tpu.memory_space<hbm>>) target_semaphore(%arg14 : memref<!tpu.dma_semaphore, #tpu.memory_space<semaphore_mem>>)
      %mul3A_204 = arith.constant 4 : i32
      %mul3A_205 = arith.muli %mul3A_204, %scan3A_100 : i32
      %add3A_206 = arith.constant 2 : i32
      %add3A_207 = arith.addi %mul3A_205, %add3A_206 : i32
      %add3A_208 = arith.constant 2 : i32
      %add3A_209 = arith.addi %add3A_207, %add3A_208 : i32
      %add3A_210 = arith.constant 3 : i32
      %add3A_211 = arith.addi %add3A_207, %add3A_210 : i32
      %lt3A_212 = arith.constant 100 : i32
      %lt3A_213 = arith.cmpi slt, %add3A_211, %lt3A_212 : i32
      %convert_element_type3A_214 = arith.extui %lt3A_213 : i1 to i32
      %cond3A_215 = arith.constant 0 : i32
      %cond3A_216 = arith.cmpi ne, %convert_element_type3A_214, %cond3A_215 : i32
      scf.if %cond3A_216 {
        %add3A_310 = arith.constant 3 : i32
        %add3A_311 = arith.addi %add3A_207, %add3A_310 : i32
        %mul3A_312 = arith.constant 2 : i32
        %mul3A_313 = arith.muli %add3A_311, %mul3A_312 : i32
        %add3A_314 = arith.addi %mul3A_2, %mul3A_313 : i32
        %dma_start3A_315 = arith.constant 0 : i32
        %dma_start3A_316 = tpu.memref_slice %arg3[%add3A_314, %dma_start3A_315] : memref<6400x128xi32, #tpu.memory_space<hbm>> -> memref<2x128xi32, #tpu.memory_space<hbm>>
        %dma_start3A_317 = arith.constant 0 : i32
        %dma_start3A_318 = tpu.memref_slice %arg3[%add3A_314, %dma_start3A_317] : memref<6400x128xi32, #tpu.memory_space<hbm>> -> memref<2x128xi32, #tpu.memory_space<hbm>>
        tpu.enqueue_dma source(%dma_start3A_318 : memref<2x128xi32, #tpu.memory_space<hbm>>) target(%arg6 : memref<2x128xi32, #tpu.memory_space<vmem>>) target_semaphore(%arg15 : memref<!tpu.dma_semaphore, #tpu.memory_space<semaphore_mem>>)
      } else {
      }
      %lt3A_217 = arith.constant 100 : i32
      %lt3A_218 = arith.cmpi slt, %add3A_209, %lt3A_217 : i32
      %convert_element_type3A_219 = arith.extui %lt3A_218 : i1 to i32
      %cond3A_220 = arith.constant 0 : i32
      %cond3A_221 = arith.cmpi ne, %convert_element_type3A_219, %cond3A_220 : i32
      scf.if %cond3A_221 {
        %ge3A = arith.constant 2 : i32
        %ge3A_310 = arith.cmpi sge, %add3A_207, %ge3A : i32
        %convert_element_type3A_311 = arith.extui %ge3A_310 : i1 to i32
        %cond3A_312 = arith.constant 0 : i32
        %cond3A_313 = arith.cmpi ne, %convert_element_type3A_311, %cond3A_312 : i32
        scf.if %cond3A_313 {
          %dma_wait3A_340 = arith.constant 0 : i32
          %dma_wait3A_341 = arith.constant 0 : i32
          %dma_wait3A_342 = tpu.memref_slice %arg4[%dma_wait3A_340, %dma_wait3A_341] : memref<819200x64xf32, #tpu.memory_space<hbm>> -> memref<256x64xf32, #tpu.memory_space<hbm>>
          %dma_wait3A_343 = arith.constant 0 : i32
          %dma_wait3A_344 = arith.constant 0 : i32
          %dma_wait3A_345 = tpu.memref_slice %arg4[%dma_wait3A_343, %dma_wait3A_344] : memref<819200x64xf32, #tpu.memory_space<hbm>> -> memref<256x64xf32, #tpu.memory_space<hbm>>
          tpu.wait_dma2 semaphore(%arg14 : memref<!tpu.dma_semaphore, #tpu.memory_space<semaphore_mem>>) src(%arg9 : memref<256x64xf32, #tpu.memory_space<vmem>>) dst(%dma_wait3A_345 : memref<256x64xf32, #tpu.memory_space<hbm>>)
        } else {
        }
        %dma_wait3A_314 = arith.constant 0 : i32
        %dma_wait3A_315 = arith.constant 0 : i32
        %dma_wait3A_316 = tpu.memref_slice %arg3[%dma_wait3A_314, %dma_wait3A_315] : memref<6400x128xi32, #tpu.memory_space<hbm>> -> memref<2x128xi32, #tpu.memory_space<hbm>>
        %dma_wait3A_317 = arith.constant 0 : i32
        %dma_wait3A_318 = arith.constant 0 : i32
        %dma_wait3A_319 = tpu.memref_slice %arg3[%dma_wait3A_317, %dma_wait3A_318] : memref<6400x128xi32, #tpu.memory_space<hbm>> -> memref<2x128xi32, #tpu.memory_space<hbm>>
        tpu.wait_dma2 semaphore(%arg15 : memref<!tpu.dma_semaphore, #tpu.memory_space<semaphore_mem>>) src(%dma_wait3A_319 : memref<2x128xi32, #tpu.memory_space<hbm>>) dst(%arg5 : memref<2x128xi32, #tpu.memory_space<vmem>>)
        %dma_start3A_320 = arith.constant 0 : i32
        %dma_start3A_321 = arith.constant 0 : i32
        %dma_start3A_322 = arith.constant 0 : i32
        %dma_start3A_323 = tpu.memref_slice %arg9[%dma_start3A_321, %dma_start3A_322] : memref<256x64xf32, #tpu.memory_space<vmem>> -> memref<128x64xf32, #tpu.memory_space<vmem>>
        %dma_start3A_324 = arith.constant 0 : i32
        %dma_start3A_325 = tpu.memref_slice %arg5[%dma_start3A_320, %dma_start3A_324] : memref<2x128xi32, #tpu.memory_space<vmem>> -> memref<1x128xi32, #tpu.memory_space<vmem>>
        %dma_start3A_326 = tpu.memref_squeeze %dma_start3A_325 : memref<1x128xi32, #tpu.memory_space<vmem>> -> memref<128xi32, #tpu.memory_space<vmem>>
        %dma_start3A_327 = arith.constant 0 : i32
        %dma_start3A_328 = arith.constant 0 : i32
        %dma_start3A_329 = tpu.memref_slice %arg2[%dma_start3A_327, %dma_start3A_328] : memref<1000000x64xf32, #tpu.memory_space<hbm>> -> memref<1000000x64xf32, #tpu.memory_space<hbm>>
        tpu.enqueue_indirect_dma source(%dma_start3A_329 : memref<1000000x64xf32, #tpu.memory_space<hbm>>) target(%dma_start3A_323 : memref<128x64xf32, #tpu.memory_space<vmem>>) offsets(%dma_start3A_326 : memref<128xi32, #tpu.memory_space<vmem>>) semaphore(%arg13 : memref<!tpu.dma_semaphore, #tpu.memory_space<semaphore_mem>>)
        %dma_start3A_330 = arith.constant 1 : i32
        %dma_start3A_331 = arith.constant 128 : i32
        %dma_start3A_332 = arith.constant 0 : i32
        %dma_start3A_333 = tpu.memref_slice %arg9[%dma_start3A_331, %dma_start3A_332] : memref<256x64xf32, #tpu.memory_space<vmem>> -> memref<128x64xf32, #tpu.memory_space<vmem>>
        %dma_start3A_334 = arith.constant 0 : i32
        %dma_start3A_335 = tpu.memref_slice %arg5[%dma_start3A_330, %dma_start3A_334] : memref<2x128xi32, #tpu.memory_space<vmem>> -> memref<1x128xi32, #tpu.memory_space<vmem>>
        %dma_start3A_336 = tpu.memref_squeeze %dma_start3A_335 : memref<1x128xi32, #tpu.memory_space<vmem>> -> memref<128xi32, #tpu.memory_space<vmem>>
        %dma_start3A_337 = arith.constant 0 : i32
        %dma_start3A_338 = arith.constant 0 : i32
        %dma_start3A_339 = tpu.memref_slice %arg2[%dma_start3A_337, %dma_start3A_338] : memref<1000000x64xf32, #tpu.memory_space<hbm>> -> memref<1000000x64xf32, #tpu.memory_space<hbm>>
        tpu.enqueue_indirect_dma source(%dma_start3A_339 : memref<1000000x64xf32, #tpu.memory_space<hbm>>) target(%dma_start3A_333 : memref<128x64xf32, #tpu.memory_space<vmem>>) offsets(%dma_start3A_336 : memref<128xi32, #tpu.memory_space<vmem>>) semaphore(%arg13 : memref<!tpu.dma_semaphore, #tpu.memory_space<semaphore_mem>>)
      } else {
      }
      %dma_wait3A_222 = arith.constant 0 : i32
      %dma_wait3A_223 = arith.constant 0 : i32
      %dma_wait3A_224 = arith.constant 0 : i32
      %dma_wait3A_225 = tpu.memref_slice %arg11[%dma_wait3A_223, %dma_wait3A_224] : memref<256x64xf32, #tpu.memory_space<vmem>> -> memref<128x64xf32, #tpu.memory_space<vmem>>
      %dma_wait3A_226 = arith.constant 0 : i32
      %dma_wait3A_227 = tpu.memref_slice %arg7[%dma_wait3A_222, %dma_wait3A_226] : memref<2x128xi32, #tpu.memory_space<vmem>> -> memref<1x128xi32, #tpu.memory_space<vmem>>
      %dma_wait3A_228 = tpu.memref_squeeze %dma_wait3A_227 : memref<1x128xi32, #tpu.memory_space<vmem>> -> memref<128xi32, #tpu.memory_space<vmem>>
      %dma_wait3A_229 = arith.constant 0 : i32
      %dma_wait3A_230 = arith.constant 0 : i32
      %dma_wait3A_231 = tpu.memref_slice %arg2[%dma_wait3A_229, %dma_wait3A_230] : memref<1000000x64xf32, #tpu.memory_space<hbm>> -> memref<1000000x64xf32, #tpu.memory_space<hbm>>
      tpu.wait_indirect_dma semaphore(%arg13 : memref<!tpu.dma_semaphore, #tpu.memory_space<semaphore_mem>>) src(%dma_wait3A_231 : memref<1000000x64xf32, #tpu.memory_space<hbm>>) dst(%dma_wait3A_225 : memref<128x64xf32, #tpu.memory_space<vmem>>)
      %dma_wait3A_232 = arith.constant 1 : i32
      %dma_wait3A_233 = arith.constant 128 : i32
      %dma_wait3A_234 = arith.constant 0 : i32
      %dma_wait3A_235 = tpu.memref_slice %arg11[%dma_wait3A_233, %dma_wait3A_234] : memref<256x64xf32, #tpu.memory_space<vmem>> -> memref<128x64xf32, #tpu.memory_space<vmem>>
      %dma_wait3A_236 = arith.constant 0 : i32
      %dma_wait3A_237 = tpu.memref_slice %arg7[%dma_wait3A_232, %dma_wait3A_236] : memref<2x128xi32, #tpu.memory_space<vmem>> -> memref<1x128xi32, #tpu.memory_space<vmem>>
      %dma_wait3A_238 = tpu.memref_squeeze %dma_wait3A_237 : memref<1x128xi32, #tpu.memory_space<vmem>> -> memref<128xi32, #tpu.memory_space<vmem>>
      %dma_wait3A_239 = arith.constant 0 : i32
      %dma_wait3A_240 = arith.constant 0 : i32
      %dma_wait3A_241 = tpu.memref_slice %arg2[%dma_wait3A_239, %dma_wait3A_240] : memref<1000000x64xf32, #tpu.memory_space<hbm>> -> memref<1000000x64xf32, #tpu.memory_space<hbm>>
      tpu.wait_indirect_dma semaphore(%arg13 : memref<!tpu.dma_semaphore, #tpu.memory_space<semaphore_mem>>) src(%dma_wait3A_241 : memref<1000000x64xf32, #tpu.memory_space<hbm>>) dst(%dma_wait3A_235 : memref<128x64xf32, #tpu.memory_space<vmem>>)
      %scan3A_242 = arith.constant 0 : i32
      %scan3A_243 = arith.constant 0 : i32
      %scan3A_244 = arith.constant 32 : i32
      %scan3A_245 = arith.addi %scan3A_243, %scan3A_244 : i32
      %scan3A_246 = arith.constant 1 : i32
      scf.for %scan3A_310 = %scan3A_243 to %scan3A_245 step %scan3A_246  : i32 {
        %mul3A_311 = arith.constant 8 : i32
        %mul3A_312 = arith.muli %scan3A_310, %mul3A_311 : i32
        %add3A_313 = arith.constant 0 : i32
        %add3A_314 = arith.addi %mul3A_312, %add3A_313 : i32
        %get3A = arith.index_cast %add3A_314 : i32 to index
        %get3A_315 = arith.constant 0 : index
        %get3A_316 = tpu.vector_load %arg11[%get3A, %get3A_315] {strides = array<i32>} : memref<256x64xf32, #tpu.memory_space<vmem>>, vector<1x16xf32>,
        %get3A_317 = vector.shape_cast %get3A_316 : vector<1x16xf32> to vector<16xf32>
        %mul3A_318 = arith.constant 8.000000e+00 : f32
        %mul3A_319 = vector.broadcast %mul3A_318 : f32 to vector<16xf32>
        %mul3A_320 = arith.mulf %get3A_317, %mul3A_319 : vector<16xf32>
        %swap3A = arith.index_cast %add3A_314 : i32 to index
        %swap3A_321 = arith.constant 0 : index
        %swap3A_322 = tpu.vector_load %arg11[%swap3A, %swap3A_321] {strides = array<i32>} : memref<256x64xf32, #tpu.memory_space<vmem>>, vector<1x16xf32>,
        %swap3A_323 = vector.shape_cast %swap3A_322 : vector<1x16xf32> to vector<16xf32>
        %swap3A_324 = vector.shape_cast %mul3A_320 : vector<16xf32> to vector<1x16xf32>
        tpu.vector_store %arg11[%swap3A, %swap3A_321], %swap3A_324 {strides = array<i32>} : memref<256x64xf32, #tpu.memory_space<vmem>>, vector<1x16xf32>,
        %get3A_325 = arith.index_cast %add3A_314 : i32 to index
        %get3A_326 = arith.constant 16 : index
        %get3A_327 = tpu.vector_load %arg11[%get3A_325, %get3A_326] {strides = array<i32>} : memref<256x64xf32, #tpu.memory_space<vmem>>, vector<1x16xf32>,
        %get3A_328 = vector.shape_cast %get3A_327 : vector<1x16xf32> to vector<16xf32>
        %mul3A_329 = arith.constant 8.000000e+00 : f32
        %mul3A_330 = vector.broadcast %mul3A_329 : f32 to vector<16xf32>
        %mul3A_331 = arith.mulf %get3A_328, %mul3A_330 : vector<16xf32>
        %swap3A_332 = arith.index_cast %add3A_314 : i32 to index
        %swap3A_333 = arith.constant 16 : index
        %swap3A_334 = tpu.vector_load %arg11[%swap3A_332, %swap3A_333] {strides = array<i32>} : memref<256x64xf32, #tpu.memory_space<vmem>>, vector<1x16xf32>,
        %swap3A_335 = vector.shape_cast %swap3A_334 : vector<1x16xf32> to vector<16xf32>
        %swap3A_336 = vector.shape_cast %mul3A_331 : vector<16xf32> to vector<1x16xf32>
        tpu.vector_store %arg11[%swap3A_332, %swap3A_333], %swap3A_336 {strides = array<i32>} : memref<256x64xf32, #tpu.memory_space<vmem>>, vector<1x16xf32>,
        %get3A_337 = arith.index_cast %add3A_314 : i32 to index
        %get3A_338 = arith.constant 32 : index
        %get3A_339 = tpu.vector_load %arg11[%get3A_337, %get3A_338] {strides = array<i32>} : memref<256x64xf32, #tpu.memory_space<vmem>>, vector<1x16xf32>,
        %get3A_340 = vector.shape_cast %get3A_339 : vector<1x16xf32> to vector<16xf32>
        %mul3A_341 = arith.constant 8.000000e+00 : f32
        %mul3A_342 = vector.broadcast %mul3A_341 : f32 to vector<16xf32>
        %mul3A_343 = arith.mulf %get3A_340, %mul3A_342 : vector<16xf32>
        %swap3A_344 = arith.index_cast %add3A_314 : i32 to index
        %swap3A_345 = arith.constant 32 : index
        %swap3A_346 = tpu.vector_load %arg11[%swap3A_344, %swap3A_345] {strides = array<i32>} : memref<256x64xf32, #tpu.memory_space<vmem>>, vector<1x16xf32>,
        %swap3A_347 = vector.shape_cast %swap3A_346 : vector<1x16xf32> to vector<16xf32>
        %swap3A_348 = vector.shape_cast %mul3A_343 : vector<16xf32> to vector<1x16xf32>
        tpu.vector_store %arg11[%swap3A_344, %swap3A_345], %swap3A_348 {strides = array<i32>} : memref<256x64xf32, #tpu.memory_space<vmem>>, vector<1x16xf32>,
        %get3A_349 = arith.index_cast %add3A_314 : i32 to index
        %get3A_350 = arith.constant 48 : index
        %get3A_351 = tpu.vector_load %arg11[%get3A_349, %get3A_350] {strides = array<i32>} : memref<256x64xf32, #tpu.memory_space<vmem>>, vector<1x16xf32>,
        %get3A_352 = vector.shape_cast %get3A_351 : vector<1x16xf32> to vector<16xf32>
        %mul3A_353 = arith.constant 8.000000e+00 : f32
        %mul3A_354 = vector.broadcast %mul3A_353 : f32 to vector<16xf32>
        %mul3A_355 = arith.mulf %get3A_352, %mul3A_354 : vector<16xf32>
        %swap3A_356 = arith.index_cast %add3A_314 : i32 to index
        %swap3A_357 = arith.constant 48 : index
        %swap3A_358 = tpu.vector_load %arg11[%swap3A_356, %swap3A_357] {strides = array<i32>} : memref<256x64xf32, #tpu.memory_space<vmem>>, vector<1x16xf32>,
        %swap3A_359 = vector.shape_cast %swap3A_358 : vector<1x16xf32> to vector<16xf32>
        %swap3A_360 = vector.shape_cast %mul3A_355 : vector<16xf32> to vector<1x16xf32>
        tpu.vector_store %arg11[%swap3A_356, %swap3A_357], %swap3A_360 {strides = array<i32>} : memref<256x64xf32, #tpu.memory_space<vmem>>, vector<1x16xf32>,
        %mul3A_361 = arith.constant 8 : i32
        %mul3A_362 = arith.muli %scan3A_310, %mul3A_361 : i32
        %add3A_363 = arith.constant 1 : i32
        %add3A_364 = arith.addi %mul3A_362, %add3A_363 : i32
        %get3A_365 = arith.index_cast %add3A_364 : i32 to index
        %get3A_366 = arith.constant 0 : index
        %get3A_367 = tpu.vector_load %arg11[%get3A_365, %get3A_366] {strides = array<i32>} : memref<256x64xf32, #tpu.memory_space<vmem>>, vector<1x16xf32>,
        %get3A_368 = vector.shape_cast %get3A_367 : vector<1x16xf32> to vector<16xf32>
        %mul3A_369 = arith.constant 8.000000e+00 : f32
        %mul3A_370 = vector.broadcast %mul3A_369 : f32 to vector<16xf32>
        %mul3A_371 = arith.mulf %get3A_368, %mul3A_370 : vector<16xf32>
        %swap3A_372 = arith.index_cast %add3A_364 : i32 to index
        %swap3A_373 = arith.constant 0 : index
        %swap3A_374 = tpu.vector_load %arg11[%swap3A_372, %swap3A_373] {strides = array<i32>} : memref<256x64xf32, #tpu.memory_space<vmem>>, vector<1x16xf32>,
        %swap3A_375 = vector.shape_cast %swap3A_374 : vector<1x16xf32> to vector<16xf32>
        %swap3A_376 = vector.shape_cast %mul3A_371 : vector<16xf32> to vector<1x16xf32>
        tpu.vector_store %arg11[%swap3A_372, %swap3A_373], %swap3A_376 {strides = array<i32>} : memref<256x64xf32, #tpu.memory_space<vmem>>, vector<1x16xf32>,
        %get3A_377 = arith.index_cast %add3A_364 : i32 to index
        %get3A_378 = arith.constant 16 : index
        %get3A_379 = tpu.vector_load %arg11[%get3A_377, %get3A_378] {strides = array<i32>} : memref<256x64xf32, #tpu.memory_space<vmem>>, vector<1x16xf32>,
        %get3A_380 = vector.shape_cast %get3A_379 : vector<1x16xf32> to vector<16xf32>
        %mul3A_381 = arith.constant 8.000000e+00 : f32
        %mul3A_382 = vector.broadcast %mul3A_381 : f32 to vector<16xf32>
        %mul3A_383 = arith.mulf %get3A_380, %mul3A_382 : vector<16xf32>
        %swap3A_384 = arith.index_cast %add3A_364 : i32 to index
        %swap3A_385 = arith.constant 16 : index
        %swap3A_386 = tpu.vector_load %arg11[%swap3A_384, %swap3A_385] {strides = array<i32>} : memref<256x64xf32, #tpu.memory_space<vmem>>, vector<1x16xf32>,
        %swap3A_387 = vector.shape_cast %swap3A_386 : vector<1x16xf32> to vector<16xf32>
        %swap3A_388 = vector.shape_cast %mul3A_383 : vector<16xf32> to vector<1x16xf32>
        tpu.vector_store %arg11[%swap3A_384, %swap3A_385], %swap3A_388 {strides = array<i32>} : memref<256x64xf32, #tpu.memory_space<vmem>>, vector<1x16xf32>,
        %get3A_389 = arith.index_cast %add3A_364 : i32 to index
        %get3A_390 = arith.constant 32 : index
        %get3A_391 = tpu.vector_load %arg11[%get3A_389, %get3A_390] {strides = array<i32>} : memref<256x64xf32, #tpu.memory_space<vmem>>, vector<1x16xf32>,
        %get3A_392 = vector.shape_cast %get3A_391 : vector<1x16xf32> to vector<16xf32>
        %mul3A_393 = arith.constant 8.000000e+00 : f32
        %mul3A_394 = vector.broadcast %mul3A_393 : f32 to vector<16xf32>
        %mul3A_395 = arith.mulf %get3A_392, %mul3A_394 : vector<16xf32>
        %swap3A_396 = arith.index_cast %add3A_364 : i32 to index
        %swap3A_397 = arith.constant 32 : index
        %swap3A_398 = tpu.vector_load %arg11[%swap3A_396, %swap3A_397] {strides = array<i32>} : memref<256x64xf32, #tpu.memory_space<vmem>>, vector<1x16xf32>,
        %swap3A_399 = vector.shape_cast %swap3A_398 : vector<1x16xf32> to vector<16xf32>
        %swap3A_400 = vector.shape_cast %mul3A_395 : vector<16xf32> to vector<1x16xf32>
        tpu.vector_store %arg11[%swap3A_396, %swap3A_397], %swap3A_400 {strides = array<i32>} : memref<256x64xf32, #tpu.memory_space<vmem>>, vector<1x16xf32>,
        %get3A_401 = arith.index_cast %add3A_364 : i32 to index
        %get3A_402 = arith.constant 48 : index
        %get3A_403 = tpu.vector_load %arg11[%get3A_401, %get3A_402] {strides = array<i32>} : memref<256x64xf32, #tpu.memory_space<vmem>>, vector<1x16xf32>,
        %get3A_404 = vector.shape_cast %get3A_403 : vector<1x16xf32> to vector<16xf32>
        %mul3A_405 = arith.constant 8.000000e+00 : f32
        %mul3A_406 = vector.broadcast %mul3A_405 : f32 to vector<16xf32>
        %mul3A_407 = arith.mulf %get3A_404, %mul3A_406 : vector<16xf32>
        %swap3A_408 = arith.index_cast %add3A_364 : i32 to index
        %swap3A_409 = arith.constant 48 : index
        %swap3A_410 = tpu.vector_load %arg11[%swap3A_408, %swap3A_409] {strides = array<i32>} : memref<256x64xf32, #tpu.memory_space<vmem>>, vector<1x16xf32>,
        %swap3A_411 = vector.shape_cast %swap3A_410 : vector<1x16xf32> to vector<16xf32>
        %swap3A_412 = vector.shape_cast %mul3A_407 : vector<16xf32> to vector<1x16xf32>
        tpu.vector_store %arg11[%swap3A_408, %swap3A_409], %swap3A_412 {strides = array<i32>} : memref<256x64xf32, #tpu.memory_space<vmem>>, vector<1x16xf32>,
        %mul3A_413 = arith.constant 8 : i32
        %mul3A_414 = arith.muli %scan3A_310, %mul3A_413 : i32
        %add3A_415 = arith.constant 2 : i32
        %add3A_416 = arith.addi %mul3A_414, %add3A_415 : i32
        %get3A_417 = arith.index_cast %add3A_416 : i32 to index
        %get3A_418 = arith.constant 0 : index
        %get3A_419 = tpu.vector_load %arg11[%get3A_417, %get3A_418] {strides = array<i32>} : memref<256x64xf32, #tpu.memory_space<vmem>>, vector<1x16xf32>,
        %get3A_420 = vector.shape_cast %get3A_419 : vector<1x16xf32> to vector<16xf32>
        %mul3A_421 = arith.constant 8.000000e+00 : f32
        %mul3A_422 = vector.broadcast %mul3A_421 : f32 to vector<16xf32>
        %mul3A_423 = arith.mulf %get3A_420, %mul3A_422 : vector<16xf32>
        %swap3A_424 = arith.index_cast %add3A_416 : i32 to index
        %swap3A_425 = arith.constant 0 : index
        %swap3A_426 = tpu.vector_load %arg11[%swap3A_424, %swap3A_425] {strides = array<i32>} : memref<256x64xf32, #tpu.memory_space<vmem>>, vector<1x16xf32>,
        %swap3A_427 = vector.shape_cast %swap3A_426 : vector<1x16xf32> to vector<16xf32>
        %swap3A_428 = vector.shape_cast %mul3A_423 : vector<16xf32> to vector<1x16xf32>
        tpu.vector_store %arg11[%swap3A_424, %swap3A_425], %swap3A_428 {strides = array<i32>} : memref<256x64xf32, #tpu.memory_space<vmem>>, vector<1x16xf32>,
        %get3A_429 = arith.index_cast %add3A_416 : i32 to index
        %get3A_430 = arith.constant 16 : index
        %get3A_431 = tpu.vector_load %arg11[%get3A_429, %get3A_430] {strides = array<i32>} : memref<256x64xf32, #tpu.memory_space<vmem>>, vector<1x16xf32>,
        %get3A_432 = vector.shape_cast %get3A_431 : vector<1x16xf32> to vector<16xf32>
        %mul3A_433 = arith.constant 8.000000e+00 : f32
        %mul3A_434 = vector.broadcast %mul3A_433 : f32 to vector<16xf32>
        %mul3A_435 = arith.mulf %get3A_432, %mul3A_434 : vector<16xf32>
        %swap3A_436 = arith.index_cast %add3A_416 : i32 to index
        %swap3A_437 = arith.constant 16 : index
        %swap3A_438 = tpu.vector_load %arg11[%swap3A_436, %swap3A_437] {strides = array<i32>} : memref<256x64xf32, #tpu.memory_space<vmem>>, vector<1x16xf32>,
        %swap3A_439 = vector.shape_cast %swap3A_438 : vector<1x16xf32> to vector<16xf32>
        %swap3A_440 = vector.shape_cast %mul3A_435 : vector<16xf32> to vector<1x16xf32>
        tpu.vector_store %arg11[%swap3A_436, %swap3A_437], %swap3A_440 {strides = array<i32>} : memref<256x64xf32, #tpu.memory_space<vmem>>, vector<1x16xf32>,
        %get3A_441 = arith.index_cast %add3A_416 : i32 to index
        %get3A_442 = arith.constant 32 : index
        %get3A_443 = tpu.vector_load %arg11[%get3A_441, %get3A_442] {strides = array<i32>} : memref<256x64xf32, #tpu.memory_space<vmem>>, vector<1x16xf32>,
        %get3A_444 = vector.shape_cast %get3A_443 : vector<1x16xf32> to vector<16xf32>
        %mul3A_445 = arith.constant 8.000000e+00 : f32
        %mul3A_446 = vector.broadcast %mul3A_445 : f32 to vector<16xf32>
        %mul3A_447 = arith.mulf %get3A_444, %mul3A_446 : vector<16xf32>
        %swap3A_448 = arith.index_cast %add3A_416 : i32 to index
        %swap3A_449 = arith.constant 32 : index
        %swap3A_450 = tpu.vector_load %arg11[%swap3A_448, %swap3A_449] {strides = array<i32>} : memref<256x64xf32, #tpu.memory_space<vmem>>, vector<1x16xf32>,
        %swap3A_451 = vector.shape_cast %swap3A_450 : vector<1x16xf32> to vector<16xf32>
        %swap3A_452 = vector.shape_cast %mul3A_447 : vector<16xf32> to vector<1x16xf32>
        tpu.vector_store %arg11[%swap3A_448, %swap3A_449], %swap3A_452 {strides = array<i32>} : memref<256x64xf32, #tpu.memory_space<vmem>>, vector<1x16xf32>,
        %get3A_453 = arith.index_cast %add3A_416 : i32 to index
        %get3A_454 = arith.constant 48 : index
        %get3A_455 = tpu.vector_load %arg11[%get3A_453, %get3A_454] {strides = array<i32>} : memref<256x64xf32, #tpu.memory_space<vmem>>, vector<1x16xf32>,
        %get3A_456 = vector.shape_cast %get3A_455 : vector<1x16xf32> to vector<16xf32>
        %mul3A_457 = arith.constant 8.000000e+00 : f32
        %mul3A_458 = vector.broadcast %mul3A_457 : f32 to vector<16xf32>
        %mul3A_459 = arith.mulf %get3A_456, %mul3A_458 : vector<16xf32>
        %swap3A_460 = arith.index_cast %add3A_416 : i32 to index
        %swap3A_461 = arith.constant 48 : index
        %swap3A_462 = tpu.vector_load %arg11[%swap3A_460, %swap3A_461] {strides = array<i32>} : memref<256x64xf32, #tpu.memory_space<vmem>>, vector<1x16xf32>,
        %swap3A_463 = vector.shape_cast %swap3A_462 : vector<1x16xf32> to vector<16xf32>
        %swap3A_464 = vector.shape_cast %mul3A_459 : vector<16xf32> to vector<1x16xf32>
        tpu.vector_store %arg11[%swap3A_460, %swap3A_461], %swap3A_464 {strides = array<i32>} : memref<256x64xf32, #tpu.memory_space<vmem>>, vector<1x16xf32>,
        %mul3A_465 = arith.constant 8 : i32
        %mul3A_466 = arith.muli %scan3A_310, %mul3A_465 : i32
        %add3A_467 = arith.constant 3 : i32
        %add3A_468 = arith.addi %mul3A_466, %add3A_467 : i32
        %get3A_469 = arith.index_cast %add3A_468 : i32 to index
        %get3A_470 = arith.constant 0 : index
        %get3A_471 = tpu.vector_load %arg11[%get3A_469, %get3A_470] {strides = array<i32>} : memref<256x64xf32, #tpu.memory_space<vmem>>, vector<1x16xf32>,
        %get3A_472 = vector.shape_cast %get3A_471 : vector<1x16xf32> to vector<16xf32>
        %mul3A_473 = arith.constant 8.000000e+00 : f32
        %mul3A_474 = vector.broadcast %mul3A_473 : f32 to vector<16xf32>
        %mul3A_475 = arith.mulf %get3A_472, %mul3A_474 : vector<16xf32>
        %swap3A_476 = arith.index_cast %add3A_468 : i32 to index
        %swap3A_477 = arith.constant 0 : index
        %swap3A_478 = tpu.vector_load %arg11[%swap3A_476, %swap3A_477] {strides = array<i32>} : memref<256x64xf32, #tpu.memory_space<vmem>>, vector<1x16xf32>,
        %swap3A_479 = vector.shape_cast %swap3A_478 : vector<1x16xf32> to vector<16xf32>
        %swap3A_480 = vector.shape_cast %mul3A_475 : vector<16xf32> to vector<1x16xf32>
        tpu.vector_store %arg11[%swap3A_476, %swap3A_477], %swap3A_480 {strides = array<i32>} : memref<256x64xf32, #tpu.memory_space<vmem>>, vector<1x16xf32>,
        %get3A_481 = arith.index_cast %add3A_468 : i32 to index
        %get3A_482 = arith.constant 16 : index
        %get3A_483 = tpu.vector_load %arg11[%get3A_481, %get3A_482] {strides = array<i32>} : memref<256x64xf32, #tpu.memory_space<vmem>>, vector<1x16xf32>,
        %get3A_484 = vector.shape_cast %get3A_483 : vector<1x16xf32> to vector<16xf32>
        %mul3A_485 = arith.constant 8.000000e+00 : f32
        %mul3A_486 = vector.broadcast %mul3A_485 : f32 to vector<16xf32>
        %mul3A_487 = arith.mulf %get3A_484, %mul3A_486 : vector<16xf32>
        %swap3A_488 = arith.index_cast %add3A_468 : i32 to index
        %swap3A_489 = arith.constant 16 : index
        %swap3A_490 = tpu.vector_load %arg11[%swap3A_488, %swap3A_489] {strides = array<i32>} : memref<256x64xf32, #tpu.memory_space<vmem>>, vector<1x16xf32>,
        %swap3A_491 = vector.shape_cast %swap3A_490 : vector<1x16xf32> to vector<16xf32>
        %swap3A_492 = vector.shape_cast %mul3A_487 : vector<16xf32> to vector<1x16xf32>
        tpu.vector_store %arg11[%swap3A_488, %swap3A_489], %swap3A_492 {strides = array<i32>} : memref<256x64xf32, #tpu.memory_space<vmem>>, vector<1x16xf32>,
        %get3A_493 = arith.index_cast %add3A_468 : i32 to index
        %get3A_494 = arith.constant 32 : index
        %get3A_495 = tpu.vector_load %arg11[%get3A_493, %get3A_494] {strides = array<i32>} : memref<256x64xf32, #tpu.memory_space<vmem>>, vector<1x16xf32>,
        %get3A_496 = vector.shape_cast %get3A_495 : vector<1x16xf32> to vector<16xf32>
        %mul3A_497 = arith.constant 8.000000e+00 : f32
        %mul3A_498 = vector.broadcast %mul3A_497 : f32 to vector<16xf32>
        %mul3A_499 = arith.mulf %get3A_496, %mul3A_498 : vector<16xf32>
        %swap3A_500 = arith.index_cast %add3A_468 : i32 to index
        %swap3A_501 = arith.constant 32 : index
        %swap3A_502 = tpu.vector_load %arg11[%swap3A_500, %swap3A_501] {strides = array<i32>} : memref<256x64xf32, #tpu.memory_space<vmem>>, vector<1x16xf32>,
        %swap3A_503 = vector.shape_cast %swap3A_502 : vector<1x16xf32> to vector<16xf32>
        %swap3A_504 = vector.shape_cast %mul3A_499 : vector<16xf32> to vector<1x16xf32>
        tpu.vector_store %arg11[%swap3A_500, %swap3A_501], %swap3A_504 {strides = array<i32>} : memref<256x64xf32, #tpu.memory_space<vmem>>, vector<1x16xf32>,
        %get3A_505 = arith.index_cast %add3A_468 : i32 to index
        %get3A_506 = arith.constant 48 : index
        %get3A_507 = tpu.vector_load %arg11[%get3A_505, %get3A_506] {strides = array<i32>} : memref<256x64xf32, #tpu.memory_space<vmem>>, vector<1x16xf32>,
        %get3A_508 = vector.shape_cast %get3A_507 : vector<1x16xf32> to vector<16xf32>
        %mul3A_509 = arith.constant 8.000000e+00 : f32
        %mul3A_510 = vector.broadcast %mul3A_509 : f32 to vector<16xf32>
        %mul3A_511 = arith.mulf %get3A_508, %mul3A_510 : vector<16xf32>
        %swap3A_512 = arith.index_cast %add3A_468 : i32 to index
        %swap3A_513 = arith.constant 48 : index
        %swap3A_514 = tpu.vector_load %arg11[%swap3A_512, %swap3A_513] {strides = array<i32>} : memref<256x64xf32, #tpu.memory_space<vmem>>, vector<1x16xf32>,
        %swap3A_515 = vector.shape_cast %swap3A_514 : vector<1x16xf32> to vector<16xf32>
        %swap3A_516 = vector.shape_cast %mul3A_511 : vector<16xf32> to vector<1x16xf32>
        tpu.vector_store %arg11[%swap3A_512, %swap3A_513], %swap3A_516 {strides = array<i32>} : memref<256x64xf32, #tpu.memory_space<vmem>>, vector<1x16xf32>,
        %mul3A_517 = arith.constant 8 : i32
        %mul3A_518 = arith.muli %scan3A_310, %mul3A_517 : i32
        %add3A_519 = arith.constant 4 : i32
        %add3A_520 = arith.addi %mul3A_518, %add3A_519 : i32
        %get3A_521 = arith.index_cast %add3A_520 : i32 to index
        %get3A_522 = arith.constant 0 : index
        %get3A_523 = tpu.vector_load %arg11[%get3A_521, %get3A_522] {strides = array<i32>} : memref<256x64xf32, #tpu.memory_space<vmem>>, vector<1x16xf32>,
        %get3A_524 = vector.shape_cast %get3A_523 : vector<1x16xf32> to vector<16xf32>
        %mul3A_525 = arith.constant 8.000000e+00 : f32
        %mul3A_526 = vector.broadcast %mul3A_525 : f32 to vector<16xf32>
        %mul3A_527 = arith.mulf %get3A_524, %mul3A_526 : vector<16xf32>
        %swap3A_528 = arith.index_cast %add3A_520 : i32 to index
        %swap3A_529 = arith.constant 0 : index
        %swap3A_530 = tpu.vector_load %arg11[%swap3A_528, %swap3A_529] {strides = array<i32>} : memref<256x64xf32, #tpu.memory_space<vmem>>, vector<1x16xf32>,
        %swap3A_531 = vector.shape_cast %swap3A_530 : vector<1x16xf32> to vector<16xf32>
        %swap3A_532 = vector.shape_cast %mul3A_527 : vector<16xf32> to vector<1x16xf32>
        tpu.vector_store %arg11[%swap3A_528, %swap3A_529], %swap3A_532 {strides = array<i32>} : memref<256x64xf32, #tpu.memory_space<vmem>>, vector<1x16xf32>,
        %get3A_533 = arith.index_cast %add3A_520 : i32 to index
        %get3A_534 = arith.constant 16 : index
        %get3A_535 = tpu.vector_load %arg11[%get3A_533, %get3A_534] {strides = array<i32>} : memref<256x64xf32, #tpu.memory_space<vmem>>, vector<1x16xf32>,
        %get3A_536 = vector.shape_cast %get3A_535 : vector<1x16xf32> to vector<16xf32>
        %mul3A_537 = arith.constant 8.000000e+00 : f32
        %mul3A_538 = vector.broadcast %mul3A_537 : f32 to vector<16xf32>
        %mul3A_539 = arith.mulf %get3A_536, %mul3A_538 : vector<16xf32>
        %swap3A_540 = arith.index_cast %add3A_520 : i32 to index
        %swap3A_541 = arith.constant 16 : index
        %swap3A_542 = tpu.vector_load %arg11[%swap3A_540, %swap3A_541] {strides = array<i32>} : memref<256x64xf32, #tpu.memory_space<vmem>>, vector<1x16xf32>,
        %swap3A_543 = vector.shape_cast %swap3A_542 : vector<1x16xf32> to vector<16xf32>
        %swap3A_544 = vector.shape_cast %mul3A_539 : vector<16xf32> to vector<1x16xf32>
        tpu.vector_store %arg11[%swap3A_540, %swap3A_541], %swap3A_544 {strides = array<i32>} : memref<256x64xf32, #tpu.memory_space<vmem>>, vector<1x16xf32>,
        %get3A_545 = arith.index_cast %add3A_520 : i32 to index
        %get3A_546 = arith.constant 32 : index
        %get3A_547 = tpu.vector_load %arg11[%get3A_545, %get3A_546] {strides = array<i32>} : memref<256x64xf32, #tpu.memory_space<vmem>>, vector<1x16xf32>,
        %get3A_548 = vector.shape_cast %get3A_547 : vector<1x16xf32> to vector<16xf32>
        %mul3A_549 = arith.constant 8.000000e+00 : f32
        %mul3A_550 = vector.broadcast %mul3A_549 : f32 to vector<16xf32>
        %mul3A_551 = arith.mulf %get3A_548, %mul3A_550 : vector<16xf32>
        %swap3A_552 = arith.index_cast %add3A_520 : i32 to index
        %swap3A_553 = arith.constant 32 : index
        %swap3A_554 = tpu.vector_load %arg11[%swap3A_552, %swap3A_553] {strides = array<i32>} : memref<256x64xf32, #tpu.memory_space<vmem>>, vector<1x16xf32>,
        %swap3A_555 = vector.shape_cast %swap3A_554 : vector<1x16xf32> to vector<16xf32>
        %swap3A_556 = vector.shape_cast %mul3A_551 : vector<16xf32> to vector<1x16xf32>
        tpu.vector_store %arg11[%swap3A_552, %swap3A_553], %swap3A_556 {strides = array<i32>} : memref<256x64xf32, #tpu.memory_space<vmem>>, vector<1x16xf32>,
        %get3A_557 = arith.index_cast %add3A_520 : i32 to index
        %get3A_558 = arith.constant 48 : index
        %get3A_559 = tpu.vector_load %arg11[%get3A_557, %get3A_558] {strides = array<i32>} : memref<256x64xf32, #tpu.memory_space<vmem>>, vector<1x16xf32>,
        %get3A_560 = vector.shape_cast %get3A_559 : vector<1x16xf32> to vector<16xf32>
        %mul3A_561 = arith.constant 8.000000e+00 : f32
        %mul3A_562 = vector.broadcast %mul3A_561 : f32 to vector<16xf32>
        %mul3A_563 = arith.mulf %get3A_560, %mul3A_562 : vector<16xf32>
        %swap3A_564 = arith.index_cast %add3A_520 : i32 to index
        %swap3A_565 = arith.constant 48 : index
        %swap3A_566 = tpu.vector_load %arg11[%swap3A_564, %swap3A_565] {strides = array<i32>} : memref<256x64xf32, #tpu.memory_space<vmem>>, vector<1x16xf32>,
        %swap3A_567 = vector.shape_cast %swap3A_566 : vector<1x16xf32> to vector<16xf32>
        %swap3A_568 = vector.shape_cast %mul3A_563 : vector<16xf32> to vector<1x16xf32>
        tpu.vector_store %arg11[%swap3A_564, %swap3A_565], %swap3A_568 {strides = array<i32>} : memref<256x64xf32, #tpu.memory_space<vmem>>, vector<1x16xf32>,
        %mul3A_569 = arith.constant 8 : i32
        %mul3A_570 = arith.muli %scan3A_310, %mul3A_569 : i32
        %add3A_571 = arith.constant 5 : i32
        %add3A_572 = arith.addi %mul3A_570, %add3A_571 : i32
        %get3A_573 = arith.index_cast %add3A_572 : i32 to index
        %get3A_574 = arith.constant 0 : index
        %get3A_575 = tpu.vector_load %arg11[%get3A_573, %get3A_574] {strides = array<i32>} : memref<256x64xf32, #tpu.memory_space<vmem>>, vector<1x16xf32>,
        %get3A_576 = vector.shape_cast %get3A_575 : vector<1x16xf32> to vector<16xf32>
        %mul3A_577 = arith.constant 8.000000e+00 : f32
        %mul3A_578 = vector.broadcast %mul3A_577 : f32 to vector<16xf32>
        %mul3A_579 = arith.mulf %get3A_576, %mul3A_578 : vector<16xf32>
        %swap3A_580 = arith.index_cast %add3A_572 : i32 to index
        %swap3A_581 = arith.constant 0 : index
        %swap3A_582 = tpu.vector_load %arg11[%swap3A_580, %swap3A_581] {strides = array<i32>} : memref<256x64xf32, #tpu.memory_space<vmem>>, vector<1x16xf32>,
        %swap3A_583 = vector.shape_cast %swap3A_582 : vector<1x16xf32> to vector<16xf32>
        %swap3A_584 = vector.shape_cast %mul3A_579 : vector<16xf32> to vector<1x16xf32>
        tpu.vector_store %arg11[%swap3A_580, %swap3A_581], %swap3A_584 {strides = array<i32>} : memref<256x64xf32, #tpu.memory_space<vmem>>, vector<1x16xf32>,
        %get3A_585 = arith.index_cast %add3A_572 : i32 to index
        %get3A_586 = arith.constant 16 : index
        %get3A_587 = tpu.vector_load %arg11[%get3A_585, %get3A_586] {strides = array<i32>} : memref<256x64xf32, #tpu.memory_space<vmem>>, vector<1x16xf32>,
        %get3A_588 = vector.shape_cast %get3A_587 : vector<1x16xf32> to vector<16xf32>
        %mul3A_589 = arith.constant 8.000000e+00 : f32
        %mul3A_590 = vector.broadcast %mul3A_589 : f32 to vector<16xf32>
        %mul3A_591 = arith.mulf %get3A_588, %mul3A_590 : vector<16xf32>
        %swap3A_592 = arith.index_cast %add3A_572 : i32 to index
        %swap3A_593 = arith.constant 16 : index
        %swap3A_594 = tpu.vector_load %arg11[%swap3A_592, %swap3A_593] {strides = array<i32>} : memref<256x64xf32, #tpu.memory_space<vmem>>, vector<1x16xf32>,
        %swap3A_595 = vector.shape_cast %swap3A_594 : vector<1x16xf32> to vector<16xf32>
        %swap3A_596 = vector.shape_cast %mul3A_591 : vector<16xf32> to vector<1x16xf32>
        tpu.vector_store %arg11[%swap3A_592, %swap3A_593], %swap3A_596 {strides = array<i32>} : memref<256x64xf32, #tpu.memory_space<vmem>>, vector<1x16xf32>,
        %get3A_597 = arith.index_cast %add3A_572 : i32 to index
        %get3A_598 = arith.constant 32 : index
        %get3A_599 = tpu.vector_load %arg11[%get3A_597, %get3A_598] {strides = array<i32>} : memref<256x64xf32, #tpu.memory_space<vmem>>, vector<1x16xf32>,
        %get3A_600 = vector.shape_cast %get3A_599 : vector<1x16xf32> to vector<16xf32>
        %mul3A_601 = arith.constant 8.000000e+00 : f32
        %mul3A_602 = vector.broadcast %mul3A_601 : f32 to vector<16xf32>
        %mul3A_603 = arith.mulf %get3A_600, %mul3A_602 : vector<16xf32>
        %swap3A_604 = arith.index_cast %add3A_572 : i32 to index
        %swap3A_605 = arith.constant 32 : index
        %swap3A_606 = tpu.vector_load %arg11[%swap3A_604, %swap3A_605] {strides = array<i32>} : memref<256x64xf32, #tpu.memory_space<vmem>>, vector<1x16xf32>,
        %swap3A_607 = vector.shape_cast %swap3A_606 : vector<1x16xf32> to vector<16xf32>
        %swap3A_608 = vector.shape_cast %mul3A_603 : vector<16xf32> to vector<1x16xf32>
        tpu.vector_store %arg11[%swap3A_604, %swap3A_605], %swap3A_608 {strides = array<i32>} : memref<256x64xf32, #tpu.memory_space<vmem>>, vector<1x16xf32>,
        %get3A_609 = arith.index_cast %add3A_572 : i32 to index
        %get3A_610 = arith.constant 48 : index
        %get3A_611 = tpu.vector_load %arg11[%get3A_609, %get3A_610] {strides = array<i32>} : memref<256x64xf32, #tpu.memory_space<vmem>>, vector<1x16xf32>,
        %get3A_612 = vector.shape_cast %get3A_611 : vector<1x16xf32> to vector<16xf32>
        %mul3A_613 = arith.constant 8.000000e+00 : f32
        %mul3A_614 = vector.broadcast %mul3A_613 : f32 to vector<16xf32>
        %mul3A_615 = arith.mulf %get3A_612, %mul3A_614 : vector<16xf32>
        %swap3A_616 = arith.index_cast %add3A_572 : i32 to index
        %swap3A_617 = arith.constant 48 : index
        %swap3A_618 = tpu.vector_load %arg11[%swap3A_616, %swap3A_617] {strides = array<i32>} : memref<256x64xf32, #tpu.memory_space<vmem>>, vector<1x16xf32>,
        %swap3A_619 = vector.shape_cast %swap3A_618 : vector<1x16xf32> to vector<16xf32>
        %swap3A_620 = vector.shape_cast %mul3A_615 : vector<16xf32> to vector<1x16xf32>
        tpu.vector_store %arg11[%swap3A_616, %swap3A_617], %swap3A_620 {strides = array<i32>} : memref<256x64xf32, #tpu.memory_space<vmem>>, vector<1x16xf32>,
        %mul3A_621 = arith.constant 8 : i32
        %mul3A_622 = arith.muli %scan3A_310, %mul3A_621 : i32
        %add3A_623 = arith.constant 6 : i32
        %add3A_624 = arith.addi %mul3A_622, %add3A_623 : i32
        %get3A_625 = arith.index_cast %add3A_624 : i32 to index
        %get3A_626 = arith.constant 0 : index
        %get3A_627 = tpu.vector_load %arg11[%get3A_625, %get3A_626] {strides = array<i32>} : memref<256x64xf32, #tpu.memory_space<vmem>>, vector<1x16xf32>,
        %get3A_628 = vector.shape_cast %get3A_627 : vector<1x16xf32> to vector<16xf32>
        %mul3A_629 = arith.constant 8.000000e+00 : f32
        %mul3A_630 = vector.broadcast %mul3A_629 : f32 to vector<16xf32>
        %mul3A_631 = arith.mulf %get3A_628, %mul3A_630 : vector<16xf32>
        %swap3A_632 = arith.index_cast %add3A_624 : i32 to index
        %swap3A_633 = arith.constant 0 : index
        %swap3A_634 = tpu.vector_load %arg11[%swap3A_632, %swap3A_633] {strides = array<i32>} : memref<256x64xf32, #tpu.memory_space<vmem>>, vector<1x16xf32>,
        %swap3A_635 = vector.shape_cast %swap3A_634 : vector<1x16xf32> to vector<16xf32>
        %swap3A_636 = vector.shape_cast %mul3A_631 : vector<16xf32> to vector<1x16xf32>
        tpu.vector_store %arg11[%swap3A_632, %swap3A_633], %swap3A_636 {strides = array<i32>} : memref<256x64xf32, #tpu.memory_space<vmem>>, vector<1x16xf32>,
        %get3A_637 = arith.index_cast %add3A_624 : i32 to index
        %get3A_638 = arith.constant 16 : index
        %get3A_639 = tpu.vector_load %arg11[%get3A_637, %get3A_638] {strides = array<i32>} : memref<256x64xf32, #tpu.memory_space<vmem>>, vector<1x16xf32>,
        %get3A_640 = vector.shape_cast %get3A_639 : vector<1x16xf32> to vector<16xf32>
        %mul3A_641 = arith.constant 8.000000e+00 : f32
        %mul3A_642 = vector.broadcast %mul3A_641 : f32 to vector<16xf32>
        %mul3A_643 = arith.mulf %get3A_640, %mul3A_642 : vector<16xf32>
        %swap3A_644 = arith.index_cast %add3A_624 : i32 to index
        %swap3A_645 = arith.constant 16 : index
        %swap3A_646 = tpu.vector_load %arg11[%swap3A_644, %swap3A_645] {strides = array<i32>} : memref<256x64xf32, #tpu.memory_space<vmem>>, vector<1x16xf32>,
        %swap3A_647 = vector.shape_cast %swap3A_646 : vector<1x16xf32> to vector<16xf32>
        %swap3A_648 = vector.shape_cast %mul3A_643 : vector<16xf32> to vector<1x16xf32>
        tpu.vector_store %arg11[%swap3A_644, %swap3A_645], %swap3A_648 {strides = array<i32>} : memref<256x64xf32, #tpu.memory_space<vmem>>, vector<1x16xf32>,
        %get3A_649 = arith.index_cast %add3A_624 : i32 to index
        %get3A_650 = arith.constant 32 : index
        %get3A_651 = tpu.vector_load %arg11[%get3A_649, %get3A_650] {strides = array<i32>} : memref<256x64xf32, #tpu.memory_space<vmem>>, vector<1x16xf32>,
        %get3A_652 = vector.shape_cast %get3A_651 : vector<1x16xf32> to vector<16xf32>
        %mul3A_653 = arith.constant 8.000000e+00 : f32
        %mul3A_654 = vector.broadcast %mul3A_653 : f32 to vector<16xf32>
        %mul3A_655 = arith.mulf %get3A_652, %mul3A_654 : vector<16xf32>
        %swap3A_656 = arith.index_cast %add3A_624 : i32 to index
        %swap3A_657 = arith.constant 32 : index
        %swap3A_658 = tpu.vector_load %arg11[%swap3A_656, %swap3A_657] {strides = array<i32>} : memref<256x64xf32, #tpu.memory_space<vmem>>, vector<1x16xf32>,
        %swap3A_659 = vector.shape_cast %swap3A_658 : vector<1x16xf32> to vector<16xf32>
        %swap3A_660 = vector.shape_cast %mul3A_655 : vector<16xf32> to vector<1x16xf32>
        tpu.vector_store %arg11[%swap3A_656, %swap3A_657], %swap3A_660 {strides = array<i32>} : memref<256x64xf32, #tpu.memory_space<vmem>>, vector<1x16xf32>,
        %get3A_661 = arith.index_cast %add3A_624 : i32 to index
        %get3A_662 = arith.constant 48 : index
        %get3A_663 = tpu.vector_load %arg11[%get3A_661, %get3A_662] {strides = array<i32>} : memref<256x64xf32, #tpu.memory_space<vmem>>, vector<1x16xf32>,
        %get3A_664 = vector.shape_cast %get3A_663 : vector<1x16xf32> to vector<16xf32>
        %mul3A_665 = arith.constant 8.000000e+00 : f32
        %mul3A_666 = vector.broadcast %mul3A_665 : f32 to vector<16xf32>
        %mul3A_667 = arith.mulf %get3A_664, %mul3A_666 : vector<16xf32>
        %swap3A_668 = arith.index_cast %add3A_624 : i32 to index
        %swap3A_669 = arith.constant 48 : index
        %swap3A_670 = tpu.vector_load %arg11[%swap3A_668, %swap3A_669] {strides = array<i32>} : memref<256x64xf32, #tpu.memory_space<vmem>>, vector<1x16xf32>,
        %swap3A_671 = vector.shape_cast %swap3A_670 : vector<1x16xf32> to vector<16xf32>
        %swap3A_672 = vector.shape_cast %mul3A_667 : vector<16xf32> to vector<1x16xf32>
        tpu.vector_store %arg11[%swap3A_668, %swap3A_669], %swap3A_672 {strides = array<i32>} : memref<256x64xf32, #tpu.memory_space<vmem>>, vector<1x16xf32>,
        %mul3A_673 = arith.constant 8 : i32
        %mul3A_674 = arith.muli %scan3A_310, %mul3A_673 : i32
        %add3A_675 = arith.constant 7 : i32
        %add3A_676 = arith.addi %mul3A_674, %add3A_675 : i32
        %get3A_677 = arith.index_cast %add3A_676 : i32 to index
        %get3A_678 = arith.constant 0 : index
        %get3A_679 = tpu.vector_load %arg11[%get3A_677, %get3A_678] {strides = array<i32>} : memref<256x64xf32, #tpu.memory_space<vmem>>, vector<1x16xf32>,
        %get3A_680 = vector.shape_cast %get3A_679 : vector<1x16xf32> to vector<16xf32>
        %mul3A_681 = arith.constant 8.000000e+00 : f32
        %mul3A_682 = vector.broadcast %mul3A_681 : f32 to vector<16xf32>
        %mul3A_683 = arith.mulf %get3A_680, %mul3A_682 : vector<16xf32>
        %swap3A_684 = arith.index_cast %add3A_676 : i32 to index
        %swap3A_685 = arith.constant 0 : index
        %swap3A_686 = tpu.vector_load %arg11[%swap3A_684, %swap3A_685] {strides = array<i32>} : memref<256x64xf32, #tpu.memory_space<vmem>>, vector<1x16xf32>,
        %swap3A_687 = vector.shape_cast %swap3A_686 : vector<1x16xf32> to vector<16xf32>
        %swap3A_688 = vector.shape_cast %mul3A_683 : vector<16xf32> to vector<1x16xf32>
        tpu.vector_store %arg11[%swap3A_684, %swap3A_685], %swap3A_688 {strides = array<i32>} : memref<256x64xf32, #tpu.memory_space<vmem>>, vector<1x16xf32>,
        %get3A_689 = arith.index_cast %add3A_676 : i32 to index
        %get3A_690 = arith.constant 16 : index
        %get3A_691 = tpu.vector_load %arg11[%get3A_689, %get3A_690] {strides = array<i32>} : memref<256x64xf32, #tpu.memory_space<vmem>>, vector<1x16xf32>,
        %get3A_692 = vector.shape_cast %get3A_691 : vector<1x16xf32> to vector<16xf32>
        %mul3A_693 = arith.constant 8.000000e+00 : f32
        %mul3A_694 = vector.broadcast %mul3A_693 : f32 to vector<16xf32>
        %mul3A_695 = arith.mulf %get3A_692, %mul3A_694 : vector<16xf32>
        %swap3A_696 = arith.index_cast %add3A_676 : i32 to index
        %swap3A_697 = arith.constant 16 : index
        %swap3A_698 = tpu.vector_load %arg11[%swap3A_696, %swap3A_697] {strides = array<i32>} : memref<256x64xf32, #tpu.memory_space<vmem>>, vector<1x16xf32>,
        %swap3A_699 = vector.shape_cast %swap3A_698 : vector<1x16xf32> to vector<16xf32>
        %swap3A_700 = vector.shape_cast %mul3A_695 : vector<16xf32> to vector<1x16xf32>
        tpu.vector_store %arg11[%swap3A_696, %swap3A_697], %swap3A_700 {strides = array<i32>} : memref<256x64xf32, #tpu.memory_space<vmem>>, vector<1x16xf32>,
        %get3A_701 = arith.index_cast %add3A_676 : i32 to index
        %get3A_702 = arith.constant 32 : index
        %get3A_703 = tpu.vector_load %arg11[%get3A_701, %get3A_702] {strides = array<i32>} : memref<256x64xf32, #tpu.memory_space<vmem>>, vector<1x16xf32>,
        %get3A_704 = vector.shape_cast %get3A_703 : vector<1x16xf32> to vector<16xf32>
        %mul3A_705 = arith.constant 8.000000e+00 : f32
        %mul3A_706 = vector.broadcast %mul3A_705 : f32 to vector<16xf32>
        %mul3A_707 = arith.mulf %get3A_704, %mul3A_706 : vector<16xf32>
        %swap3A_708 = arith.index_cast %add3A_676 : i32 to index
        %swap3A_709 = arith.constant 32 : index
        %swap3A_710 = tpu.vector_load %arg11[%swap3A_708, %swap3A_709] {strides = array<i32>} : memref<256x64xf32, #tpu.memory_space<vmem>>, vector<1x16xf32>,
        %swap3A_711 = vector.shape_cast %swap3A_710 : vector<1x16xf32> to vector<16xf32>
        %swap3A_712 = vector.shape_cast %mul3A_707 : vector<16xf32> to vector<1x16xf32>
        tpu.vector_store %arg11[%swap3A_708, %swap3A_709], %swap3A_712 {strides = array<i32>} : memref<256x64xf32, #tpu.memory_space<vmem>>, vector<1x16xf32>,
        %get3A_713 = arith.index_cast %add3A_676 : i32 to index
        %get3A_714 = arith.constant 48 : index
        %get3A_715 = tpu.vector_load %arg11[%get3A_713, %get3A_714] {strides = array<i32>} : memref<256x64xf32, #tpu.memory_space<vmem>>, vector<1x16xf32>,
        %get3A_716 = vector.shape_cast %get3A_715 : vector<1x16xf32> to vector<16xf32>
        %mul3A_717 = arith.constant 8.000000e+00 : f32
        %mul3A_718 = vector.broadcast %mul3A_717 : f32 to vector<16xf32>
        %mul3A_719 = arith.mulf %get3A_716, %mul3A_718 : vector<16xf32>
        %swap3A_720 = arith.index_cast %add3A_676 : i32 to index
        %swap3A_721 = arith.constant 48 : index
        %swap3A_722 = tpu.vector_load %arg11[%swap3A_720, %swap3A_721] {strides = array<i32>} : memref<256x64xf32, #tpu.memory_space<vmem>>, vector<1x16xf32>,
        %swap3A_723 = vector.shape_cast %swap3A_722 : vector<1x16xf32> to vector<16xf32>
        %swap3A_724 = vector.shape_cast %mul3A_719 : vector<16xf32> to vector<1x16xf32>
        tpu.vector_store %arg11[%swap3A_720, %swap3A_721], %swap3A_724 {strides = array<i32>} : memref<256x64xf32, #tpu.memory_space<vmem>>, vector<1x16xf32>,
      }
      %scan3A_247 = arith.constant 32 : i32
      %mul3A_248 = arith.constant 2 : i32
      %mul3A_249 = arith.muli %add3A_207, %mul3A_248 : i32
      %add3A_250 = arith.addi %mul3A_2, %mul3A_249 : i32
      %mul3A_251 = arith.constant 128 : i32
      %mul3A_252 = arith.muli %add3A_250, %mul3A_251 : i32
      %dma_start3A_253 = arith.constant 0 : i32
      %dma_start3A_254 = tpu.memref_slice %arg4[%mul3A_252, %dma_start3A_253] : memref<819200x64xf32, #tpu.memory_space<hbm>> -> memref<256x64xf32, #tpu.memory_space<hbm>>
      %dma_start3A_255 = arith.constant 0 : i32
      %dma_start3A_256 = tpu.memref_slice %arg4[%mul3A_252, %dma_start3A_255] : memref<819200x64xf32, #tpu.memory_space<hbm>> -> memref<256x64xf32, #tpu.memory_space<hbm>>
      tpu.enqueue_dma source(%arg11 : memref<256x64xf32, #tpu.memory_space<vmem>>) target(%dma_start3A_256 : memref<256x64xf32, #tpu.memory_space<hbm>>) target_semaphore(%arg14 : memref<!tpu.dma_semaphore, #tpu.memory_space<semaphore_mem>>)
      %mul3A_257 = arith.constant 4 : i32
      %mul3A_258 = arith.muli %mul3A_257, %scan3A_100 : i32
      %add3A_259 = arith.constant 3 : i32
      %add3A_260 = arith.addi %mul3A_258, %add3A_259 : i32
      %add3A_261 = arith.constant 2 : i32
      %add3A_262 = arith.addi %add3A_260, %add3A_261 : i32
      %add3A_263 = arith.constant 3 : i32
      %add3A_264 = arith.addi %add3A_260, %add3A_263 : i32
      %lt3A_265 = arith.constant 100 : i32
      %lt3A_266 = arith.cmpi slt, %add3A_264, %lt3A_265 : i32
      %convert_element_type3A_267 = arith.extui %lt3A_266 : i1 to i32
      %cond3A_268 = arith.constant 0 : i32
      %cond3A_269 = arith.cmpi ne, %convert_element_type3A_267, %cond3A_268 : i32
      scf.if %cond3A_269 {
        %add3A_310 = arith.constant 3 : i32
        %add3A_311 = arith.addi %add3A_260, %add3A_310 : i32
        %mul3A_312 = arith.constant 2 : i32
        %mul3A_313 = arith.muli %add3A_311, %mul3A_312 : i32
        %add3A_314 = arith.addi %mul3A_2, %mul3A_313 : i32
        %dma_start3A_315 = arith.constant 0 : i32
        %dma_start3A_316 = tpu.memref_slice %arg3[%add3A_314, %dma_start3A_315] : memref<6400x128xi32, #tpu.memory_space<hbm>> -> memref<2x128xi32, #tpu.memory_space<hbm>>
        %dma_start3A_317 = arith.constant 0 : i32
        %dma_start3A_318 = tpu.memref_slice %arg3[%add3A_314, %dma_start3A_317] : memref<6400x128xi32, #tpu.memory_space<hbm>> -> memref<2x128xi32, #tpu.memory_space<hbm>>
        tpu.enqueue_dma source(%dma_start3A_318 : memref<2x128xi32, #tpu.memory_space<hbm>>) target(%arg7 : memref<2x128xi32, #tpu.memory_space<vmem>>) target_semaphore(%arg15 : memref<!tpu.dma_semaphore, #tpu.memory_space<semaphore_mem>>)
      } else {
      }
      %lt3A_270 = arith.constant 100 : i32
      %lt3A_271 = arith.cmpi slt, %add3A_262, %lt3A_270 : i32
      %convert_element_type3A_272 = arith.extui %lt3A_271 : i1 to i32
      %cond3A_273 = arith.constant 0 : i32
      %cond3A_274 = arith.cmpi ne, %convert_element_type3A_272, %cond3A_273 : i32
      scf.if %cond3A_274 {
        %ge3A = arith.constant 2 : i32
        %ge3A_310 = arith.cmpi sge, %add3A_260, %ge3A : i32
        %convert_element_type3A_311 = arith.extui %ge3A_310 : i1 to i32
        %cond3A_312 = arith.constant 0 : i32
        %cond3A_313 = arith.cmpi ne, %convert_element_type3A_311, %cond3A_312 : i32
        scf.if %cond3A_313 {
          %dma_wait3A_340 = arith.constant 0 : i32
          %dma_wait3A_341 = arith.constant 0 : i32
          %dma_wait3A_342 = tpu.memref_slice %arg4[%dma_wait3A_340, %dma_wait3A_341] : memref<819200x64xf32, #tpu.memory_space<hbm>> -> memref<256x64xf32, #tpu.memory_space<hbm>>
          %dma_wait3A_343 = arith.constant 0 : i32
          %dma_wait3A_344 = arith.constant 0 : i32
          %dma_wait3A_345 = tpu.memref_slice %arg4[%dma_wait3A_343, %dma_wait3A_344] : memref<819200x64xf32, #tpu.memory_space<hbm>> -> memref<256x64xf32, #tpu.memory_space<hbm>>
          tpu.wait_dma2 semaphore(%arg14 : memref<!tpu.dma_semaphore, #tpu.memory_space<semaphore_mem>>) src(%arg10 : memref<256x64xf32, #tpu.memory_space<vmem>>) dst(%dma_wait3A_345 : memref<256x64xf32, #tpu.memory_space<hbm>>)
        } else {
        }
        %dma_wait3A_314 = arith.constant 0 : i32
        %dma_wait3A_315 = arith.constant 0 : i32
        %dma_wait3A_316 = tpu.memref_slice %arg3[%dma_wait3A_314, %dma_wait3A_315] : memref<6400x128xi32, #tpu.memory_space<hbm>> -> memref<2x128xi32, #tpu.memory_space<hbm>>
        %dma_wait3A_317 = arith.constant 0 : i32
        %dma_wait3A_318 = arith.constant 0 : i32
        %dma_wait3A_319 = tpu.memref_slice %arg3[%dma_wait3A_317, %dma_wait3A_318] : memref<6400x128xi32, #tpu.memory_space<hbm>> -> memref<2x128xi32, #tpu.memory_space<hbm>>
        tpu.wait_dma2 semaphore(%arg15 : memref<!tpu.dma_semaphore, #tpu.memory_space<semaphore_mem>>) src(%dma_wait3A_319 : memref<2x128xi32, #tpu.memory_space<hbm>>) dst(%arg6 : memref<2x128xi32, #tpu.memory_space<vmem>>)
        %dma_start3A_320 = arith.constant 0 : i32
        %dma_start3A_321 = arith.constant 0 : i32
        %dma_start3A_322 = arith.constant 0 : i32
        %dma_start3A_323 = tpu.memref_slice %arg10[%dma_start3A_321, %dma_start3A_322] : memref<256x64xf32, #tpu.memory_space<vmem>> -> memref<128x64xf32, #tpu.memory_space<vmem>>
        %dma_start3A_324 = arith.constant 0 : i32
        %dma_start3A_325 = tpu.memref_slice %arg6[%dma_start3A_320, %dma_start3A_324] : memref<2x128xi32, #tpu.memory_space<vmem>> -> memref<1x128xi32, #tpu.memory_space<vmem>>
        %dma_start3A_326 = tpu.memref_squeeze %dma_start3A_325 : memref<1x128xi32, #tpu.memory_space<vmem>> -> memref<128xi32, #tpu.memory_space<vmem>>
        %dma_start3A_327 = arith.constant 0 : i32
        %dma_start3A_328 = arith.constant 0 : i32
        %dma_start3A_329 = tpu.memref_slice %arg2[%dma_start3A_327, %dma_start3A_328] : memref<1000000x64xf32, #tpu.memory_space<hbm>> -> memref<1000000x64xf32, #tpu.memory_space<hbm>>
        tpu.enqueue_indirect_dma source(%dma_start3A_329 : memref<1000000x64xf32, #tpu.memory_space<hbm>>) target(%dma_start3A_323 : memref<128x64xf32, #tpu.memory_space<vmem>>) offsets(%dma_start3A_326 : memref<128xi32, #tpu.memory_space<vmem>>) semaphore(%arg13 : memref<!tpu.dma_semaphore, #tpu.memory_space<semaphore_mem>>)
        %dma_start3A_330 = arith.constant 1 : i32
        %dma_start3A_331 = arith.constant 128 : i32
        %dma_start3A_332 = arith.constant 0 : i32
        %dma_start3A_333 = tpu.memref_slice %arg10[%dma_start3A_331, %dma_start3A_332] : memref<256x64xf32, #tpu.memory_space<vmem>> -> memref<128x64xf32, #tpu.memory_space<vmem>>
        %dma_start3A_334 = arith.constant 0 : i32
        %dma_start3A_335 = tpu.memref_slice %arg6[%dma_start3A_330, %dma_start3A_334] : memref<2x128xi32, #tpu.memory_space<vmem>> -> memref<1x128xi32, #tpu.memory_space<vmem>>
        %dma_start3A_336 = tpu.memref_squeeze %dma_start3A_335 : memref<1x128xi32, #tpu.memory_space<vmem>> -> memref<128xi32, #tpu.memory_space<vmem>>
        %dma_start3A_337 = arith.constant 0 : i32
        %dma_start3A_338 = arith.constant 0 : i32
        %dma_start3A_339 = tpu.memref_slice %arg2[%dma_start3A_337, %dma_start3A_338] : memref<1000000x64xf32, #tpu.memory_space<hbm>> -> memref<1000000x64xf32, #tpu.memory_space<hbm>>
        tpu.enqueue_indirect_dma source(%dma_start3A_339 : memref<1000000x64xf32, #tpu.memory_space<hbm>>) target(%dma_start3A_333 : memref<128x64xf32, #tpu.memory_space<vmem>>) offsets(%dma_start3A_336 : memref<128xi32, #tpu.memory_space<vmem>>) semaphore(%arg13 : memref<!tpu.dma_semaphore, #tpu.memory_space<semaphore_mem>>)
      } else {
      }
      %dma_wait3A_275 = arith.constant 0 : i32
      %dma_wait3A_276 = arith.constant 0 : i32
      %dma_wait3A_277 = arith.constant 0 : i32
      %dma_wait3A_278 = tpu.memref_slice %arg12[%dma_wait3A_276, %dma_wait3A_277] : memref<256x64xf32, #tpu.memory_space<vmem>> -> memref<128x64xf32, #tpu.memory_space<vmem>>
      %dma_wait3A_279 = arith.constant 0 : i32
      %dma_wait3A_280 = tpu.memref_slice %arg8[%dma_wait3A_275, %dma_wait3A_279] : memref<2x128xi32, #tpu.memory_space<vmem>> -> memref<1x128xi32, #tpu.memory_space<vmem>>
      %dma_wait3A_281 = tpu.memref_squeeze %dma_wait3A_280 : memref<1x128xi32, #tpu.memory_space<vmem>> -> memref<128xi32, #tpu.memory_space<vmem>>
      %dma_wait3A_282 = arith.constant 0 : i32
      %dma_wait3A_283 = arith.constant 0 : i32
      %dma_wait3A_284 = tpu.memref_slice %arg2[%dma_wait3A_282, %dma_wait3A_283] : memref<1000000x64xf32, #tpu.memory_space<hbm>> -> memref<1000000x64xf32, #tpu.memory_space<hbm>>
      tpu.wait_indirect_dma semaphore(%arg13 : memref<!tpu.dma_semaphore, #tpu.memory_space<semaphore_mem>>) src(%dma_wait3A_284 : memref<1000000x64xf32, #tpu.memory_space<hbm>>) dst(%dma_wait3A_278 : memref<128x64xf32, #tpu.memory_space<vmem>>)
      %dma_wait3A_285 = arith.constant 1 : i32
      %dma_wait3A_286 = arith.constant 128 : i32
      %dma_wait3A_287 = arith.constant 0 : i32
      %dma_wait3A_288 = tpu.memref_slice %arg12[%dma_wait3A_286, %dma_wait3A_287] : memref<256x64xf32, #tpu.memory_space<vmem>> -> memref<128x64xf32, #tpu.memory_space<vmem>>
      %dma_wait3A_289 = arith.constant 0 : i32
      %dma_wait3A_290 = tpu.memref_slice %arg8[%dma_wait3A_285, %dma_wait3A_289] : memref<2x128xi32, #tpu.memory_space<vmem>> -> memref<1x128xi32, #tpu.memory_space<vmem>>
      %dma_wait3A_291 = tpu.memref_squeeze %dma_wait3A_290 : memref<1x128xi32, #tpu.memory_space<vmem>> -> memref<128xi32, #tpu.memory_space<vmem>>
      %dma_wait3A_292 = arith.constant 0 : i32
      %dma_wait3A_293 = arith.constant 0 : i32
      %dma_wait3A_294 = tpu.memref_slice %arg2[%dma_wait3A_292, %dma_wait3A_293] : memref<1000000x64xf32, #tpu.memory_space<hbm>> -> memref<1000000x64xf32, #tpu.memory_space<hbm>>
      tpu.wait_indirect_dma semaphore(%arg13 : memref<!tpu.dma_semaphore, #tpu.memory_space<semaphore_mem>>) src(%dma_wait3A_294 : memref<1000000x64xf32, #tpu.memory_space<hbm>>) dst(%dma_wait3A_288 : memref<128x64xf32, #tpu.memory_space<vmem>>)
      %scan3A_295 = arith.constant 0 : i32
      %scan3A_296 = arith.constant 0 : i32
      %scan3A_297 = arith.constant 32 : i32
      %scan3A_298 = arith.addi %scan3A_296, %scan3A_297 : i32
      %scan3A_299 = arith.constant 1 : i32
      scf.for %scan3A_310 = %scan3A_296 to %scan3A_298 step %scan3A_299  : i32 {
        %mul3A_311 = arith.constant 8 : i32
        %mul3A_312 = arith.muli %scan3A_310, %mul3A_311 : i32
        %add3A_313 = arith.constant 0 : i32
        %add3A_314 = arith.addi %mul3A_312, %add3A_313 : i32
        %get3A = arith.index_cast %add3A_314 : i32 to index
        %get3A_315 = arith.constant 0 : index
        %get3A_316 = tpu.vector_load %arg12[%get3A, %get3A_315] {strides = array<i32>} : memref<256x64xf32, #tpu.memory_space<vmem>>, vector<1x16xf32>,
        %get3A_317 = vector.shape_cast %get3A_316 : vector<1x16xf32> to vector<16xf32>
        %mul3A_318 = arith.constant 8.000000e+00 : f32
        %mul3A_319 = vector.broadcast %mul3A_318 : f32 to vector<16xf32>
        %mul3A_320 = arith.mulf %get3A_317, %mul3A_319 : vector<16xf32>
        %swap3A = arith.index_cast %add3A_314 : i32 to index
        %swap3A_321 = arith.constant 0 : index
        %swap3A_322 = tpu.vector_load %arg12[%swap3A, %swap3A_321] {strides = array<i32>} : memref<256x64xf32, #tpu.memory_space<vmem>>, vector<1x16xf32>,
        %swap3A_323 = vector.shape_cast %swap3A_322 : vector<1x16xf32> to vector<16xf32>
        %swap3A_324 = vector.shape_cast %mul3A_320 : vector<16xf32> to vector<1x16xf32>
        tpu.vector_store %arg12[%swap3A, %swap3A_321], %swap3A_324 {strides = array<i32>} : memref<256x64xf32, #tpu.memory_space<vmem>>, vector<1x16xf32>,
        %get3A_325 = arith.index_cast %add3A_314 : i32 to index
        %get3A_326 = arith.constant 16 : index
        %get3A_327 = tpu.vector_load %arg12[%get3A_325, %get3A_326] {strides = array<i32>} : memref<256x64xf32, #tpu.memory_space<vmem>>, vector<1x16xf32>,
        %get3A_328 = vector.shape_cast %get3A_327 : vector<1x16xf32> to vector<16xf32>
        %mul3A_329 = arith.constant 8.000000e+00 : f32
        %mul3A_330 = vector.broadcast %mul3A_329 : f32 to vector<16xf32>
        %mul3A_331 = arith.mulf %get3A_328, %mul3A_330 : vector<16xf32>
        %swap3A_332 = arith.index_cast %add3A_314 : i32 to index
        %swap3A_333 = arith.constant 16 : index
        %swap3A_334 = tpu.vector_load %arg12[%swap3A_332, %swap3A_333] {strides = array<i32>} : memref<256x64xf32, #tpu.memory_space<vmem>>, vector<1x16xf32>,
        %swap3A_335 = vector.shape_cast %swap3A_334 : vector<1x16xf32> to vector<16xf32>
        %swap3A_336 = vector.shape_cast %mul3A_331 : vector<16xf32> to vector<1x16xf32>
        tpu.vector_store %arg12[%swap3A_332, %swap3A_333], %swap3A_336 {strides = array<i32>} : memref<256x64xf32, #tpu.memory_space<vmem>>, vector<1x16xf32>,
        %get3A_337 = arith.index_cast %add3A_314 : i32 to index
        %get3A_338 = arith.constant 32 : index
        %get3A_339 = tpu.vector_load %arg12[%get3A_337, %get3A_338] {strides = array<i32>} : memref<256x64xf32, #tpu.memory_space<vmem>>, vector<1x16xf32>,
        %get3A_340 = vector.shape_cast %get3A_339 : vector<1x16xf32> to vector<16xf32>
        %mul3A_341 = arith.constant 8.000000e+00 : f32
        %mul3A_342 = vector.broadcast %mul3A_341 : f32 to vector<16xf32>
        %mul3A_343 = arith.mulf %get3A_340, %mul3A_342 : vector<16xf32>
        %swap3A_344 = arith.index_cast %add3A_314 : i32 to index
        %swap3A_345 = arith.constant 32 : index
        %swap3A_346 = tpu.vector_load %arg12[%swap3A_344, %swap3A_345] {strides = array<i32>} : memref<256x64xf32, #tpu.memory_space<vmem>>, vector<1x16xf32>,
        %swap3A_347 = vector.shape_cast %swap3A_346 : vector<1x16xf32> to vector<16xf32>
        %swap3A_348 = vector.shape_cast %mul3A_343 : vector<16xf32> to vector<1x16xf32>
        tpu.vector_store %arg12[%swap3A_344, %swap3A_345], %swap3A_348 {strides = array<i32>} : memref<256x64xf32, #tpu.memory_space<vmem>>, vector<1x16xf32>,
        %get3A_349 = arith.index_cast %add3A_314 : i32 to index
        %get3A_350 = arith.constant 48 : index
        %get3A_351 = tpu.vector_load %arg12[%get3A_349, %get3A_350] {strides = array<i32>} : memref<256x64xf32, #tpu.memory_space<vmem>>, vector<1x16xf32>,
        %get3A_352 = vector.shape_cast %get3A_351 : vector<1x16xf32> to vector<16xf32>
        %mul3A_353 = arith.constant 8.000000e+00 : f32
        %mul3A_354 = vector.broadcast %mul3A_353 : f32 to vector<16xf32>
        %mul3A_355 = arith.mulf %get3A_352, %mul3A_354 : vector<16xf32>
        %swap3A_356 = arith.index_cast %add3A_314 : i32 to index
        %swap3A_357 = arith.constant 48 : index
        %swap3A_358 = tpu.vector_load %arg12[%swap3A_356, %swap3A_357] {strides = array<i32>} : memref<256x64xf32, #tpu.memory_space<vmem>>, vector<1x16xf32>,
        %swap3A_359 = vector.shape_cast %swap3A_358 : vector<1x16xf32> to vector<16xf32>
        %swap3A_360 = vector.shape_cast %mul3A_355 : vector<16xf32> to vector<1x16xf32>
        tpu.vector_store %arg12[%swap3A_356, %swap3A_357], %swap3A_360 {strides = array<i32>} : memref<256x64xf32, #tpu.memory_space<vmem>>, vector<1x16xf32>,
        %mul3A_361 = arith.constant 8 : i32
        %mul3A_362 = arith.muli %scan3A_310, %mul3A_361 : i32
        %add3A_363 = arith.constant 1 : i32
        %add3A_364 = arith.addi %mul3A_362, %add3A_363 : i32
        %get3A_365 = arith.index_cast %add3A_364 : i32 to index
        %get3A_366 = arith.constant 0 : index
        %get3A_367 = tpu.vector_load %arg12[%get3A_365, %get3A_366] {strides = array<i32>} : memref<256x64xf32, #tpu.memory_space<vmem>>, vector<1x16xf32>,
        %get3A_368 = vector.shape_cast %get3A_367 : vector<1x16xf32> to vector<16xf32>
        %mul3A_369 = arith.constant 8.000000e+00 : f32
        %mul3A_370 = vector.broadcast %mul3A_369 : f32 to vector<16xf32>
        %mul3A_371 = arith.mulf %get3A_368, %mul3A_370 : vector<16xf32>
        %swap3A_372 = arith.index_cast %add3A_364 : i32 to index
        %swap3A_373 = arith.constant 0 : index
        %swap3A_374 = tpu.vector_load %arg12[%swap3A_372, %swap3A_373] {strides = array<i32>} : memref<256x64xf32, #tpu.memory_space<vmem>>, vector<1x16xf32>,
        %swap3A_375 = vector.shape_cast %swap3A_374 : vector<1x16xf32> to vector<16xf32>
        %swap3A_376 = vector.shape_cast %mul3A_371 : vector<16xf32> to vector<1x16xf32>
        tpu.vector_store %arg12[%swap3A_372, %swap3A_373], %swap3A_376 {strides = array<i32>} : memref<256x64xf32, #tpu.memory_space<vmem>>, vector<1x16xf32>,
        %get3A_377 = arith.index_cast %add3A_364 : i32 to index
        %get3A_378 = arith.constant 16 : index
        %get3A_379 = tpu.vector_load %arg12[%get3A_377, %get3A_378] {strides = array<i32>} : memref<256x64xf32, #tpu.memory_space<vmem>>, vector<1x16xf32>,
        %get3A_380 = vector.shape_cast %get3A_379 : vector<1x16xf32> to vector<16xf32>
        %mul3A_381 = arith.constant 8.000000e+00 : f32
        %mul3A_382 = vector.broadcast %mul3A_381 : f32 to vector<16xf32>
        %mul3A_383 = arith.mulf %get3A_380, %mul3A_382 : vector<16xf32>
        %swap3A_384 = arith.index_cast %add3A_364 : i32 to index
        %swap3A_385 = arith.constant 16 : index
        %swap3A_386 = tpu.vector_load %arg12[%swap3A_384, %swap3A_385] {strides = array<i32>} : memref<256x64xf32, #tpu.memory_space<vmem>>, vector<1x16xf32>,
        %swap3A_387 = vector.shape_cast %swap3A_386 : vector<1x16xf32> to vector<16xf32>
        %swap3A_388 = vector.shape_cast %mul3A_383 : vector<16xf32> to vector<1x16xf32>
        tpu.vector_store %arg12[%swap3A_384, %swap3A_385], %swap3A_388 {strides = array<i32>} : memref<256x64xf32, #tpu.memory_space<vmem>>, vector<1x16xf32>,
        %get3A_389 = arith.index_cast %add3A_364 : i32 to index
        %get3A_390 = arith.constant 32 : index
        %get3A_391 = tpu.vector_load %arg12[%get3A_389, %get3A_390] {strides = array<i32>} : memref<256x64xf32, #tpu.memory_space<vmem>>, vector<1x16xf32>,
        %get3A_392 = vector.shape_cast %get3A_391 : vector<1x16xf32> to vector<16xf32>
        %mul3A_393 = arith.constant 8.000000e+00 : f32
        %mul3A_394 = vector.broadcast %mul3A_393 : f32 to vector<16xf32>
        %mul3A_395 = arith.mulf %get3A_392, %mul3A_394 : vector<16xf32>
        %swap3A_396 = arith.index_cast %add3A_364 : i32 to index
        %swap3A_397 = arith.constant 32 : index
        %swap3A_398 = tpu.vector_load %arg12[%swap3A_396, %swap3A_397] {strides = array<i32>} : memref<256x64xf32, #tpu.memory_space<vmem>>, vector<1x16xf32>,
        %swap3A_399 = vector.shape_cast %swap3A_398 : vector<1x16xf32> to vector<16xf32>
        %swap3A_400 = vector.shape_cast %mul3A_395 : vector<16xf32> to vector<1x16xf32>
        tpu.vector_store %arg12[%swap3A_396, %swap3A_397], %swap3A_400 {strides = array<i32>} : memref<256x64xf32, #tpu.memory_space<vmem>>, vector<1x16xf32>,
        %get3A_401 = arith.index_cast %add3A_364 : i32 to index
        %get3A_402 = arith.constant 48 : index
        %get3A_403 = tpu.vector_load %arg12[%get3A_401, %get3A_402] {strides = array<i32>} : memref<256x64xf32, #tpu.memory_space<vmem>>, vector<1x16xf32>,
        %get3A_404 = vector.shape_cast %get3A_403 : vector<1x16xf32> to vector<16xf32>
        %mul3A_405 = arith.constant 8.000000e+00 : f32
        %mul3A_406 = vector.broadcast %mul3A_405 : f32 to vector<16xf32>
        %mul3A_407 = arith.mulf %get3A_404, %mul3A_406 : vector<16xf32>
        %swap3A_408 = arith.index_cast %add3A_364 : i32 to index
        %swap3A_409 = arith.constant 48 : index
        %swap3A_410 = tpu.vector_load %arg12[%swap3A_408, %swap3A_409] {strides = array<i32>} : memref<256x64xf32, #tpu.memory_space<vmem>>, vector<1x16xf32>,
        %swap3A_411 = vector.shape_cast %swap3A_410 : vector<1x16xf32> to vector<16xf32>
        %swap3A_412 = vector.shape_cast %mul3A_407 : vector<16xf32> to vector<1x16xf32>
        tpu.vector_store %arg12[%swap3A_408, %swap3A_409], %swap3A_412 {strides = array<i32>} : memref<256x64xf32, #tpu.memory_space<vmem>>, vector<1x16xf32>,
        %mul3A_413 = arith.constant 8 : i32
        %mul3A_414 = arith.muli %scan3A_310, %mul3A_413 : i32
        %add3A_415 = arith.constant 2 : i32
        %add3A_416 = arith.addi %mul3A_414, %add3A_415 : i32
        %get3A_417 = arith.index_cast %add3A_416 : i32 to index
        %get3A_418 = arith.constant 0 : index
        %get3A_419 = tpu.vector_load %arg12[%get3A_417, %get3A_418] {strides = array<i32>} : memref<256x64xf32, #tpu.memory_space<vmem>>, vector<1x16xf32>,
        %get3A_420 = vector.shape_cast %get3A_419 : vector<1x16xf32> to vector<16xf32>
        %mul3A_421 = arith.constant 8.000000e+00 : f32
        %mul3A_422 = vector.broadcast %mul3A_421 : f32 to vector<16xf32>
        %mul3A_423 = arith.mulf %get3A_420, %mul3A_422 : vector<16xf32>
        %swap3A_424 = arith.index_cast %add3A_416 : i32 to index
        %swap3A_425 = arith.constant 0 : index
        %swap3A_426 = tpu.vector_load %arg12[%swap3A_424, %swap3A_425] {strides = array<i32>} : memref<256x64xf32, #tpu.memory_space<vmem>>, vector<1x16xf32>,
        %swap3A_427 = vector.shape_cast %swap3A_426 : vector<1x16xf32> to vector<16xf32>
        %swap3A_428 = vector.shape_cast %mul3A_423 : vector<16xf32> to vector<1x16xf32>
        tpu.vector_store %arg12[%swap3A_424, %swap3A_425], %swap3A_428 {strides = array<i32>} : memref<256x64xf32, #tpu.memory_space<vmem>>, vector<1x16xf32>,
        %get3A_429 = arith.index_cast %add3A_416 : i32 to index
        %get3A_430 = arith.constant 16 : index
        %get3A_431 = tpu.vector_load %arg12[%get3A_429, %get3A_430] {strides = array<i32>} : memref<256x64xf32, #tpu.memory_space<vmem>>, vector<1x16xf32>,
        %get3A_432 = vector.shape_cast %get3A_431 : vector<1x16xf32> to vector<16xf32>
        %mul3A_433 = arith.constant 8.000000e+00 : f32
        %mul3A_434 = vector.broadcast %mul3A_433 : f32 to vector<16xf32>
        %mul3A_435 = arith.mulf %get3A_432, %mul3A_434 : vector<16xf32>
        %swap3A_436 = arith.index_cast %add3A_416 : i32 to index
        %swap3A_437 = arith.constant 16 : index
        %swap3A_438 = tpu.vector_load %arg12[%swap3A_436, %swap3A_437] {strides = array<i32>} : memref<256x64xf32, #tpu.memory_space<vmem>>, vector<1x16xf32>,
        %swap3A_439 = vector.shape_cast %swap3A_438 : vector<1x16xf32> to vector<16xf32>
        %swap3A_440 = vector.shape_cast %mul3A_435 : vector<16xf32> to vector<1x16xf32>
        tpu.vector_store %arg12[%swap3A_436, %swap3A_437], %swap3A_440 {strides = array<i32>} : memref<256x64xf32, #tpu.memory_space<vmem>>, vector<1x16xf32>,
        %get3A_441 = arith.index_cast %add3A_416 : i32 to index
        %get3A_442 = arith.constant 32 : index
        %get3A_443 = tpu.vector_load %arg12[%get3A_441, %get3A_442] {strides = array<i32>} : memref<256x64xf32, #tpu.memory_space<vmem>>, vector<1x16xf32>,
        %get3A_444 = vector.shape_cast %get3A_443 : vector<1x16xf32> to vector<16xf32>
        %mul3A_445 = arith.constant 8.000000e+00 : f32
        %mul3A_446 = vector.broadcast %mul3A_445 : f32 to vector<16xf32>
        %mul3A_447 = arith.mulf %get3A_444, %mul3A_446 : vector<16xf32>
        %swap3A_448 = arith.index_cast %add3A_416 : i32 to index
        %swap3A_449 = arith.constant 32 : index
        %swap3A_450 = tpu.vector_load %arg12[%swap3A_448, %swap3A_449] {strides = array<i32>} : memref<256x64xf32, #tpu.memory_space<vmem>>, vector<1x16xf32>,
        %swap3A_451 = vector.shape_cast %swap3A_450 : vector<1x16xf32> to vector<16xf32>
        %swap3A_452 = vector.shape_cast %mul3A_447 : vector<16xf32> to vector<1x16xf32>
        tpu.vector_store %arg12[%swap3A_448, %swap3A_449], %swap3A_452 {strides = array<i32>} : memref<256x64xf32, #tpu.memory_space<vmem>>, vector<1x16xf32>,
        %get3A_453 = arith.index_cast %add3A_416 : i32 to index
        %get3A_454 = arith.constant 48 : index
        %get3A_455 = tpu.vector_load %arg12[%get3A_453, %get3A_454] {strides = array<i32>} : memref<256x64xf32, #tpu.memory_space<vmem>>, vector<1x16xf32>,
        %get3A_456 = vector.shape_cast %get3A_455 : vector<1x16xf32> to vector<16xf32>
        %mul3A_457 = arith.constant 8.000000e+00 : f32
        %mul3A_458 = vector.broadcast %mul3A_457 : f32 to vector<16xf32>
        %mul3A_459 = arith.mulf %get3A_456, %mul3A_458 : vector<16xf32>
        %swap3A_460 = arith.index_cast %add3A_416 : i32 to index
        %swap3A_461 = arith.constant 48 : index
        %swap3A_462 = tpu.vector_load %arg12[%swap3A_460, %swap3A_461] {strides = array<i32>} : memref<256x64xf32, #tpu.memory_space<vmem>>, vector<1x16xf32>,
        %swap3A_463 = vector.shape_cast %swap3A_462 : vector<1x16xf32> to vector<16xf32>
        %swap3A_464 = vector.shape_cast %mul3A_459 : vector<16xf32> to vector<1x16xf32>
        tpu.vector_store %arg12[%swap3A_460, %swap3A_461], %swap3A_464 {strides = array<i32>} : memref<256x64xf32, #tpu.memory_space<vmem>>, vector<1x16xf32>,
        %mul3A_465 = arith.constant 8 : i32
        %mul3A_466 = arith.muli %scan3A_310, %mul3A_465 : i32
        %add3A_467 = arith.constant 3 : i32
        %add3A_468 = arith.addi %mul3A_466, %add3A_467 : i32
        %get3A_469 = arith.index_cast %add3A_468 : i32 to index
        %get3A_470 = arith.constant 0 : index
        %get3A_471 = tpu.vector_load %arg12[%get3A_469, %get3A_470] {strides = array<i32>} : memref<256x64xf32, #tpu.memory_space<vmem>>, vector<1x16xf32>,
        %get3A_472 = vector.shape_cast %get3A_471 : vector<1x16xf32> to vector<16xf32>
        %mul3A_473 = arith.constant 8.000000e+00 : f32
        %mul3A_474 = vector.broadcast %mul3A_473 : f32 to vector<16xf32>
        %mul3A_475 = arith.mulf %get3A_472, %mul3A_474 : vector<16xf32>
        %swap3A_476 = arith.index_cast %add3A_468 : i32 to index
        %swap3A_477 = arith.constant 0 : index
        %swap3A_478 = tpu.vector_load %arg12[%swap3A_476, %swap3A_477] {strides = array<i32>} : memref<256x64xf32, #tpu.memory_space<vmem>>, vector<1x16xf32>,
        %swap3A_479 = vector.shape_cast %swap3A_478 : vector<1x16xf32> to vector<16xf32>
        %swap3A_480 = vector.shape_cast %mul3A_475 : vector<16xf32> to vector<1x16xf32>
        tpu.vector_store %arg12[%swap3A_476, %swap3A_477], %swap3A_480 {strides = array<i32>} : memref<256x64xf32, #tpu.memory_space<vmem>>, vector<1x16xf32>,
        %get3A_481 = arith.index_cast %add3A_468 : i32 to index
        %get3A_482 = arith.constant 16 : index
        %get3A_483 = tpu.vector_load %arg12[%get3A_481, %get3A_482] {strides = array<i32>} : memref<256x64xf32, #tpu.memory_space<vmem>>, vector<1x16xf32>,
        %get3A_484 = vector.shape_cast %get3A_483 : vector<1x16xf32> to vector<16xf32>
        %mul3A_485 = arith.constant 8.000000e+00 : f32
        %mul3A_486 = vector.broadcast %mul3A_485 : f32 to vector<16xf32>
        %mul3A_487 = arith.mulf %get3A_484, %mul3A_486 : vector<16xf32>
        %swap3A_488 = arith.index_cast %add3A_468 : i32 to index
        %swap3A_489 = arith.constant 16 : index
        %swap3A_490 = tpu.vector_load %arg12[%swap3A_488, %swap3A_489] {strides = array<i32>} : memref<256x64xf32, #tpu.memory_space<vmem>>, vector<1x16xf32>,
        %swap3A_491 = vector.shape_cast %swap3A_490 : vector<1x16xf32> to vector<16xf32>
        %swap3A_492 = vector.shape_cast %mul3A_487 : vector<16xf32> to vector<1x16xf32>
        tpu.vector_store %arg12[%swap3A_488, %swap3A_489], %swap3A_492 {strides = array<i32>} : memref<256x64xf32, #tpu.memory_space<vmem>>, vector<1x16xf32>,
        %get3A_493 = arith.index_cast %add3A_468 : i32 to index
        %get3A_494 = arith.constant 32 : index
        %get3A_495 = tpu.vector_load %arg12[%get3A_493, %get3A_494] {strides = array<i32>} : memref<256x64xf32, #tpu.memory_space<vmem>>, vector<1x16xf32>,
        %get3A_496 = vector.shape_cast %get3A_495 : vector<1x16xf32> to vector<16xf32>
        %mul3A_497 = arith.constant 8.000000e+00 : f32
        %mul3A_498 = vector.broadcast %mul3A_497 : f32 to vector<16xf32>
        %mul3A_499 = arith.mulf %get3A_496, %mul3A_498 : vector<16xf32>
        %swap3A_500 = arith.index_cast %add3A_468 : i32 to index
        %swap3A_501 = arith.constant 32 : index
        %swap3A_502 = tpu.vector_load %arg12[%swap3A_500, %swap3A_501] {strides = array<i32>} : memref<256x64xf32, #tpu.memory_space<vmem>>, vector<1x16xf32>,
        %swap3A_503 = vector.shape_cast %swap3A_502 : vector<1x16xf32> to vector<16xf32>
        %swap3A_504 = vector.shape_cast %mul3A_499 : vector<16xf32> to vector<1x16xf32>
        tpu.vector_store %arg12[%swap3A_500, %swap3A_501], %swap3A_504 {strides = array<i32>} : memref<256x64xf32, #tpu.memory_space<vmem>>, vector<1x16xf32>,
        %get3A_505 = arith.index_cast %add3A_468 : i32 to index
        %get3A_506 = arith.constant 48 : index
        %get3A_507 = tpu.vector_load %arg12[%get3A_505, %get3A_506] {strides = array<i32>} : memref<256x64xf32, #tpu.memory_space<vmem>>, vector<1x16xf32>,
        %get3A_508 = vector.shape_cast %get3A_507 : vector<1x16xf32> to vector<16xf32>
        %mul3A_509 = arith.constant 8.000000e+00 : f32
        %mul3A_510 = vector.broadcast %mul3A_509 : f32 to vector<16xf32>
        %mul3A_511 = arith.mulf %get3A_508, %mul3A_510 : vector<16xf32>
        %swap3A_512 = arith.index_cast %add3A_468 : i32 to index
        %swap3A_513 = arith.constant 48 : index
        %swap3A_514 = tpu.vector_load %arg12[%swap3A_512, %swap3A_513] {strides = array<i32>} : memref<256x64xf32, #tpu.memory_space<vmem>>, vector<1x16xf32>,
        %swap3A_515 = vector.shape_cast %swap3A_514 : vector<1x16xf32> to vector<16xf32>
        %swap3A_516 = vector.shape_cast %mul3A_511 : vector<16xf32> to vector<1x16xf32>
        tpu.vector_store %arg12[%swap3A_512, %swap3A_513], %swap3A_516 {strides = array<i32>} : memref<256x64xf32, #tpu.memory_space<vmem>>, vector<1x16xf32>,
        %mul3A_517 = arith.constant 8 : i32
        %mul3A_518 = arith.muli %scan3A_310, %mul3A_517 : i32
        %add3A_519 = arith.constant 4 : i32
        %add3A_520 = arith.addi %mul3A_518, %add3A_519 : i32
        %get3A_521 = arith.index_cast %add3A_520 : i32 to index
        %get3A_522 = arith.constant 0 : index
        %get3A_523 = tpu.vector_load %arg12[%get3A_521, %get3A_522] {strides = array<i32>} : memref<256x64xf32, #tpu.memory_space<vmem>>, vector<1x16xf32>,
        %get3A_524 = vector.shape_cast %get3A_523 : vector<1x16xf32> to vector<16xf32>
        %mul3A_525 = arith.constant 8.000000e+00 : f32
        %mul3A_526 = vector.broadcast %mul3A_525 : f32 to vector<16xf32>
        %mul3A_527 = arith.mulf %get3A_524, %mul3A_526 : vector<16xf32>
        %swap3A_528 = arith.index_cast %add3A_520 : i32 to index
        %swap3A_529 = arith.constant 0 : index
        %swap3A_530 = tpu.vector_load %arg12[%swap3A_528, %swap3A_529] {strides = array<i32>} : memref<256x64xf32, #tpu.memory_space<vmem>>, vector<1x16xf32>,
        %swap3A_531 = vector.shape_cast %swap3A_530 : vector<1x16xf32> to vector<16xf32>
        %swap3A_532 = vector.shape_cast %mul3A_527 : vector<16xf32> to vector<1x16xf32>
        tpu.vector_store %arg12[%swap3A_528, %swap3A_529], %swap3A_532 {strides = array<i32>} : memref<256x64xf32, #tpu.memory_space<vmem>>, vector<1x16xf32>,
        %get3A_533 = arith.index_cast %add3A_520 : i32 to index
        %get3A_534 = arith.constant 16 : index
        %get3A_535 = tpu.vector_load %arg12[%get3A_533, %get3A_534] {strides = array<i32>} : memref<256x64xf32, #tpu.memory_space<vmem>>, vector<1x16xf32>,
        %get3A_536 = vector.shape_cast %get3A_535 : vector<1x16xf32> to vector<16xf32>
        %mul3A_537 = arith.constant 8.000000e+00 : f32
        %mul3A_538 = vector.broadcast %mul3A_537 : f32 to vector<16xf32>
        %mul3A_539 = arith.mulf %get3A_536, %mul3A_538 : vector<16xf32>
        %swap3A_540 = arith.index_cast %add3A_520 : i32 to index
        %swap3A_541 = arith.constant 16 : index
        %swap3A_542 = tpu.vector_load %arg12[%swap3A_540, %swap3A_541] {strides = array<i32>} : memref<256x64xf32, #tpu.memory_space<vmem>>, vector<1x16xf32>,
        %swap3A_543 = vector.shape_cast %swap3A_542 : vector<1x16xf32> to vector<16xf32>
        %swap3A_544 = vector.shape_cast %mul3A_539 : vector<16xf32> to vector<1x16xf32>
        tpu.vector_store %arg12[%swap3A_540, %swap3A_541], %swap3A_544 {strides = array<i32>} : memref<256x64xf32, #tpu.memory_space<vmem>>, vector<1x16xf32>,
        %get3A_545 = arith.index_cast %add3A_520 : i32 to index
        %get3A_546 = arith.constant 32 : index
        %get3A_547 = tpu.vector_load %arg12[%get3A_545, %get3A_546] {strides = array<i32>} : memref<256x64xf32, #tpu.memory_space<vmem>>, vector<1x16xf32>,
        %get3A_548 = vector.shape_cast %get3A_547 : vector<1x16xf32> to vector<16xf32>
        %mul3A_549 = arith.constant 8.000000e+00 : f32
        %mul3A_550 = vector.broadcast %mul3A_549 : f32 to vector<16xf32>
        %mul3A_551 = arith.mulf %get3A_548, %mul3A_550 : vector<16xf32>
        %swap3A_552 = arith.index_cast %add3A_520 : i32 to index
        %swap3A_553 = arith.constant 32 : index
        %swap3A_554 = tpu.vector_load %arg12[%swap3A_552, %swap3A_553] {strides = array<i32>} : memref<256x64xf32, #tpu.memory_space<vmem>>, vector<1x16xf32>,
        %swap3A_555 = vector.shape_cast %swap3A_554 : vector<1x16xf32> to vector<16xf32>
        %swap3A_556 = vector.shape_cast %mul3A_551 : vector<16xf32> to vector<1x16xf32>
        tpu.vector_store %arg12[%swap3A_552, %swap3A_553], %swap3A_556 {strides = array<i32>} : memref<256x64xf32, #tpu.memory_space<vmem>>, vector<1x16xf32>,
        %get3A_557 = arith.index_cast %add3A_520 : i32 to index
        %get3A_558 = arith.constant 48 : index
        %get3A_559 = tpu.vector_load %arg12[%get3A_557, %get3A_558] {strides = array<i32>} : memref<256x64xf32, #tpu.memory_space<vmem>>, vector<1x16xf32>,
        %get3A_560 = vector.shape_cast %get3A_559 : vector<1x16xf32> to vector<16xf32>
        %mul3A_561 = arith.constant 8.000000e+00 : f32
        %mul3A_562 = vector.broadcast %mul3A_561 : f32 to vector<16xf32>
        %mul3A_563 = arith.mulf %get3A_560, %mul3A_562 : vector<16xf32>
        %swap3A_564 = arith.index_cast %add3A_520 : i32 to index
        %swap3A_565 = arith.constant 48 : index
        %swap3A_566 = tpu.vector_load %arg12[%swap3A_564, %swap3A_565] {strides = array<i32>} : memref<256x64xf32, #tpu.memory_space<vmem>>, vector<1x16xf32>,
        %swap3A_567 = vector.shape_cast %swap3A_566 : vector<1x16xf32> to vector<16xf32>
        %swap3A_568 = vector.shape_cast %mul3A_563 : vector<16xf32> to vector<1x16xf32>
        tpu.vector_store %arg12[%swap3A_564, %swap3A_565], %swap3A_568 {strides = array<i32>} : memref<256x64xf32, #tpu.memory_space<vmem>>, vector<1x16xf32>,
        %mul3A_569 = arith.constant 8 : i32
        %mul3A_570 = arith.muli %scan3A_310, %mul3A_569 : i32
        %add3A_571 = arith.constant 5 : i32
        %add3A_572 = arith.addi %mul3A_570, %add3A_571 : i32
        %get3A_573 = arith.index_cast %add3A_572 : i32 to index
        %get3A_574 = arith.constant 0 : index
        %get3A_575 = tpu.vector_load %arg12[%get3A_573, %get3A_574] {strides = array<i32>} : memref<256x64xf32, #tpu.memory_space<vmem>>, vector<1x16xf32>,
        %get3A_576 = vector.shape_cast %get3A_575 : vector<1x16xf32> to vector<16xf32>
        %mul3A_577 = arith.constant 8.000000e+00 : f32
        %mul3A_578 = vector.broadcast %mul3A_577 : f32 to vector<16xf32>
        %mul3A_579 = arith.mulf %get3A_576, %mul3A_578 : vector<16xf32>
        %swap3A_580 = arith.index_cast %add3A_572 : i32 to index
        %swap3A_581 = arith.constant 0 : index
        %swap3A_582 = tpu.vector_load %arg12[%swap3A_580, %swap3A_581] {strides = array<i32>} : memref<256x64xf32, #tpu.memory_space<vmem>>, vector<1x16xf32>,
        %swap3A_583 = vector.shape_cast %swap3A_582 : vector<1x16xf32> to vector<16xf32>
        %swap3A_584 = vector.shape_cast %mul3A_579 : vector<16xf32> to vector<1x16xf32>
        tpu.vector_store %arg12[%swap3A_580, %swap3A_581], %swap3A_584 {strides = array<i32>} : memref<256x64xf32, #tpu.memory_space<vmem>>, vector<1x16xf32>,
        %get3A_585 = arith.index_cast %add3A_572 : i32 to index
        %get3A_586 = arith.constant 16 : index
        %get3A_587 = tpu.vector_load %arg12[%get3A_585, %get3A_586] {strides = array<i32>} : memref<256x64xf32, #tpu.memory_space<vmem>>, vector<1x16xf32>,
        %get3A_588 = vector.shape_cast %get3A_587 : vector<1x16xf32> to vector<16xf32>
        %mul3A_589 = arith.constant 8.000000e+00 : f32
        %mul3A_590 = vector.broadcast %mul3A_589 : f32 to vector<16xf32>
        %mul3A_591 = arith.mulf %get3A_588, %mul3A_590 : vector<16xf32>
        %swap3A_592 = arith.index_cast %add3A_572 : i32 to index
        %swap3A_593 = arith.constant 16 : index
        %swap3A_594 = tpu.vector_load %arg12[%swap3A_592, %swap3A_593] {strides = array<i32>} : memref<256x64xf32, #tpu.memory_space<vmem>>, vector<1x16xf32>,
        %swap3A_595 = vector.shape_cast %swap3A_594 : vector<1x16xf32> to vector<16xf32>
        %swap3A_596 = vector.shape_cast %mul3A_591 : vector<16xf32> to vector<1x16xf32>
        tpu.vector_store %arg12[%swap3A_592, %swap3A_593], %swap3A_596 {strides = array<i32>} : memref<256x64xf32, #tpu.memory_space<vmem>>, vector<1x16xf32>,
        %get3A_597 = arith.index_cast %add3A_572 : i32 to index
        %get3A_598 = arith.constant 32 : index
        %get3A_599 = tpu.vector_load %arg12[%get3A_597, %get3A_598] {strides = array<i32>} : memref<256x64xf32, #tpu.memory_space<vmem>>, vector<1x16xf32>,
        %get3A_600 = vector.shape_cast %get3A_599 : vector<1x16xf32> to vector<16xf32>
        %mul3A_601 = arith.constant 8.000000e+00 : f32
        %mul3A_602 = vector.broadcast %mul3A_601 : f32 to vector<16xf32>
        %mul3A_603 = arith.mulf %get3A_600, %mul3A_602 : vector<16xf32>
        %swap3A_604 = arith.index_cast %add3A_572 : i32 to index
        %swap3A_605 = arith.constant 32 : index
        %swap3A_606 = tpu.vector_load %arg12[%swap3A_604, %swap3A_605] {strides = array<i32>} : memref<256x64xf32, #tpu.memory_space<vmem>>, vector<1x16xf32>,
        %swap3A_607 = vector.shape_cast %swap3A_606 : vector<1x16xf32> to vector<16xf32>
        %swap3A_608 = vector.shape_cast %mul3A_603 : vector<16xf32> to vector<1x16xf32>
        tpu.vector_store %arg12[%swap3A_604, %swap3A_605], %swap3A_608 {strides = array<i32>} : memref<256x64xf32, #tpu.memory_space<vmem>>, vector<1x16xf32>,
        %get3A_609 = arith.index_cast %add3A_572 : i32 to index
        %get3A_610 = arith.constant 48 : index
        %get3A_611 = tpu.vector_load %arg12[%get3A_609, %get3A_610] {strides = array<i32>} : memref<256x64xf32, #tpu.memory_space<vmem>>, vector<1x16xf32>,
        %get3A_612 = vector.shape_cast %get3A_611 : vector<1x16xf32> to vector<16xf32>
        %mul3A_613 = arith.constant 8.000000e+00 : f32
        %mul3A_614 = vector.broadcast %mul3A_613 : f32 to vector<16xf32>
        %mul3A_615 = arith.mulf %get3A_612, %mul3A_614 : vector<16xf32>
        %swap3A_616 = arith.index_cast %add3A_572 : i32 to index
        %swap3A_617 = arith.constant 48 : index
        %swap3A_618 = tpu.vector_load %arg12[%swap3A_616, %swap3A_617] {strides = array<i32>} : memref<256x64xf32, #tpu.memory_space<vmem>>, vector<1x16xf32>,
        %swap3A_619 = vector.shape_cast %swap3A_618 : vector<1x16xf32> to vector<16xf32>
        %swap3A_620 = vector.shape_cast %mul3A_615 : vector<16xf32> to vector<1x16xf32>
        tpu.vector_store %arg12[%swap3A_616, %swap3A_617], %swap3A_620 {strides = array<i32>} : memref<256x64xf32, #tpu.memory_space<vmem>>, vector<1x16xf32>,
        %mul3A_621 = arith.constant 8 : i32
        %mul3A_622 = arith.muli %scan3A_310, %mul3A_621 : i32
        %add3A_623 = arith.constant 6 : i32
        %add3A_624 = arith.addi %mul3A_622, %add3A_623 : i32
        %get3A_625 = arith.index_cast %add3A_624 : i32 to index
        %get3A_626 = arith.constant 0 : index
        %get3A_627 = tpu.vector_load %arg12[%get3A_625, %get3A_626] {strides = array<i32>} : memref<256x64xf32, #tpu.memory_space<vmem>>, vector<1x16xf32>,
        %get3A_628 = vector.shape_cast %get3A_627 : vector<1x16xf32> to vector<16xf32>
        %mul3A_629 = arith.constant 8.000000e+00 : f32
        %mul3A_630 = vector.broadcast %mul3A_629 : f32 to vector<16xf32>
        %mul3A_631 = arith.mulf %get3A_628, %mul3A_630 : vector<16xf32>
        %swap3A_632 = arith.index_cast %add3A_624 : i32 to index
        %swap3A_633 = arith.constant 0 : index
        %swap3A_634 = tpu.vector_load %arg12[%swap3A_632, %swap3A_633] {strides = array<i32>} : memref<256x64xf32, #tpu.memory_space<vmem>>, vector<1x16xf32>,
        %swap3A_635 = vector.shape_cast %swap3A_634 : vector<1x16xf32> to vector<16xf32>
        %swap3A_636 = vector.shape_cast %mul3A_631 : vector<16xf32> to vector<1x16xf32>
        tpu.vector_store %arg12[%swap3A_632, %swap3A_633], %swap3A_636 {strides = array<i32>} : memref<256x64xf32, #tpu.memory_space<vmem>>, vector<1x16xf32>,
        %get3A_637 = arith.index_cast %add3A_624 : i32 to index
        %get3A_638 = arith.constant 16 : index
        %get3A_639 = tpu.vector_load %arg12[%get3A_637, %get3A_638] {strides = array<i32>} : memref<256x64xf32, #tpu.memory_space<vmem>>, vector<1x16xf32>,
        %get3A_640 = vector.shape_cast %get3A_639 : vector<1x16xf32> to vector<16xf32>
        %mul3A_641 = arith.constant 8.000000e+00 : f32
        %mul3A_642 = vector.broadcast %mul3A_641 : f32 to vector<16xf32>
        %mul3A_643 = arith.mulf %get3A_640, %mul3A_642 : vector<16xf32>
        %swap3A_644 = arith.index_cast %add3A_624 : i32 to index
        %swap3A_645 = arith.constant 16 : index
        %swap3A_646 = tpu.vector_load %arg12[%swap3A_644, %swap3A_645] {strides = array<i32>} : memref<256x64xf32, #tpu.memory_space<vmem>>, vector<1x16xf32>,
        %swap3A_647 = vector.shape_cast %swap3A_646 : vector<1x16xf32> to vector<16xf32>
        %swap3A_648 = vector.shape_cast %mul3A_643 : vector<16xf32> to vector<1x16xf32>
        tpu.vector_store %arg12[%swap3A_644, %swap3A_645], %swap3A_648 {strides = array<i32>} : memref<256x64xf32, #tpu.memory_space<vmem>>, vector<1x16xf32>,
        %get3A_649 = arith.index_cast %add3A_624 : i32 to index
        %get3A_650 = arith.constant 32 : index
        %get3A_651 = tpu.vector_load %arg12[%get3A_649, %get3A_650] {strides = array<i32>} : memref<256x64xf32, #tpu.memory_space<vmem>>, vector<1x16xf32>,
        %get3A_652 = vector.shape_cast %get3A_651 : vector<1x16xf32> to vector<16xf32>
        %mul3A_653 = arith.constant 8.000000e+00 : f32
        %mul3A_654 = vector.broadcast %mul3A_653 : f32 to vector<16xf32>
        %mul3A_655 = arith.mulf %get3A_652, %mul3A_654 : vector<16xf32>
        %swap3A_656 = arith.index_cast %add3A_624 : i32 to index
        %swap3A_657 = arith.constant 32 : index
        %swap3A_658 = tpu.vector_load %arg12[%swap3A_656, %swap3A_657] {strides = array<i32>} : memref<256x64xf32, #tpu.memory_space<vmem>>, vector<1x16xf32>,
        %swap3A_659 = vector.shape_cast %swap3A_658 : vector<1x16xf32> to vector<16xf32>
        %swap3A_660 = vector.shape_cast %mul3A_655 : vector<16xf32> to vector<1x16xf32>
        tpu.vector_store %arg12[%swap3A_656, %swap3A_657], %swap3A_660 {strides = array<i32>} : memref<256x64xf32, #tpu.memory_space<vmem>>, vector<1x16xf32>,
        %get3A_661 = arith.index_cast %add3A_624 : i32 to index
        %get3A_662 = arith.constant 48 : index
        %get3A_663 = tpu.vector_load %arg12[%get3A_661, %get3A_662] {strides = array<i32>} : memref<256x64xf32, #tpu.memory_space<vmem>>, vector<1x16xf32>,
        %get3A_664 = vector.shape_cast %get3A_663 : vector<1x16xf32> to vector<16xf32>
        %mul3A_665 = arith.constant 8.000000e+00 : f32
        %mul3A_666 = vector.broadcast %mul3A_665 : f32 to vector<16xf32>
        %mul3A_667 = arith.mulf %get3A_664, %mul3A_666 : vector<16xf32>
        %swap3A_668 = arith.index_cast %add3A_624 : i32 to index
        %swap3A_669 = arith.constant 48 : index
        %swap3A_670 = tpu.vector_load %arg12[%swap3A_668, %swap3A_669] {strides = array<i32>} : memref<256x64xf32, #tpu.memory_space<vmem>>, vector<1x16xf32>,
        %swap3A_671 = vector.shape_cast %swap3A_670 : vector<1x16xf32> to vector<16xf32>
        %swap3A_672 = vector.shape_cast %mul3A_667 : vector<16xf32> to vector<1x16xf32>
        tpu.vector_store %arg12[%swap3A_668, %swap3A_669], %swap3A_672 {strides = array<i32>} : memref<256x64xf32, #tpu.memory_space<vmem>>, vector<1x16xf32>,
        %mul3A_673 = arith.constant 8 : i32
        %mul3A_674 = arith.muli %scan3A_310, %mul3A_673 : i32
        %add3A_675 = arith.constant 7 : i32
        %add3A_676 = arith.addi %mul3A_674, %add3A_675 : i32
        %get3A_677 = arith.index_cast %add3A_676 : i32 to index
        %get3A_678 = arith.constant 0 : index
        %get3A_679 = tpu.vector_load %arg12[%get3A_677, %get3A_678] {strides = array<i32>} : memref<256x64xf32, #tpu.memory_space<vmem>>, vector<1x16xf32>,
        %get3A_680 = vector.shape_cast %get3A_679 : vector<1x16xf32> to vector<16xf32>
        %mul3A_681 = arith.constant 8.000000e+00 : f32
        %mul3A_682 = vector.broadcast %mul3A_681 : f32 to vector<16xf32>
        %mul3A_683 = arith.mulf %get3A_680, %mul3A_682 : vector<16xf32>
        %swap3A_684 = arith.index_cast %add3A_676 : i32 to index
        %swap3A_685 = arith.constant 0 : index
        %swap3A_686 = tpu.vector_load %arg12[%swap3A_684, %swap3A_685] {strides = array<i32>} : memref<256x64xf32, #tpu.memory_space<vmem>>, vector<1x16xf32>,
        %swap3A_687 = vector.shape_cast %swap3A_686 : vector<1x16xf32> to vector<16xf32>
        %swap3A_688 = vector.shape_cast %mul3A_683 : vector<16xf32> to vector<1x16xf32>
        tpu.vector_store %arg12[%swap3A_684, %swap3A_685], %swap3A_688 {strides = array<i32>} : memref<256x64xf32, #tpu.memory_space<vmem>>, vector<1x16xf32>,
        %get3A_689 = arith.index_cast %add3A_676 : i32 to index
        %get3A_690 = arith.constant 16 : index
        %get3A_691 = tpu.vector_load %arg12[%get3A_689, %get3A_690] {strides = array<i32>} : memref<256x64xf32, #tpu.memory_space<vmem>>, vector<1x16xf32>,
        %get3A_692 = vector.shape_cast %get3A_691 : vector<1x16xf32> to vector<16xf32>
        %mul3A_693 = arith.constant 8.000000e+00 : f32
        %mul3A_694 = vector.broadcast %mul3A_693 : f32 to vector<16xf32>
        %mul3A_695 = arith.mulf %get3A_692, %mul3A_694 : vector<16xf32>
        %swap3A_696 = arith.index_cast %add3A_676 : i32 to index
        %swap3A_697 = arith.constant 16 : index
        %swap3A_698 = tpu.vector_load %arg12[%swap3A_696, %swap3A_697] {strides = array<i32>} : memref<256x64xf32, #tpu.memory_space<vmem>>, vector<1x16xf32>,
        %swap3A_699 = vector.shape_cast %swap3A_698 : vector<1x16xf32> to vector<16xf32>
        %swap3A_700 = vector.shape_cast %mul3A_695 : vector<16xf32> to vector<1x16xf32>
        tpu.vector_store %arg12[%swap3A_696, %swap3A_697], %swap3A_700 {strides = array<i32>} : memref<256x64xf32, #tpu.memory_space<vmem>>, vector<1x16xf32>,
        %get3A_701 = arith.index_cast %add3A_676 : i32 to index
        %get3A_702 = arith.constant 32 : index
        %get3A_703 = tpu.vector_load %arg12[%get3A_701, %get3A_702] {strides = array<i32>} : memref<256x64xf32, #tpu.memory_space<vmem>>, vector<1x16xf32>,
        %get3A_704 = vector.shape_cast %get3A_703 : vector<1x16xf32> to vector<16xf32>
        %mul3A_705 = arith.constant 8.000000e+00 : f32
        %mul3A_706 = vector.broadcast %mul3A_705 : f32 to vector<16xf32>
        %mul3A_707 = arith.mulf %get3A_704, %mul3A_706 : vector<16xf32>
        %swap3A_708 = arith.index_cast %add3A_676 : i32 to index
        %swap3A_709 = arith.constant 32 : index
        %swap3A_710 = tpu.vector_load %arg12[%swap3A_708, %swap3A_709] {strides = array<i32>} : memref<256x64xf32, #tpu.memory_space<vmem>>, vector<1x16xf32>,
        %swap3A_711 = vector.shape_cast %swap3A_710 : vector<1x16xf32> to vector<16xf32>
        %swap3A_712 = vector.shape_cast %mul3A_707 : vector<16xf32> to vector<1x16xf32>
        tpu.vector_store %arg12[%swap3A_708, %swap3A_709], %swap3A_712 {strides = array<i32>} : memref<256x64xf32, #tpu.memory_space<vmem>>, vector<1x16xf32>,
        %get3A_713 = arith.index_cast %add3A_676 : i32 to index
        %get3A_714 = arith.constant 48 : index
        %get3A_715 = tpu.vector_load %arg12[%get3A_713, %get3A_714] {strides = array<i32>} : memref<256x64xf32, #tpu.memory_space<vmem>>, vector<1x16xf32>,
        %get3A_716 = vector.shape_cast %get3A_715 : vector<1x16xf32> to vector<16xf32>
        %mul3A_717 = arith.constant 8.000000e+00 : f32
        %mul3A_718 = vector.broadcast %mul3A_717 : f32 to vector<16xf32>
        %mul3A_719 = arith.mulf %get3A_716, %mul3A_718 : vector<16xf32>
        %swap3A_720 = arith.index_cast %add3A_676 : i32 to index
        %swap3A_721 = arith.constant 48 : index
        %swap3A_722 = tpu.vector_load %arg12[%swap3A_720, %swap3A_721] {strides = array<i32>} : memref<256x64xf32, #tpu.memory_space<vmem>>, vector<1x16xf32>,
        %swap3A_723 = vector.shape_cast %swap3A_722 : vector<1x16xf32> to vector<16xf32>
        %swap3A_724 = vector.shape_cast %mul3A_719 : vector<16xf32> to vector<1x16xf32>
        tpu.vector_store %arg12[%swap3A_720, %swap3A_721], %swap3A_724 {strides = array<i32>} : memref<256x64xf32, #tpu.memory_space<vmem>>, vector<1x16xf32>,
      }
      %scan3A_300 = arith.constant 32 : i32
      %mul3A_301 = arith.constant 2 : i32
      %mul3A_302 = arith.muli %add3A_260, %mul3A_301 : i32
      %add3A_303 = arith.addi %mul3A_2, %mul3A_302 : i32
      %mul3A_304 = arith.constant 128 : i32
      %mul3A_305 = arith.muli %add3A_303, %mul3A_304 : i32
      %dma_start3A_306 = arith.constant 0 : i32
      %dma_start3A_307 = tpu.memref_slice %arg4[%mul3A_305, %dma_start3A_306] : memref<819200x64xf32, #tpu.memory_space<hbm>> -> memref<256x64xf32, #tpu.memory_space<hbm>>
      %dma_start3A_308 = arith.constant 0 : i32
      %dma_start3A_309 = tpu.memref_slice %arg4[%mul3A_305, %dma_start3A_308] : memref<819200x64xf32, #tpu.memory_space<hbm>> -> memref<256x64xf32, #tpu.memory_space<hbm>>
      tpu.enqueue_dma source(%arg12 : memref<256x64xf32, #tpu.memory_space<vmem>>) target(%dma_start3A_309 : memref<256x64xf32, #tpu.memory_space<hbm>>) target_semaphore(%arg14 : memref<!tpu.dma_semaphore, #tpu.memory_space<semaphore_mem>>)
    }
    %scan3A_75 = arith.constant 25 : i32
    %dma_wait3A_76 = arith.constant 0 : i32
    %dma_wait3A_77 = arith.constant 0 : i32
    %dma_wait3A_78 = tpu.memref_slice %arg4[%dma_wait3A_76, %dma_wait3A_77] : memref<819200x64xf32, #tpu.memory_space<hbm>> -> memref<256x64xf32, #tpu.memory_space<hbm>>
    %dma_wait3A_79 = arith.constant 0 : i32
    %dma_wait3A_80 = arith.constant 0 : i32
    %dma_wait3A_81 = tpu.memref_slice %arg4[%dma_wait3A_79, %dma_wait3A_80] : memref<819200x64xf32, #tpu.memory_space<hbm>> -> memref<256x64xf32, #tpu.memory_space<hbm>>
    tpu.wait_dma2 semaphore(%arg14 : memref<!tpu.dma_semaphore, #tpu.memory_space<semaphore_mem>>) src(%arg9 : memref<256x64xf32, #tpu.memory_space<vmem>>) dst(%dma_wait3A_81 : memref<256x64xf32, #tpu.memory_space<hbm>>)
    %dma_wait3A_82 = arith.constant 0 : i32
    %dma_wait3A_83 = arith.constant 0 : i32
    %dma_wait3A_84 = tpu.memref_slice %arg4[%dma_wait3A_82, %dma_wait3A_83] : memref<819200x64xf32, #tpu.memory_space<hbm>> -> memref<256x64xf32, #tpu.memory_space<hbm>>
    %dma_wait3A_85 = arith.constant 0 : i32
    %dma_wait3A_86 = arith.constant 0 : i32
    %dma_wait3A_87 = tpu.memref_slice %arg4[%dma_wait3A_85, %dma_wait3A_86] : memref<819200x64xf32, #tpu.memory_space<hbm>> -> memref<256x64xf32, #tpu.memory_space<hbm>>
    tpu.wait_dma2 semaphore(%arg14 : memref<!tpu.dma_semaphore, #tpu.memory_space<semaphore_mem>>) src(%arg10 : memref<256x64xf32, #tpu.memory_space<vmem>>) dst(%dma_wait3A_87 : memref<256x64xf32, #tpu.memory_space<hbm>>)
    %dma_wait3A_88 = arith.constant 0 : i32
    %dma_wait3A_89 = arith.constant 0 : i32
    %dma_wait3A_90 = tpu.memref_slice %arg4[%dma_wait3A_88, %dma_wait3A_89] : memref<819200x64xf32, #tpu.memory_space<hbm>> -> memref<256x64xf32, #tpu.memory_space<hbm>>
    %dma_wait3A_91 = arith.constant 0 : i32
    %dma_wait3A_92 = arith.constant 0 : i32
    %dma_wait3A_93 = tpu.memref_slice %arg4[%dma_wait3A_91, %dma_wait3A_92] : memref<819200x64xf32, #tpu.memory_space<hbm>> -> memref<256x64xf32, #tpu.memory_space<hbm>>
    tpu.wait_dma2 semaphore(%arg14 : memref<!tpu.dma_semaphore, #tpu.memory_space<semaphore_mem>>) src(%arg11 : memref<256x64xf32, #tpu.memory_space<vmem>>) dst(%dma_wait3A_93 : memref<256x64xf32, #tpu.memory_space<hbm>>)
    %dma_wait3A_94 = arith.constant 0 : i32
    %dma_wait3A_95 = arith.constant 0 : i32
    %dma_wait3A_96 = tpu.memref_slice %arg4[%dma_wait3A_94, %dma_wait3A_95] : memref<819200x64xf32, #tpu.memory_space<hbm>> -> memref<256x64xf32, #tpu.memory_space<hbm>>
    %dma_wait3A_97 = arith.constant 0 : i32
    %dma_wait3A_98 = arith.constant 0 : i32
    %dma_wait3A_99 = tpu.memref_slice %arg4[%dma_wait3A_97, %dma_wait3A_98] : memref<819200x64xf32, #tpu.memory_space<hbm>> -> memref<256x64xf32, #tpu.memory_space<hbm>>
    tpu.wait_dma2 semaphore(%arg14 : memref<!tpu.dma_semaphore, #tpu.memory_space<semaphore_mem>>) src(%arg12 : memref<256x64xf32, #tpu.memory_space<vmem>>) dst(%dma_wait3A_99 : memref<256x64xf32, #tpu.memory_space<hbm>>)
    return
  }
}

</mosaic_0001>

<sc_bundles>
// kernel: kernel.3.cloned.1.call-start
scs
__scs_entry_jumppad:
0x0: {  	(pc) =	sbr.rel $0x88, $3  }
0x1: {  	(tag) =	ssettag $0x0;
	lr =	simm.s32 $0x1  }
0x2: {  	[smem:$0x3F9F] =	sst lr;
	_ =	strace $0xD0000000  }
0x3: {  	_ = 	snop  }
0x4: {  	_ = 	snop  }
0x5: {  	_ = 	snop  }
0x6: {  	_ = 	snop  }
0x7: {  	_ = 	snop  }
__scs_overlays_trampoline_lowered:
0x8: {  	[smem:$0x3FAE] =	sst s0  }
0x9: {  	[smem:$0x3FAF] =	sst s1  }
0xa: {  	[smem:$0x3FB0] =	sst s2  }
0xb: {  	[smem:$0x3FB1] =	sst s3  }
0xc: {  	[smem:$0x3FB2] =	sst s4  }
0xd: {  	[smem:$0x3FB3] =	sst s5  }
0xe: {  	[smem:$0x3FB4] =	sst s6  }
0xf: {  	[smem:$0x3FB5] =	sst s7  }
0x10: {  	[smem:$0x3FB6] =	sst s8  }
0x11: {  	[smem:$0x3FB7] =	sst s9;
	s0 =	simm.s32 @!p0 $0x0  }
0x12: {  	s1 =	sld [smem:$0x3F9D];
	s0 =	simm.s32 @p0 $0x1  }
0x13: {  	[smem:$0x3FB8] =	sst s0;
	s0 =	simm.s32 @!p1 $0x0  }
0x14: {  	s2 =	sld [smem:$0x3F9C];
	s0 =	simm.s32 @p1 $0x1  }
0x15: {  	[smem:$0x3FB9] =	sst s0;
	s0 =	simm.s32 @!p2 $0x0  }
0x16: {  	s3 =	sld [smem:$0x3FDB];
	s0 =	simm.s32 @p2 $0x1  }
0x17: {  	s4 =	simm.s32 $0x1BF5;
	[smem:$0x3FBB] =	sst s0  }
0x18: {  	s0 =	sld [smem:$0x3F9E];
	_ =	swait.ge [sflag:s4], $0x0  }
0x19: {  	s7 =	sld [smem:$0x3F9F]  }
0x1a: {  	s8 =	sadd.s32 $0xFFFFE003, lr  }
0x1b: {  	s9 =	sadd.s32 $0xFFFFFEF7, lr;
	s5 =	simm.s32 $0xFFFFFFFF;
	p2 =	slt.u32 s8, $0xFFFFF086  }
0x1c: {  	p1 =	slt.u32 s9, $0xF7A;
	s5 =	simm.s32 @!p2 $0x0  }
0x1d: {  	s5 =	simm.s32 @p1 $0x1;
	p0 =	seq.s32 s7, s2  }
0x1e: {  	s7 =	smul.u32 @!p0 $0xF7A, s2;
	p2 =	seq.s32 @!p0 s5, $0x0  }
0x1f: {  	s9 =	smul.u32 $0xF7A, s1;
	s8 =	simm.s32 @!p0 $0x1BF5;
	p2 =	por !p2, p0  }
0x20: {  	[sflag:s8] =	ssyncset.s32 @!p0 $0xFFFFF086;
	s6 =	sadd.s32 @!p0 s3, s7;
	s7 =	simm.s32 @!p0 $0x108  }
0x21: {  	s3 =	sadd.s32 s3, s9;
	s6 =	sadd.s32 @!p0 $0x88, s6;
	s7 =	simm.s32 @p2 $0x1082  }
0x22: {  	[simem:s7], [sflag:s8] =	dma.local @!p0 [hbm:s6], $0xF7A  }
0x23: {  	s9 =	sor.u32 $0xD0000000, s2;
	s6 =	simm.s32 $0x108;
	_ =	swait.ge @!p0 [sflag:s8], $0x0  }
0x24: {  	s3 =	sadd.s32 $0x88, s3;
	s6 =	simm.s32 @!p1 $0x1082;
	[sflag:s4] =	ssyncset.s32 $0xFFFFF086  }
0x25: {  	[simem:s6], [sflag:s4] =	dma.local [hbm:s3], $0xF7A  }
0x26: {  	[smem:$0x3F9F] =	sst s1;
	(tag) =	ssettag s2;
	_ =	strace s9  }
0x27: {  	s1 =	sld [smem:$0x3FAF]  }
0x28: {  	s2 =	sld [smem:$0x3FB0]  }
0x29: {  	s4 =	sld [smem:$0x3FB2]  }
0x2a: {  	p0 =	seq.s32 s5, $0x0;
	s5 =	sld [smem:$0x3FB3]  }
0x2b: {  	s6 =	sld [smem:$0x3FB4]  }
0x2c: {  	s7 =	sld [smem:$0x3FB5]  }
0x2d: {  	s3 =	simm.s32 $0x108;
	s8 =	sld [smem:$0x3FB6]  }
0x2e: {  	s3 =	simm.s32 @!p0 $0x1082;
	s9 =	sld [smem:$0x3FB7]  }
0x2f: {  	lr =	sadd.s32 s0, s3;
	s0 =	sld [smem:$0x3FAE]  }
0x30: {  	s3 =	sld [smem:$0x3FB1]  }
0x31: {  	[smem:$0x3FBA] =	sst s10  }
0x32: {  	s10 =	sld [smem:$0x3FB8];
	_ =	sdelay $0x3  }
0x33: {  	p0 =	seq.s32 s10, $0x1;
	s10 =	sld [smem:$0x3FBA];
	_ =	sdelay $0x3  }
0x34: {  	[smem:$0x3FBA] =	sst s10  }
0x35: {  	s10 =	sld [smem:$0x3FB9];
	_ =	sdelay $0x3  }
0x36: {  	p1 =	seq.s32 s10, $0x1;
	s10 =	sld [smem:$0x3FBA];
	_ =	sdelay $0x3  }
0x37: {  	[smem:$0x3FBA] =	sst s10  }
0x38: {  	s10 =	sld [smem:$0x3FBB]  }
0x39: {  	_ = 	snop;
	(pc) =	sbr.ind lr, $3  }
0x3a: {  	_ = 	snop  }
0x3b: {  	_ = 	snop  }
0x3c: {  	p2 =	seq.s32 s10, $0x1;
	s10 =	sld [smem:$0x3FBA]  }
0x3d: {  	_ =	shalt  }
0x3e: {  	_ =	shalt  }
0x3f: {  	_ =	shalt  }
0x40: {  	_ =	shalt  }
0x41: {  	_ =	shalt  }
0x42: {  	_ =	shalt  }
0x43: {  	_ =	shalt  }
0x44: {  	_ =	shalt  }
0x45: {  	_ =	shalt  }
0x46: {  	_ =	shalt  }
0x47: {  	_ =	shalt  }
0x48: {  	_ =	shalt  }
0x49: {  	_ =	shalt  }
0x4a: {  	_ =	shalt  }
0x4b: {  	_ =	shalt  }
0x4c: {  	_ =	shalt  }
0x4d: {  	_ =	shalt  }
0x4e: {  	_ =	shalt  }
0x4f: {  	_ =	shalt  }
0x50: {  	_ =	shalt  }
0x51: {  	_ =	shalt  }
0x52: {  	_ =	shalt  }
0x53: {  	_ =	shalt  }
0x54: {  	_ =	shalt  }
0x55: {  	_ =	shalt  }
0x56: {  	_ =	shalt  }
0x57: {  	_ =	shalt  }
0x58: {  	_ =	shalt  }
0x59: {  	_ =	shalt  }
0x5a: {  	_ =	shalt  }
0x5b: {  	_ =	shalt  }
0x5c: {  	_ =	shalt  }
0x5d: {  	_ =	shalt  }
0x5e: {  	_ =	shalt  }
0x5f: {  	_ =	shalt  }
0x60: {  	_ =	shalt  }
0x61: {  	_ =	shalt  }
0x62: {  	_ =	shalt  }
0x63: {  	_ =	shalt  }
0x64: {  	_ =	shalt  }
0x65: {  	_ =	shalt  }
0x66: {  	_ =	shalt  }
0x67: {  	_ =	shalt  }
0x68: {  	_ =	shalt  }
0x69: {  	_ =	shalt  }
0x6a: {  	_ =	shalt  }
0x6b: {  	_ =	shalt  }
0x6c: {  	_ =	shalt  }
0x6d: {  	_ =	shalt  }
0x6e: {  	_ =	shalt  }
0x6f: {  	_ =	shalt  }
0x70: {  	_ =	shalt  }
0x71: {  	_ =	shalt  }
0x72: {  	_ =	shalt  }
0x73: {  	_ =	shalt  }
0x74: {  	_ =	shalt  }
0x75: {  	_ =	shalt  }
0x76: {  	_ =	shalt  }
0x77: {  	_ =	shalt  }
0x78: {  	_ =	shalt  }
0x79: {  	_ =	shalt  }
0x7a: {  	_ =	shalt  }
0x7b: {  	_ =	shalt  }
0x7c: {  	_ =	shalt  }
0x7d: {  	_ =	shalt  }
0x7e: {  	_ =	shalt  }
0x7f: {  	_ =	shalt  }
0x80: {  	_ =	shalt  }
0x81: {  	_ =	shalt  }
0x82: {  	_ =	shalt  }
0x83: {  	_ =	shalt  }
0x84: {  	_ =	shalt  }
0x85: {  	_ =	shalt  }
0x86: {  	_ =	shalt  }
0x87: {  	_ =	shalt  }
.Lfunc_end0:
.L_simem_size_0:
called_computation.1_lowered:
.L_overlay_start_0:
0x88: {  	s2 =	sld [smem:$0x3FD9]  }
0x89: {  	s3 =	sld [smem:$0x3FFE];
	_ =	sdelay $0x1  }
0x8a: {  	s1 =	srdreg.scid  }
0x8b: {  	s0 =	sand.u32 $0x1, s1  }
0x8c: {  	s17 =	sshll.u32 s0, $0xA;
	s2 =	sadd.s32 s3, s2  }
0x8d: {  	s2 =	sadd.s32 s2, s17  }
0x8e: {  	[smem:$0x3FC6] =	sst s2  }
0x8f: {  	_ = 	snop  }
0x90: {  	s2 =	sld [smem:$0x3FD0];
	(tm) =	ssettm $0x1  }
0x91: {  	s18 =	sld [smem:$0x3FFB];
	_ =	sdelay $0x3  }
0x92: {  	_ =	strace s18  }
0x93: {  	s3 =	sld [smem:$0x3FFC];
	_ =	sdelay $0x3  }
0x94: {  	_ =	strace s3  }
0x95: {  	s3 =	sld [smem:$0x3FFD];
	_ =	sdelay $0x3  }
0x96: {  	_ =	strace s3  }
0x97: {  	_ =	strace $0x8FFFFFFF  }
0x98: {  	s19 =	sld [smem:$0x3FDB];
	_ =	sdelay $0x1  }
0x99: {  	s4 =	simm.s32 $_scs_section_size  }
0x9a: {  	s5 =	simm.s32 $_size__tile_overlayer_lowered;
	s6 =	simm.s32 $_tile_overlayer_lowered  }
0x9b: {  	s22 =	simm.s32 $0x1BFF;
	s21 =	sshll.u32 s6, $0x1;
	s3 =	sadd.s32 s4, s19  }
0x9c: {  	s7 =	simm.s32 $0x0;
	s20 =	sshll.u32 s5, $0x1;
	s5 =	sadd.s32 s21, s3  }
0x9d: {  	[timem:s7], [sflag:s22] =	dma.local [hbm:s5], s20  }
0x9e: {  	_ =	swait.ge [sflag:s22], s20  }
0x9f: {  	s4 =	ssub.s32 $0x0, s20;
	[sflag:s22] =	ssyncset.done $0x0  }
0xa0: {  	[sflag:s22] =	ssyncadd.s32 s4;
	_ =	sdelay $0x1  }
0xa1: {  	s23 =	simm.s32 $0x1B8B  }
0xa2: {  	_ =	swait.ge [sflag:s23], $0x1  }
0xa3: {  	[sflag:s23] =	ssyncset.done $0x0  }
0xa4: {  	s25 =	simm.s32 $0x1B8E;
	s24 =	sld [smem:$0x3FFE];
	[sflag:s23] =	ssyncadd.s32 $0xFFFFFFFF  }
0xa5: {  	s26 =	simm.s32 $execute0_lowered;
	[smem:$0x3FD2] =	sst s25  }
0xa6: {  	s5 =	sshll.u32 s26, $0x1;
	_ =	strace $0x80000046;
	[dreg:$0x1] =	wrdreg $0xFFFFFFFF  }
0xa7: {  	s28 =	simm.s32 $_size_execute0_lowered;
	s3 =	sadd.s32 s3, s5;
	[dreg:$0x0] =	wrdreg $0x0  }
0xa8: {  	s5 =	sshll.u32 s28, $0x1;
	[dreg:$0x2] =	wrdreg s3  }
0xa9: {  	[dreg:$0x3] =	wrdreg s5  }
0xaa: {  	[dreg:$0x4] =	wrdreg $0xC0  }
0xab: {  	_ =	task [dreg:s7], $0x5FFFF  }
0xac: {  	[dreg:$0x1] =	wrdreg $0xFFFFFFFF  }
0xad: {  	[dreg:$0x0] =	wrdreg $0x60  }
0xae: {  	[dreg:$0x2] =	wrdreg s24  }
0xaf: {  	[dreg:$0x3] =	wrdreg s2  }
0xb0: {  	[dreg:$0x4] =	wrdreg $0x9  }
0xb1: {  	_ =	task.clear_ibuf [dreg:s7], $0x5FFFF;
	_ =	strace $0x90000046  }
0xb2: {  	s29 =	simm.s32 $0x9;
	_ =	strace $0x80000048  }
0xb3: {  	_ =	swait.ge [sflag:s29], $0x1  }
0xb4: {  	[sflag:s29] =	ssyncadd.s32 $0xFFFFFFFF  }
0xb5: {  	_ =	strace $0x90000048  }
0xb6: {  	_ =	sfence  }
0xb7: {  	s30 =	sld [smem:$0x0];
	_ =	sdelay $0x2  }
0xb8: {  	s31 =	sshll.u32 s1, $0xD;
	s1 =	sshrl.u32 s1, $0x2  }
0xb9: {  	s3 =	sand.u32 $0x4000, s31;
	s1 =	sadd.s32 s1, s30  }
0xba: {  	s0 =	sor.u32 s3, s0;
	s1 =	sshll.u32 s1, $0x11  }
0xbb: {  	s0 =	sor.u32 s1, s0  }
0xbc: {  	s0 =	sadd.s32 $0x8F2B, s0  }
0xbd: {  	[sflag:s0] =	ssyncadd.remote.s32 $0x1  }
0xbe: {  	_ =	sfence.sel $0xFFFF  }
0xbf: {  	[dreg:$0x0] =	wrdreg $0xFFFFFFFF;
	(pc) =	sbr.abs _section_cstart, $3  }
0xc0: {  	[dreg:$0x1] =	wrdreg $0xFFFFFFFF  }
0xc1: {  	_ =	task.clear_ibuf [dreg:s7], $0x2FFFF;
	_ =	strace $0x9FFFFFFF  }
0xc2: {  	(tm) =	ssettm $0x7FFFFFFF  }
0xc3: {  	_ =	shalt  }
tec
execute0_lowered:
.L_overlay_start_1:
0x0: {  	(tag) =	ssettag $0x1  }
0x1: {  	s0 =	rddreg [dreg:$0x0]  }
0x2: {  	s2 =	rddreg [dreg:$0x1]  }
0x3: {  	s3 =	simm.s32 $0x0;
	s1 =	srdreg.scid;
	s4 =	stileid.u32  }
0x4: {  	s18 =	simm.s32 $0x200;
	s19 =	simm.s32 $0x3;
	s20 =	simm.s32 $0x80  }
0x5: {  	s21 =	simm.s32 $0x400;
	s23 =	simm.s32 $0x4400;
	s28 =	simm.s32 $0x8400  }
0x6: {  	s30 =	simm.s32 $0xA400;
	s1 =	sand.u32 $0x1, s1;
	s4 =	sshll.u32 s4, $0x1  }
0x7: {  	s31 =	simm.s32 $0x1;
	s22 =	simm.s32 $0xE400;
	s7 =	sor.u32 s1, s4  }
0x8: {  	[smem:$0x7FF] =	sst s3;
	s5 =	sadd.s32 $0xA00, s0;
	s8 =	smul.u32 $0xC80, s7  }
0x9: {  	_ =	strace $0x80000047;
	s24 =	ssub.s32 $0x2, s1;
	s6 =	smul.u32 $0x6400, s7  }
0xa: {  	s4 =	sadd.s32 $0xF42E00, s0;
	s1 =	sshrl.u32 s24, $0x1;
	s26 =	smul.u32 $0x32000, s7  }
0xb: {  	s0 =	ssub.s32 s24, s1;
	s24 =	simm.s32 $0x2;
	s9 =	sadd.s32 s5, s8  }
0xc: {  	s8 =	smul.u32 $0x190000, s7;
	s11 =	sadd.s32 $0x400, s6;
	s12 =	sadd.s32 $0x500, s6  }
0xd: {  	s14 =	sadd.s32 $0x600, s6;
	s1 =	sadd.s32 s26, s2;
	s0 =	smax.u32 s0, $0x1  }
0xe: {  	s26 =	simm.s32 $0x300;
	s25 =	sadd.s32 $0x20, s9;
	[dreg:$0x3] =	wrdreg s9  }
0xf: {  	s29 =	sadd.s32 $0x40, s9;
	[dreg:$0x6] =	wrdreg s0;
	s16 =	sadd.s32 $0x800, s1  }
0x10: {  	s0 =	simm.s32 $0xC400;
	s1 =	simm.s32 $0x380;
	[dreg:$0x4] =	wrdreg s25  }
0x11: {  	s9 =	simm.s32 $0x0;
	[dreg:$0x5] =	wrdreg s29;
	s13 =	sor.u32 $0x8000, s8  }
.LBB2_1:
0x12: {  	[dreg:$0x7] =	wrdreg s9  }
0x13: {  	s7 =	rddreg [dreg:$0x3]  }
0x14: {  	[tilespmem:s3], [sflag:$0x3] =	stream.linear.gather [hbm4b:s7+s3], $0x100, $0x38;
	[tilespmem:$0x10400] =	vst v63  }
0x15: {  	s9 =	rddreg [dreg:$0x4];
	s10 =	simm.s32 $0x100  }
0x16: {  	[tilespmem:s10], [sflag:$0x3] =	stream.linear.gather [hbm4b:s9+s3], $0x100, $0x38;
	[tilespmem:$0x10400] =	vst v63  }
0x17: {  	s15 =	rddreg [dreg:$0x5]  }
0x18: {  	[tilespmem:s18], [sflag:$0x3] =	stream.linear.gather [hbm4b:s15+s3], $0x100, $0x38;
	[tilespmem:$0x10400] =	vst v63  }
0x19: {  	_ =	swait.ge [sflag:s19], $0x100  }
0x1a: {  	[sflag:s19] =	ssyncset.done $0x0  }
0x1b: {  	[sflag:s19] =	ssyncadd.s32 $0xFFFFFF00  }
0x1c: {  	[tilespmem:s21], [sflag:$0x1] =	stream.indirect.gather [hbm4b:s4+s20], $0x40, s3, s20, $0xb8;
	[tilespmem:$0x10400] =	vst v63  }
0x1d: {  	s17 =	simm.s32 $0x2400  }
0x1e: {  	[tilespmem:s17], [sflag:$0x1] =	stream.indirect.gather [hbm4b:s4+s20], $0x40, s20, s20, $0xb8;
	[tilespmem:$0x10400] =	vst v63  }
0x1f: {  	_ =	swait.ge [sflag:s19], $0x100  }
0x20: {  	[sflag:s19] =	ssyncset.done $0x0  }
0x21: {  	[sflag:s19] =	ssyncadd.s32 $0xFFFFFF00  }
0x22: {  	[tilespmem:s23], [sflag:$0x1] =	stream.indirect.gather [hbm4b:s4+s20], $0x40, s10, s20, $0xb8;
	[tilespmem:$0x10400] =	vst v63  }
0x23: {  	s25 =	simm.s32 $0x180;
	s29 =	simm.s32 $0x6400;
	s17 =	simm.s32 $0x0  }
0x24: {  	[tilespmem:s29], [sflag:$0x1] =	stream.indirect.gather [hbm4b:s4+s20], $0x40, s25, s20, $0xb8;
	[tilespmem:$0x10400] =	vst v63  }
.LBB2_2:
0x25: {  	s9 =	sshllo.u32 s17, $0x2  }
0x26: {  	s7 =	sshll.u32 s9, $0x8  }
0x27: {  	s7 =	sadd.s32 s6, s7  }
0x28: {  	s7 =	sshrl.u32 s7, $0x3  }
0x29: {  	p0 =	seq.s32 s17, $0x0;
	s7 =	sadd.s32 s5, s7  }
0x2a: {  	[tilespmem:s26], [sflag:$0x3] =	stream.linear.gather [hbm4b:s7+s3], $0x100, $0x38;
	[tilespmem:$0x10400] =	vst v63  }
0x2b: {  	s7 =	simm.s32 @!p0 $0x2  }
0x2c: {  	_ =	swait.ge @!p0 [sflag:s7], $0x4000  }
0x2d: {  	[sflag:s7] =	ssyncset.done @!p0 $0x0  }
0x2e: {  	[sflag:s7] =	ssyncadd.s32 @!p0 $0xFFFFC000  }
0x2f: {  	_ =	swait.ge [sflag:s19], $0x100  }
0x30: {  	[sflag:s19] =	ssyncset.done $0x0  }
0x31: {  	[sflag:s19] =	ssyncadd.s32 $0xFFFFFF00  }
0x32: {  	[tilespmem:s28], [sflag:$0x1] =	stream.indirect.gather [hbm4b:s4+s20], $0x40, s18, s20, $0xb8;
	[tilespmem:$0x10400] =	vst v63  }
0x33: {  	s29 =	simm.s32 $0x280  }
0x34: {  	[tilespmem:s30], [sflag:$0x1] =	stream.indirect.gather [hbm4b:s4+s20], $0x40, s29, s20, $0xb8;
	[tilespmem:$0x10400] =	vst v63  }
0x35: {  	_ =	swait.ge [sflag:s31], $0x2000  }
0x36: {  	[sflag:s31] =	ssyncset.done $0x0  }
0x37: {  	[sflag:s31] =	ssyncadd.s32 $0xFFFFE000  }
0x38: {  	_ =	swait.ge [sflag:s31], $0x2000  }
0x39: {  	[sflag:s31] =	ssyncset.done $0x0  }
0x3a: {  	s15 =	simm.s32 $0x0;
	[sflag:s31] =	ssyncadd.s32 $0xFFFFE000  }
0x3b: {  	v0 =	vld [tilespmem:s15+$0x400]  }
0x3c: {  	v1 =	vld [tilespmem:s15+$0x410]  }
0x3d: {  	v2 =	vld [tilespmem:s15+$0x420]  }
0x3e: {  	v3 =	vld [tilespmem:s15+$0x430]  }
0x3f: {  	v4 =	vld [tilespmem:s15+$0x440]  }
0x40: {  	v5 =	vld [tilespmem:s15+$0x450];
	v0 =	vmul.f32 $8.000000000e+00, v0  }
0x41: {  	v6 =	vld [tilespmem:s15+$0x460];
	v1 =	vmul.f32 $8.000000000e+00, v1  }
0x42: {  	v2 =	vmul.f32 $8.000000000e+00, v2;
	[tilespmem:s15+$0x400] =	vst v0;
	v0 =	vld [tilespmem:s15+$0x470]  }
0x43: {  	v3 =	vmul.f32 $8.000000000e+00, v3;
	[tilespmem:s15+$0x410] =	vst v1;
	v1 =	vld [tilespmem:s15+$0x480]  }
0x44: {  	v4 =	vmul.f32 $8.000000000e+00, v4;
	[tilespmem:s15+$0x420] =	vst v2;
	v2 =	vld [tilespmem:s15+$0x490]  }
0x45: {  	v5 =	vmul.f32 $8.000000000e+00, v5;
	[tilespmem:s15+$0x430] =	vst v3;
	v3 =	vld [tilespmem:s15+$0x4A0]  }
0x46: {  	v6 =	vmul.f32 $8.000000000e+00, v6;
	[tilespmem:s15+$0x440] =	vst v4;
	v4 =	vld [tilespmem:s15+$0x4B0]  }
0x47: {  	[tilespmem:s15+$0x450] =	vst v5;
	v5 =	vld [tilespmem:s15+$0x4C0];
	v0 =	vmul.f32 $8.000000000e+00, v0  }
0x48: {  	[tilespmem:s15+$0x460] =	vst v6;
	v6 =	vld [tilespmem:s15+$0x4D0];
	v1 =	vmul.f32 $8.000000000e+00, v1  }
0x49: {  	v2 =	vmul.f32 $8.000000000e+00, v2;
	[tilespmem:s15+$0x470] =	vst v0;
	v0 =	vld [tilespmem:s15+$0x4E0]  }
0x4a: {  	v3 =	vmul.f32 $8.000000000e+00, v3;
	[tilespmem:s15+$0x480] =	vst v1;
	v1 =	vld [tilespmem:s15+$0x4F0]  }
0x4b: {  	v4 =	vmul.f32 $8.000000000e+00, v4;
	[tilespmem:s15+$0x490] =	vst v2;
	v2 =	vld [tilespmem:s15+$0x500]  }
0x4c: {  	v5 =	vmul.f32 $8.000000000e+00, v5;
	[tilespmem:s15+$0x4A0] =	vst v3;
	v3 =	vld [tilespmem:s15+$0x510]  }
0x4d: {  	v6 =	vmul.f32 $8.000000000e+00, v6;
	[tilespmem:s15+$0x4B0] =	vst v4;
	v4 =	vld [tilespmem:s15+$0x520]  }
0x4e: {  	[tilespmem:s15+$0x4C0] =	vst v5;
	v5 =	vld [tilespmem:s15+$0x530];
	v0 =	vmul.f32 $8.000000000e+00, v0  }
0x4f: {  	[tilespmem:s15+$0x4D0] =	vst v6;
	v6 =	vld [tilespmem:s15+$0x540]  }
0x50: {  	v1 =	vmul.f32 $8.000000000e+00, v1;
	[tilespmem:s15+$0x4E0] =	vst v0;
	v0 =	vld [tilespmem:s15+$0x550]  }
0x51: {  	v2 =	vmul.f32 $8.000000000e+00, v2  }
0x52: {  	[tilespmem:s15+$0x4F0] =	vst v1;
	v1 =	vmul.f32 $8.000000000e+00, v3;
	v3 =	vld [tilespmem:s15+$0x570]  }
0x53: {  	v7 =	vld [tilespmem:s15+$0x560];
	[tilespmem:s15+$0x500] =	vst v2;
	v2 =	vmul.f32 $8.000000000e+00, v4  }
0x54: {  	v4 =	vld [tilespmem:s15+$0x580];
	[tilespmem:s15+$0x510] =	vst v1;
	v1 =	vmul.f32 $8.000000000e+00, v5  }
0x55: {  	[tilespmem:s15+$0x520] =	vst v2;
	v5 =	vld [tilespmem:s15+$0x590];
	v2 =	vmul.f32 $8.000000000e+00, v6;
	v6 =	vmul.f32 $8.000000000e+00, v0  }
0x56: {  	[tilespmem:s15+$0x530] =	vst v1;
	v1 =	vld [tilespmem:s15+$0x5A0]  }
0x57: {  	v0 =	vld [tilespmem:s15+$0x5B0];
	[tilespmem:s15+$0x550] =	vst v6;
	v6 =	vmul.f32 $8.000000000e+00, v3  }
0x58: {  	v7 =	vmul.f32 $8.000000000e+00, v7;
	[tilespmem:s15+$0x540] =	vst v2;
	v2 =	vld [tilespmem:s15+$0x5C0]  }
0x59: {  	v3 =	vld [tilespmem:s15+$0x5D0];
	[tilespmem:s15+$0x570] =	vst v6;
	v6 =	vmul.f32 $8.000000000e+00, v4  }
0x5a: {  	s7 =	simm.s32 $0x800;
	[tilespmem:s15+$0x560] =	vst v7;
	v5 =	vmul.f32 $8.000000000e+00, v5;
	v4 =	vld [tilespmem:s15+$0x5E0]  }
.LBB2_3:
0x5b: {  	s10 =	sshra.s32 s7, $0x2;
	p0 =	sne.s32 s7, $0xF800;
	[tilespmem:s15+$0x580] =	vst v6;
	v1 =	vmul.f32 $8.000000000e+00, v1;
	v6 =	vld [tilespmem:s15+$0x5F0]  }
0x5c: {  	v7 =	vld [tilespmem:s10+$0x400];
	[tilespmem:s15+$0x590] =	vst v5;
	v0 =	vmul.f32 $8.000000000e+00, v0  }
0x5d: {  	v5 =	vld [tilespmem:s10+$0x410];
	[tilespmem:s15+$0x5A0] =	vst v1;
	v1 =	vmul.f32 $8.000000000e+00, v2  }
0x5e: {  	v2 =	vld [tilespmem:s10+$0x420];
	[tilespmem:s15+$0x5B0] =	vst v0;
	v0 =	vmul.f32 $8.000000000e+00, v3  }
0x5f: {  	v3 =	vld [tilespmem:s10+$0x430];
	[tilespmem:s15+$0x5C0] =	vst v1;
	v1 =	vmul.f32 $8.000000000e+00, v4  }
0x60: {  	v4 =	vld [tilespmem:s10+$0x440];
	[tilespmem:s15+$0x5D0] =	vst v0;
	v0 =	vmul.f32 $8.000000000e+00, v6  }
0x61: {  	v6 =	vmul.f32 $8.000000000e+00, v7;
	v7 =	vld [tilespmem:s10+$0x450];
	[tilespmem:s15+$0x5E0] =	vst v1  }
0x62: {  	v1 =	vmul.f32 $8.000000000e+00, v5;
	v5 =	vld [tilespmem:s10+$0x460];
	[tilespmem:s15+$0x5F0] =	vst v0;
	s15 =	smov.u32 s10  }
0x63: {  	[tilespmem:s15+$0x400] =	vst v6;
	v0 =	vmul.f32 $8.000000000e+00, v2;
	v2 =	vld [tilespmem:s15+$0x470]  }
0x64: {  	[tilespmem:s15+$0x410] =	vst v1;
	v1 =	vmul.f32 $8.000000000e+00, v3;
	v3 =	vld [tilespmem:s15+$0x480]  }
0x65: {  	[tilespmem:s15+$0x420] =	vst v0;
	v0 =	vmul.f32 $8.000000000e+00, v4;
	v4 =	vld [tilespmem:s15+$0x490]  }
0x66: {  	[tilespmem:s15+$0x430] =	vst v1;
	v1 =	vmul.f32 $8.000000000e+00, v7;
	v6 =	vld [tilespmem:s15+$0x4A0]  }
0x67: {  	[tilespmem:s15+$0x440] =	vst v0;
	v0 =	vmul.f32 $8.000000000e+00, v5;
	v5 =	vld [tilespmem:s15+$0x4B0]  }
0x68: {  	[tilespmem:s15+$0x450] =	vst v1;
	v1 =	vmul.f32 $8.000000000e+00, v2;
	v2 =	vld [tilespmem:s15+$0x4C0]  }
0x69: {  	[tilespmem:s15+$0x460] =	vst v0;
	v0 =	vmul.f32 $8.000000000e+00, v3;
	v3 =	vld [tilespmem:s15+$0x4D0]  }
0x6a: {  	[tilespmem:s15+$0x470] =	vst v1;
	v1 =	vmul.f32 $8.000000000e+00, v4;
	v4 =	vld [tilespmem:s15+$0x4E0]  }
0x6b: {  	[tilespmem:s15+$0x480] =	vst v0;
	v0 =	vmul.f32 $8.000000000e+00, v6;
	v6 =	vld [tilespmem:s15+$0x4F0]  }
0x6c: {  	[tilespmem:s15+$0x490] =	vst v1;
	v1 =	vmul.f32 $8.000000000e+00, v5;
	v5 =	vld [tilespmem:s15+$0x500]  }
0x6d: {  	[tilespmem:s15+$0x4A0] =	vst v0;
	v0 =	vmul.f32 $8.000000000e+00, v2;
	v2 =	vld [tilespmem:s15+$0x510]  }
0x6e: {  	[tilespmem:s15+$0x4B0] =	vst v1;
	v1 =	vmul.f32 $8.000000000e+00, v3;
	v3 =	vld [tilespmem:s15+$0x520]  }
0x6f: {  	[tilespmem:s15+$0x4C0] =	vst v0;
	v0 =	vmul.f32 $8.000000000e+00, v4;
	v4 =	vld [tilespmem:s15+$0x530]  }
0x70: {  	[tilespmem:s15+$0x4D0] =	vst v1;
	v1 =	vmul.f32 $8.000000000e+00, v6;
	v6 =	vld [tilespmem:s15+$0x540]  }
0x71: {  	[tilespmem:s15+$0x4E0] =	vst v0;
	v0 =	vmul.f32 $8.000000000e+00, v5;
	v5 =	vld [tilespmem:s15+$0x550]  }
0x72: {  	[tilespmem:s15+$0x4F0] =	vst v1;
	v1 =	vmul.f32 $8.000000000e+00, v2;
	v2 =	vld [tilespmem:s15+$0x560]  }
0x73: {  	[tilespmem:s15+$0x500] =	vst v0;
	v0 =	vmul.f32 $8.000000000e+00, v3;
	v3 =	vld [tilespmem:s15+$0x570]  }
0x74: {  	[tilespmem:s15+$0x510] =	vst v1;
	v1 =	vmul.f32 $8.000000000e+00, v4;
	v4 =	vld [tilespmem:s15+$0x580]  }
0x75: {  	[tilespmem:s15+$0x520] =	vst v0;
	v0 =	vmul.f32 $8.000000000e+00, v6;
	v7 =	vld [tilespmem:s15+$0x590]  }
.Ltmp0:
0x76: {  	[tilespmem:s15+$0x530] =	vst v1;
	v5 =	vmul.f32 $8.000000000e+00, v5;
	v1 =	vld [tilespmem:s15+$0x5A0];
	(pc) =	sbr.rel @p0 .LBB2_3-.Ltmp0, $4  }
0x77: {  	[tilespmem:s15+$0x540] =	vst v0;
	v6 =	vmul.f32 $8.000000000e+00, v2;
	v0 =	vld [tilespmem:s15+$0x5B0]  }
0x78: {  	[tilespmem:s15+$0x550] =	vst v5;
	v5 =	vmul.f32 $8.000000000e+00, v3;
	v2 =	vld [tilespmem:s15+$0x5C0]  }
0x79: {  	[tilespmem:s15+$0x560] =	vst v6;
	v6 =	vmul.f32 $8.000000000e+00, v4;
	v3 =	vld [tilespmem:s15+$0x5D0]  }
0x7a: {  	s7 =	sadd.s32 $0x800, s7;
	[tilespmem:s15+$0x570] =	vst v5;
	v5 =	vmul.f32 $8.000000000e+00, v7;
	v4 =	vld [tilespmem:s15+$0x5E0]  }
0x7b: {  	[tilespmem:s15+$0x580] =	vst v6;
	v1 =	vmul.f32 $8.000000000e+00, v1;
	v6 =	vld [tilespmem:s15+$0x5F0]  }
0x7c: {  	[tilespmem:s15+$0x590] =	vst v5;
	v0 =	vmul.f32 $8.000000000e+00, v0  }
0x7d: {  	[tilespmem:s15+$0x5A0] =	vst v1;
	v1 =	vmul.f32 $8.000000000e+00, v2  }
0x7e: {  	[tilespmem:s15+$0x5B0] =	vst v0;
	v0 =	vmul.f32 $8.000000000e+00, v3  }
0x7f: {  	s10 =	sshll.u32 s17, $0x10;
	[tilespmem:s15+$0x5C0] =	vst v1;
	v1 =	vmul.f32 $8.000000000e+00, v4  }
0x80: {  	s7 =	sadd.s32 s8, s10;
	[tilespmem:s15+$0x5D0] =	vst v0;
	v0 =	vmul.f32 $8.000000000e+00, v6  }
0x81: {  	p0 =	seq.s32 s17, $0x18;
	s7 =	sshrl.u32 s7, $0x3;
	[tilespmem:s15+$0x5E0] =	vst v1  }
0x82: {  	s7 =	sadd.s32 s2, s7;
	[tilespmem:s15+$0x5F0] =	vst v0;
	s15 =	sshll.u32 @!p0 s17, $0xA  }
0x83: {  	[hbm4b:s7+s3] =	stream.linear.scatter [tilespmem:s21], [sflag:$0x2], $0x4000, $0x38;
	[tilespmem:$0x10400] =	vst v63  }
0x84: {  	s7 =	sadd.s32 @!p0 s15, s11  }
0x85: {  	p1 =	seq.s32 @!p0 s17, $0x0;
	s7 =	sshrl.u32 @!p0 s7, $0x3  }
0x86: {  	s25 =	simm.s32 @!p0 $0x0;
	p1 =	por p0, !p1;
	s7 =	sadd.s32 @!p0 s5, s7  }
0x87: {  	[tilespmem:s25], [sflag:$0x3] =	stream.linear.gather @!p0 [hbm4b:s7+s25], $0x100, $0x38;
	[tilespmem:$0x10400] =	vst v63  }
0x88: {  	_ =	swait.ge @p1 [sflag:s24], $0x4000  }
0x89: {  	[sflag:s24] =	ssyncset.done @p1 $0x0  }
0x8a: {  	[sflag:s24] =	ssyncadd.s32 @p1 $0xFFFFC000  }
0x8b: {  	_ =	swait.ge [sflag:s19], $0x100  }
0x8c: {  	[sflag:s19] =	ssyncset.done $0x0  }
0x8d: {  	[sflag:s19] =	ssyncadd.s32 $0xFFFFFF00  }
0x8e: {  	[tilespmem:s0], [sflag:$0x1] =	stream.indirect.gather [hbm4b:s4+s20], $0x40, s26, s20, $0xb8;
	[tilespmem:$0x10400] =	vst v63  }
0x8f: {  	_ = 	snop  }
0x90: {  	[tilespmem:s22], [sflag:$0x1] =	stream.indirect.gather [hbm4b:s4+s20], $0x40, s1, s20, $0xb8;
	[tilespmem:$0x10400] =	vst v63  }
0x91: {  	_ =	swait.ge [sflag:s31], $0x2000  }
0x92: {  	[sflag:s31] =	ssyncset.done $0x0  }
0x93: {  	[sflag:s31] =	ssyncadd.s32 $0xFFFFE000  }
0x94: {  	_ =	swait.ge [sflag:s31], $0x2000  }
0x95: {  	[sflag:s31] =	ssyncset.done $0x0  }
0x96: {  	s7 =	simm.s32 $0x0;
	[sflag:s31] =	ssyncadd.s32 $0xFFFFE000  }
0x97: {  	v0 =	vld [tilespmem:s7+$0x4400]  }
0x98: {  	v1 =	vld [tilespmem:s7+$0x4410]  }
0x99: {  	v2 =	vld [tilespmem:s7+$0x4420]  }
0x9a: {  	v3 =	vld [tilespmem:s7+$0x4430]  }
0x9b: {  	v4 =	vld [tilespmem:s7+$0x4440]  }
0x9c: {  	v5 =	vld [tilespmem:s7+$0x4450];
	v0 =	vmul.f32 $8.000000000e+00, v0  }
0x9d: {  	v6 =	vld [tilespmem:s7+$0x4460];
	v1 =	vmul.f32 $8.000000000e+00, v1  }
0x9e: {  	v2 =	vmul.f32 $8.000000000e+00, v2;
	[tilespmem:s7+$0x4400] =	vst v0;
	v0 =	vld [tilespmem:s7+$0x4470]  }
0x9f: {  	v3 =	vmul.f32 $8.000000000e+00, v3;
	[tilespmem:s7+$0x4410] =	vst v1;
	v1 =	vld [tilespmem:s7+$0x4480]  }
0xa0: {  	v4 =	vmul.f32 $8.000000000e+00, v4;
	[tilespmem:s7+$0x4420] =	vst v2;
	v2 =	vld [tilespmem:s7+$0x4490]  }
0xa1: {  	v5 =	vmul.f32 $8.000000000e+00, v5;
	[tilespmem:s7+$0x4430] =	vst v3;
	v3 =	vld [tilespmem:s7+$0x44A0]  }
0xa2: {  	v6 =	vmul.f32 $8.000000000e+00, v6;
	[tilespmem:s7+$0x4440] =	vst v4;
	v4 =	vld [tilespmem:s7+$0x44B0]  }
0xa3: {  	[tilespmem:s7+$0x4450] =	vst v5;
	v5 =	vld [tilespmem:s7+$0x44C0];
	v0 =	vmul.f32 $8.000000000e+00, v0  }
0xa4: {  	[tilespmem:s7+$0x4460] =	vst v6;
	v6 =	vld [tilespmem:s7+$0x44D0];
	v1 =	vmul.f32 $8.000000000e+00, v1  }
0xa5: {  	v2 =	vmul.f32 $8.000000000e+00, v2;
	[tilespmem:s7+$0x4470] =	vst v0;
	v0 =	vld [tilespmem:s7+$0x44E0]  }
0xa6: {  	v3 =	vmul.f32 $8.000000000e+00, v3;
	[tilespmem:s7+$0x4480] =	vst v1;
	v1 =	vld [tilespmem:s7+$0x44F0]  }
0xa7: {  	v4 =	vmul.f32 $8.000000000e+00, v4;
	[tilespmem:s7+$0x4490] =	vst v2;
	v2 =	vld [tilespmem:s7+$0x4500]  }
0xa8: {  	v5 =	vmul.f32 $8.000000000e+00, v5;
	[tilespmem:s7+$0x44A0] =	vst v3;
	v3 =	vld [tilespmem:s7+$0x4510]  }
0xa9: {  	v6 =	vmul.f32 $8.000000000e+00, v6;
	[tilespmem:s7+$0x44B0] =	vst v4;
	v4 =	vld [tilespmem:s7+$0x4520]  }
0xaa: {  	[tilespmem:s7+$0x44C0] =	vst v5;
	v5 =	vld [tilespmem:s7+$0x4530];
	v0 =	vmul.f32 $8.000000000e+00, v0  }
0xab: {  	[tilespmem:s7+$0x44D0] =	vst v6;
	v6 =	vld [tilespmem:s7+$0x4540]  }
0xac: {  	v1 =	vmul.f32 $8.000000000e+00, v1;
	[tilespmem:s7+$0x44E0] =	vst v0;
	v0 =	vld [tilespmem:s7+$0x4550]  }
0xad: {  	v2 =	vmul.f32 $8.000000000e+00, v2  }
0xae: {  	[tilespmem:s7+$0x44F0] =	vst v1;
	v1 =	vmul.f32 $8.000000000e+00, v3;
	v3 =	vld [tilespmem:s7+$0x4570]  }
0xaf: {  	v7 =	vld [tilespmem:s7+$0x4560];
	[tilespmem:s7+$0x4500] =	vst v2;
	v2 =	vmul.f32 $8.000000000e+00, v4  }
0xb0: {  	v4 =	vld [tilespmem:s7+$0x4580];
	[tilespmem:s7+$0x4510] =	vst v1;
	v1 =	vmul.f32 $8.000000000e+00, v5  }
0xb1: {  	[tilespmem:s7+$0x4520] =	vst v2;
	v5 =	vld [tilespmem:s7+$0x4590];
	v2 =	vmul.f32 $8.000000000e+00, v6;
	v6 =	vmul.f32 $8.000000000e+00, v0  }
0xb2: {  	[tilespmem:s7+$0x4530] =	vst v1;
	v1 =	vld [tilespmem:s7+$0x45A0]  }
0xb3: {  	v0 =	vld [tilespmem:s7+$0x45B0];
	[tilespmem:s7+$0x4550] =	vst v6;
	v6 =	vmul.f32 $8.000000000e+00, v3  }
0xb4: {  	v7 =	vmul.f32 $8.000000000e+00, v7;
	[tilespmem:s7+$0x4540] =	vst v2;
	v2 =	vld [tilespmem:s7+$0x45C0]  }
0xb5: {  	v3 =	vld [tilespmem:s7+$0x45D0];
	[tilespmem:s7+$0x4570] =	vst v6;
	v6 =	vmul.f32 $8.000000000e+00, v4  }
0xb6: {  	s25 =	simm.s32 $0x800;
	[tilespmem:s7+$0x4560] =	vst v7;
	v5 =	vmul.f32 $8.000000000e+00, v5;
	v4 =	vld [tilespmem:s7+$0x45E0]  }
.LBB2_5:
0xb7: {  	s29 =	sshra.s32 s25, $0x2;
	p1 =	sne.s32 s25, $0xF800;
	[tilespmem:s7+$0x4580] =	vst v6;
	v1 =	vmul.f32 $8.000000000e+00, v1;
	v6 =	vld [tilespmem:s7+$0x45F0]  }
0xb8: {  	v7 =	vld [tilespmem:s29+$0x4400];
	[tilespmem:s7+$0x4590] =	vst v5;
	v0 =	vmul.f32 $8.000000000e+00, v0  }
0xb9: {  	v5 =	vld [tilespmem:s29+$0x4410];
	[tilespmem:s7+$0x45A0] =	vst v1;
	v1 =	vmul.f32 $8.000000000e+00, v2  }
0xba: {  	v2 =	vld [tilespmem:s29+$0x4420];
	[tilespmem:s7+$0x45B0] =	vst v0;
	v0 =	vmul.f32 $8.000000000e+00, v3  }
0xbb: {  	v3 =	vld [tilespmem:s29+$0x4430];
	[tilespmem:s7+$0x45C0] =	vst v1;
	v1 =	vmul.f32 $8.000000000e+00, v4  }
0xbc: {  	v4 =	vld [tilespmem:s29+$0x4440];
	[tilespmem:s7+$0x45D0] =	vst v0;
	v0 =	vmul.f32 $8.000000000e+00, v6  }
0xbd: {  	v6 =	vmul.f32 $8.000000000e+00, v7;
	v7 =	vld [tilespmem:s29+$0x4450];
	[tilespmem:s7+$0x45E0] =	vst v1  }
0xbe: {  	v1 =	vmul.f32 $8.000000000e+00, v5;
	v5 =	vld [tilespmem:s29+$0x4460];
	[tilespmem:s7+$0x45F0] =	vst v0;
	s7 =	smov.u32 s29  }
0xbf: {  	[tilespmem:s7+$0x4400] =	vst v6;
	v0 =	vmul.f32 $8.000000000e+00, v2;
	v2 =	vld [tilespmem:s7+$0x4470]  }
0xc0: {  	[tilespmem:s7+$0x4410] =	vst v1;
	v1 =	vmul.f32 $8.000000000e+00, v3;
	v3 =	vld [tilespmem:s7+$0x4480]  }
0xc1: {  	[tilespmem:s7+$0x4420] =	vst v0;
	v0 =	vmul.f32 $8.000000000e+00, v4;
	v4 =	vld [tilespmem:s7+$0x4490]  }
0xc2: {  	[tilespmem:s7+$0x4430] =	vst v1;
	v1 =	vmul.f32 $8.000000000e+00, v7;
	v6 =	vld [tilespmem:s7+$0x44A0]  }
0xc3: {  	[tilespmem:s7+$0x4440] =	vst v0;
	v0 =	vmul.f32 $8.000000000e+00, v5;
	v5 =	vld [tilespmem:s7+$0x44B0]  }
0xc4: {  	[tilespmem:s7+$0x4450] =	vst v1;
	v1 =	vmul.f32 $8.000000000e+00, v2;
	v2 =	vld [tilespmem:s7+$0x44C0]  }
0xc5: {  	[tilespmem:s7+$0x4460] =	vst v0;
	v0 =	vmul.f32 $8.000000000e+00, v3;
	v3 =	vld [tilespmem:s7+$0x44D0]  }
0xc6: {  	[tilespmem:s7+$0x4470] =	vst v1;
	v1 =	vmul.f32 $8.000000000e+00, v4;
	v4 =	vld [tilespmem:s7+$0x44E0]  }
0xc7: {  	[tilespmem:s7+$0x4480] =	vst v0;
	v0 =	vmul.f32 $8.000000000e+00, v6;
	v6 =	vld [tilespmem:s7+$0x44F0]  }
0xc8: {  	[tilespmem:s7+$0x4490] =	vst v1;
	v1 =	vmul.f32 $8.000000000e+00, v5;
	v5 =	vld [tilespmem:s7+$0x4500]  }
0xc9: {  	[tilespmem:s7+$0x44A0] =	vst v0;
	v0 =	vmul.f32 $8.000000000e+00, v2;
	v2 =	vld [tilespmem:s7+$0x4510]  }
0xca: {  	[tilespmem:s7+$0x44B0] =	vst v1;
	v1 =	vmul.f32 $8.000000000e+00, v3;
	v3 =	vld [tilespmem:s7+$0x4520]  }
0xcb: {  	[tilespmem:s7+$0x44C0] =	vst v0;
	v0 =	vmul.f32 $8.000000000e+00, v4;
	v4 =	vld [tilespmem:s7+$0x4530]  }
0xcc: {  	[tilespmem:s7+$0x44D0] =	vst v1;
	v1 =	vmul.f32 $8.000000000e+00, v6;
	v6 =	vld [tilespmem:s7+$0x4540]  }
0xcd: {  	[tilespmem:s7+$0x44E0] =	vst v0;
	v0 =	vmul.f32 $8.000000000e+00, v5;
	v5 =	vld [tilespmem:s7+$0x4550]  }
0xce: {  	[tilespmem:s7+$0x44F0] =	vst v1;
	v1 =	vmul.f32 $8.000000000e+00, v2;
	v2 =	vld [tilespmem:s7+$0x4560]  }
0xcf: {  	[tilespmem:s7+$0x4500] =	vst v0;
	v0 =	vmul.f32 $8.000000000e+00, v3;
	v3 =	vld [tilespmem:s7+$0x4570]  }
0xd0: {  	[tilespmem:s7+$0x4510] =	vst v1;
	v1 =	vmul.f32 $8.000000000e+00, v4;
	v4 =	vld [tilespmem:s7+$0x4580]  }
0xd1: {  	[tilespmem:s7+$0x4520] =	vst v0;
	v0 =	vmul.f32 $8.000000000e+00, v6;
	v7 =	vld [tilespmem:s7+$0x4590]  }
.Ltmp1:
0xd2: {  	[tilespmem:s7+$0x4530] =	vst v1;
	v5 =	vmul.f32 $8.000000000e+00, v5;
	v1 =	vld [tilespmem:s7+$0x45A0];
	(pc) =	sbr.rel @p1 .LBB2_5-.Ltmp1, $4  }
0xd3: {  	[tilespmem:s7+$0x4540] =	vst v0;
	v6 =	vmul.f32 $8.000000000e+00, v2;
	v0 =	vld [tilespmem:s7+$0x45B0]  }
0xd4: {  	[tilespmem:s7+$0x4550] =	vst v5;
	v5 =	vmul.f32 $8.000000000e+00, v3;
	v2 =	vld [tilespmem:s7+$0x45C0]  }
0xd5: {  	[tilespmem:s7+$0x4560] =	vst v6;
	v6 =	vmul.f32 $8.000000000e+00, v4;
	v3 =	vld [tilespmem:s7+$0x45D0]  }
0xd6: {  	s25 =	sadd.s32 $0x800, s25;
	[tilespmem:s7+$0x4570] =	vst v5;
	v5 =	vmul.f32 $8.000000000e+00, v7;
	v4 =	vld [tilespmem:s7+$0x45E0]  }
0xd7: {  	[tilespmem:s7+$0x4580] =	vst v6;
	v1 =	vmul.f32 $8.000000000e+00, v1;
	v6 =	vld [tilespmem:s7+$0x45F0]  }
0xd8: {  	[tilespmem:s7+$0x4590] =	vst v5;
	v0 =	vmul.f32 $8.000000000e+00, v0  }
0xd9: {  	[tilespmem:s7+$0x45A0] =	vst v1;
	v1 =	vmul.f32 $8.000000000e+00, v2  }
0xda: {  	[tilespmem:s7+$0x45B0] =	vst v0;
	v0 =	vmul.f32 $8.000000000e+00, v3  }
0xdb: {  	[tilespmem:s7+$0x45C0] =	vst v1;
	v1 =	vmul.f32 $8.000000000e+00, v4  }
0xdc: {  	[tilespmem:s7+$0x45D0] =	vst v0;
	v0 =	vmul.f32 $8.000000000e+00, v6  }
0xdd: {  	s25 =	sshll.u32 s17, $0xD;
	[tilespmem:s7+$0x45E0] =	vst v1  }
0xde: {  	s29 =	sadd.s32 s16, s25;
	[tilespmem:s7+$0x45F0] =	vst v0;
	s7 =	sadd.s32 @!p0 s15, s12  }
0xdf: {  	[hbm4b:s29+s3] =	stream.linear.scatter [tilespmem:s23], [sflag:$0x2], $0x4000, $0x38;
	[tilespmem:$0x10400] =	vst v63  }
0xe0: {  	s7 =	sshrl.u32 @!p0 s7, $0x3  }
0xe1: {  	s25 =	simm.s32 @!p0 $0x0;
	s29 =	simm.s32 @!p0 $0x100;
	s7 =	sadd.s32 @!p0 s5, s7  }
0xe2: {  	[tilespmem:s29], [sflag:$0x3] =	stream.linear.gather @!p0 [hbm4b:s7+s25], $0x100, $0x38;
	[tilespmem:$0x10400] =	vst v63  }
0xe3: {  	s7 =	simm.s32 @!p0 $0x2  }
0xe4: {  	_ =	swait.ge @!p0 [sflag:s7], $0x4000  }
0xe5: {  	[sflag:s7] =	ssyncset.done @!p0 $0x0  }
0xe6: {  	[sflag:s7] =	ssyncadd.s32 @!p0 $0xFFFFC000;
	s7 =	simm.s32 @!p0 $0x3  }
0xe7: {  	_ =	swait.ge @!p0 [sflag:s7], $0x100  }
0xe8: {  	[sflag:s7] =	ssyncset.done @!p0 $0x0  }
0xe9: {  	s29 =	simm.s32 @!p0 $0x400;
	[sflag:s7] =	ssyncadd.s32 @!p0 $0xFFFFFF00;
	s7 =	simm.s32 @!p0 $0x80  }
0xea: {  	[tilespmem:s29], [sflag:$0x1] =	stream.indirect.gather @!p0 [hbm4b:s4+s7], $0x40, s25, s7, $0xb8;
	[tilespmem:$0x10400] =	vst v63  }
0xeb: {  	s25 =	simm.s32 @!p0 $0x2400  }
0xec: {  	[tilespmem:s25], [sflag:$0x1] =	stream.indirect.gather @!p0 [hbm4b:s4+s7], $0x40, s7, s7, $0xb8;
	[tilespmem:$0x10400] =	vst v63  }
0xed: {  	_ =	swait.ge [sflag:s31], $0x2000  }
0xee: {  	[sflag:s31] =	ssyncset.done $0x0  }
0xef: {  	[sflag:s31] =	ssyncadd.s32 $0xFFFFE000  }
0xf0: {  	_ =	swait.ge [sflag:s31], $0x2000  }
0xf1: {  	[sflag:s31] =	ssyncset.done $0x0  }
0xf2: {  	s7 =	simm.s32 $0x0;
	[sflag:s31] =	ssyncadd.s32 $0xFFFFE000  }
0xf3: {  	v0 =	vld [tilespmem:s7+$0x8400]  }
0xf4: {  	v1 =	vld [tilespmem:s7+$0x8410]  }
0xf5: {  	v2 =	vld [tilespmem:s7+$0x8420]  }
0xf6: {  	v3 =	vld [tilespmem:s7+$0x8430]  }
0xf7: {  	v4 =	vld [tilespmem:s7+$0x8440]  }
0xf8: {  	v5 =	vld [tilespmem:s7+$0x8450];
	v0 =	vmul.f32 $8.000000000e+00, v0  }
0xf9: {  	v6 =	vld [tilespmem:s7+$0x8460];
	v1 =	vmul.f32 $8.000000000e+00, v1  }
0xfa: {  	v2 =	vmul.f32 $8.000000000e+00, v2;
	[tilespmem:s7+$0x8400] =	vst v0;
	v0 =	vld [tilespmem:s7+$0x8470]  }
0xfb: {  	v3 =	vmul.f32 $8.000000000e+00, v3;
	[tilespmem:s7+$0x8410] =	vst v1;
	v1 =	vld [tilespmem:s7+$0x8480]  }
0xfc: {  	v4 =	vmul.f32 $8.000000000e+00, v4;
	[tilespmem:s7+$0x8420] =	vst v2;
	v2 =	vld [tilespmem:s7+$0x8490]  }
0xfd: {  	v5 =	vmul.f32 $8.000000000e+00, v5;
	[tilespmem:s7+$0x8430] =	vst v3;
	v3 =	vld [tilespmem:s7+$0x84A0]  }
0xfe: {  	v6 =	vmul.f32 $8.000000000e+00, v6;
	[tilespmem:s7+$0x8440] =	vst v4;
	v4 =	vld [tilespmem:s7+$0x84B0]  }
0xff: {  	[tilespmem:s7+$0x8450] =	vst v5;
	v5 =	vld [tilespmem:s7+$0x84C0];
	v0 =	vmul.f32 $8.000000000e+00, v0  }
0x100: {  	[tilespmem:s7+$0x8460] =	vst v6;
	v6 =	vld [tilespmem:s7+$0x84D0];
	v1 =	vmul.f32 $8.000000000e+00, v1  }
0x101: {  	v2 =	vmul.f32 $8.000000000e+00, v2;
	[tilespmem:s7+$0x8470] =	vst v0;
	v0 =	vld [tilespmem:s7+$0x84E0]  }
0x102: {  	v3 =	vmul.f32 $8.000000000e+00, v3;
	[tilespmem:s7+$0x8480] =	vst v1;
	v1 =	vld [tilespmem:s7+$0x84F0]  }
0x103: {  	v4 =	vmul.f32 $8.000000000e+00, v4;
	[tilespmem:s7+$0x8490] =	vst v2;
	v2 =	vld [tilespmem:s7+$0x8500]  }
0x104: {  	v5 =	vmul.f32 $8.000000000e+00, v5;
	[tilespmem:s7+$0x84A0] =	vst v3;
	v3 =	vld [tilespmem:s7+$0x8510]  }
0x105: {  	v6 =	vmul.f32 $8.000000000e+00, v6;
	[tilespmem:s7+$0x84B0] =	vst v4;
	v4 =	vld [tilespmem:s7+$0x8520]  }
0x106: {  	[tilespmem:s7+$0x84C0] =	vst v5;
	v5 =	vld [tilespmem:s7+$0x8530];
	v0 =	vmul.f32 $8.000000000e+00, v0  }
0x107: {  	[tilespmem:s7+$0x84D0] =	vst v6;
	v6 =	vld [tilespmem:s7+$0x8540]  }
0x108: {  	v1 =	vmul.f32 $8.000000000e+00, v1;
	[tilespmem:s7+$0x84E0] =	vst v0;
	v0 =	vld [tilespmem:s7+$0x8550]  }
0x109: {  	v2 =	vmul.f32 $8.000000000e+00, v2  }
0x10a: {  	[tilespmem:s7+$0x84F0] =	vst v1;
	v1 =	vmul.f32 $8.000000000e+00, v3;
	v3 =	vld [tilespmem:s7+$0x8570]  }
0x10b: {  	v7 =	vld [tilespmem:s7+$0x8560];
	[tilespmem:s7+$0x8500] =	vst v2;
	v2 =	vmul.f32 $8.000000000e+00, v4  }
0x10c: {  	v4 =	vld [tilespmem:s7+$0x8580];
	[tilespmem:s7+$0x8510] =	vst v1;
	v1 =	vmul.f32 $8.000000000e+00, v5  }
0x10d: {  	[tilespmem:s7+$0x8520] =	vst v2;
	v5 =	vld [tilespmem:s7+$0x8590];
	v2 =	vmul.f32 $8.000000000e+00, v6;
	v6 =	vmul.f32 $8.000000000e+00, v0  }
0x10e: {  	[tilespmem:s7+$0x8530] =	vst v1;
	v1 =	vld [tilespmem:s7+$0x85A0]  }
0x10f: {  	v0 =	vld [tilespmem:s7+$0x85B0];
	[tilespmem:s7+$0x8550] =	vst v6;
	v6 =	vmul.f32 $8.000000000e+00, v3  }
0x110: {  	v7 =	vmul.f32 $8.000000000e+00, v7;
	[tilespmem:s7+$0x8540] =	vst v2;
	v2 =	vld [tilespmem:s7+$0x85C0]  }
0x111: {  	v3 =	vld [tilespmem:s7+$0x85D0];
	[tilespmem:s7+$0x8570] =	vst v6;
	v6 =	vmul.f32 $8.000000000e+00, v4  }
0x112: {  	s25 =	simm.s32 $0x800;
	[tilespmem:s7+$0x8560] =	vst v7;
	v5 =	vmul.f32 $8.000000000e+00, v5;
	v4 =	vld [tilespmem:s7+$0x85E0]  }
.LBB2_7:
0x113: {  	s29 =	sshra.s32 s25, $0x2;
	p1 =	sne.s32 s25, $0xF800;
	[tilespmem:s7+$0x8580] =	vst v6;
	v1 =	vmul.f32 $8.000000000e+00, v1;
	v6 =	vld [tilespmem:s7+$0x85F0]  }
0x114: {  	v7 =	vld [tilespmem:s29+$0x8400];
	[tilespmem:s7+$0x8590] =	vst v5;
	v0 =	vmul.f32 $8.000000000e+00, v0  }
0x115: {  	v5 =	vld [tilespmem:s29+$0x8410];
	[tilespmem:s7+$0x85A0] =	vst v1;
	v1 =	vmul.f32 $8.000000000e+00, v2  }
0x116: {  	v2 =	vld [tilespmem:s29+$0x8420];
	[tilespmem:s7+$0x85B0] =	vst v0;
	v0 =	vmul.f32 $8.000000000e+00, v3  }
0x117: {  	v3 =	vld [tilespmem:s29+$0x8430];
	[tilespmem:s7+$0x85C0] =	vst v1;
	v1 =	vmul.f32 $8.000000000e+00, v4  }
0x118: {  	v4 =	vld [tilespmem:s29+$0x8440];
	[tilespmem:s7+$0x85D0] =	vst v0;
	v0 =	vmul.f32 $8.000000000e+00, v6  }
0x119: {  	v6 =	vmul.f32 $8.000000000e+00, v7;
	v7 =	vld [tilespmem:s29+$0x8450];
	[tilespmem:s7+$0x85E0] =	vst v1  }
0x11a: {  	v1 =	vmul.f32 $8.000000000e+00, v5;
	v5 =	vld [tilespmem:s29+$0x8460];
	[tilespmem:s7+$0x85F0] =	vst v0;
	s7 =	smov.u32 s29  }
0x11b: {  	[tilespmem:s7+$0x8400] =	vst v6;
	v0 =	vmul.f32 $8.000000000e+00, v2;
	v2 =	vld [tilespmem:s7+$0x8470]  }
0x11c: {  	[tilespmem:s7+$0x8410] =	vst v1;
	v1 =	vmul.f32 $8.000000000e+00, v3;
	v3 =	vld [tilespmem:s7+$0x8480]  }
0x11d: {  	[tilespmem:s7+$0x8420] =	vst v0;
	v0 =	vmul.f32 $8.000000000e+00, v4;
	v4 =	vld [tilespmem:s7+$0x8490]  }
0x11e: {  	[tilespmem:s7+$0x8430] =	vst v1;
	v1 =	vmul.f32 $8.000000000e+00, v7;
	v6 =	vld [tilespmem:s7+$0x84A0]  }
0x11f: {  	[tilespmem:s7+$0x8440] =	vst v0;
	v0 =	vmul.f32 $8.000000000e+00, v5;
	v5 =	vld [tilespmem:s7+$0x84B0]  }
0x120: {  	[tilespmem:s7+$0x8450] =	vst v1;
	v1 =	vmul.f32 $8.000000000e+00, v2;
	v2 =	vld [tilespmem:s7+$0x84C0]  }
0x121: {  	[tilespmem:s7+$0x8460] =	vst v0;
	v0 =	vmul.f32 $8.000000000e+00, v3;
	v3 =	vld [tilespmem:s7+$0x84D0]  }
0x122: {  	[tilespmem:s7+$0x8470] =	vst v1;
	v1 =	vmul.f32 $8.000000000e+00, v4;
	v4 =	vld [tilespmem:s7+$0x84E0]  }
0x123: {  	[tilespmem:s7+$0x8480] =	vst v0;
	v0 =	vmul.f32 $8.000000000e+00, v6;
	v6 =	vld [tilespmem:s7+$0x84F0]  }
0x124: {  	[tilespmem:s7+$0x8490] =	vst v1;
	v1 =	vmul.f32 $8.000000000e+00, v5;
	v5 =	vld [tilespmem:s7+$0x8500]  }
0x125: {  	[tilespmem:s7+$0x84A0] =	vst v0;
	v0 =	vmul.f32 $8.000000000e+00, v2;
	v2 =	vld [tilespmem:s7+$0x8510]  }
0x126: {  	[tilespmem:s7+$0x84B0] =	vst v1;
	v1 =	vmul.f32 $8.000000000e+00, v3;
	v3 =	vld [tilespmem:s7+$0x8520]  }
0x127: {  	[tilespmem:s7+$0x84C0] =	vst v0;
	v0 =	vmul.f32 $8.000000000e+00, v4;
	v4 =	vld [tilespmem:s7+$0x8530]  }
0x128: {  	[tilespmem:s7+$0x84D0] =	vst v1;
	v1 =	vmul.f32 $8.000000000e+00, v6;
	v6 =	vld [tilespmem:s7+$0x8540]  }
0x129: {  	[tilespmem:s7+$0x84E0] =	vst v0;
	v0 =	vmul.f32 $8.000000000e+00, v5;
	v5 =	vld [tilespmem:s7+$0x8550]  }
0x12a: {  	[tilespmem:s7+$0x84F0] =	vst v1;
	v1 =	vmul.f32 $8.000000000e+00, v2;
	v2 =	vld [tilespmem:s7+$0x8560]  }
0x12b: {  	[tilespmem:s7+$0x8500] =	vst v0;
	v0 =	vmul.f32 $8.000000000e+00, v3;
	v3 =	vld [tilespmem:s7+$0x8570]  }
0x12c: {  	[tilespmem:s7+$0x8510] =	vst v1;
	v1 =	vmul.f32 $8.000000000e+00, v4;
	v4 =	vld [tilespmem:s7+$0x8580]  }
0x12d: {  	[tilespmem:s7+$0x8520] =	vst v0;
	v0 =	vmul.f32 $8.000000000e+00, v6;
	v7 =	vld [tilespmem:s7+$0x8590]  }
.Ltmp2:
0x12e: {  	[tilespmem:s7+$0x8530] =	vst v1;
	v5 =	vmul.f32 $8.000000000e+00, v5;
	v1 =	vld [tilespmem:s7+$0x85A0];
	(pc) =	sbr.rel @p1 .LBB2_7-.Ltmp2, $4  }
0x12f: {  	[tilespmem:s7+$0x8540] =	vst v0;
	v6 =	vmul.f32 $8.000000000e+00, v2;
	v0 =	vld [tilespmem:s7+$0x85B0]  }
0x130: {  	[tilespmem:s7+$0x8550] =	vst v5;
	v5 =	vmul.f32 $8.000000000e+00, v3;
	v2 =	vld [tilespmem:s7+$0x85C0]  }
0x131: {  	[tilespmem:s7+$0x8560] =	vst v6;
	v6 =	vmul.f32 $8.000000000e+00, v4;
	v3 =	vld [tilespmem:s7+$0x85D0]  }
0x132: {  	s25 =	sadd.s32 $0x800, s25;
	[tilespmem:s7+$0x8570] =	vst v5;
	v5 =	vmul.f32 $8.000000000e+00, v7;
	v4 =	vld [tilespmem:s7+$0x85E0]  }
0x133: {  	[tilespmem:s7+$0x8580] =	vst v6;
	v1 =	vmul.f32 $8.000000000e+00, v1;
	v6 =	vld [tilespmem:s7+$0x85F0]  }
0x134: {  	[tilespmem:s7+$0x8590] =	vst v5;
	v0 =	vmul.f32 $8.000000000e+00, v0  }
0x135: {  	[tilespmem:s7+$0x85A0] =	vst v1;
	v1 =	vmul.f32 $8.000000000e+00, v2  }
0x136: {  	[tilespmem:s7+$0x85B0] =	vst v0;
	v0 =	vmul.f32 $8.000000000e+00, v3  }
0x137: {  	[tilespmem:s7+$0x85C0] =	vst v1;
	v1 =	vmul.f32 $8.000000000e+00, v4  }
0x138: {  	s10 =	sadd.s32 s10, s13;
	[tilespmem:s7+$0x85D0] =	vst v0;
	v0 =	vmul.f32 $8.000000000e+00, v6  }
0x139: {  	s10 =	sshrl.u32 s10, $0x3;
	[tilespmem:s7+$0x85E0] =	vst v1  }
0x13a: {  	s29 =	sadd.s32 s2, s10;
	[tilespmem:s7+$0x85F0] =	vst v0;
	s7 =	sadd.s32 @!p0 s15, s14  }
0x13b: {  	[hbm4b:s29+s3] =	stream.linear.scatter [tilespmem:s28], [sflag:$0x2], $0x4000, $0x38;
	[tilespmem:$0x10400] =	vst v63  }
0x13c: {  	s7 =	sshrl.u32 @!p0 s7, $0x3  }
0x13d: {  	s10 =	simm.s32 @!p0 $0x0;
	s15 =	simm.s32 @!p0 $0x200;
	s7 =	sadd.s32 @!p0 s5, s7  }
0x13e: {  	[tilespmem:s15], [sflag:$0x3] =	stream.linear.gather @!p0 [hbm4b:s7+s10], $0x100, $0x38;
	[tilespmem:$0x10400] =	vst v63  }
0x13f: {  	s7 =	simm.s32 @!p0 $0x2  }
0x140: {  	_ =	swait.ge @!p0 [sflag:s7], $0x4000  }
0x141: {  	[sflag:s7] =	ssyncset.done @!p0 $0x0  }
0x142: {  	[sflag:s7] =	ssyncadd.s32 @!p0 $0xFFFFC000;
	s7 =	simm.s32 @!p0 $0x3  }
0x143: {  	_ =	swait.ge @!p0 [sflag:s7], $0x100  }
0x144: {  	s10 =	simm.s32 @!p0 $0x100;
	[sflag:s7] =	ssyncset.done @!p0 $0x0  }
0x145: {  	s15 =	simm.s32 @!p0 $0x4400;
	[sflag:s7] =	ssyncadd.s32 @!p0 $0xFFFFFF00;
	s7 =	simm.s32 @!p0 $0x80  }
0x146: {  	[tilespmem:s15], [sflag:$0x1] =	stream.indirect.gather @!p0 [hbm4b:s4+s7], $0x40, s10, s7, $0xb8;
	[tilespmem:$0x10400] =	vst v63  }
0x147: {  	s10 =	simm.s32 @!p0 $0x180;
	s15 =	simm.s32 @!p0 $0x6400  }
0x148: {  	[tilespmem:s15], [sflag:$0x1] =	stream.indirect.gather @!p0 [hbm4b:s4+s7], $0x40, s10, s7, $0xb8;
	[tilespmem:$0x10400] =	vst v63  }
0x149: {  	_ =	swait.ge [sflag:s31], $0x2000  }
0x14a: {  	[sflag:s31] =	ssyncset.done $0x0  }
0x14b: {  	[sflag:s31] =	ssyncadd.s32 $0xFFFFE000  }
0x14c: {  	_ =	swait.ge [sflag:s31], $0x2000  }
0x14d: {  	[sflag:s31] =	ssyncset.done $0x0  }
0x14e: {  	s10 =	simm.s32 $0x0;
	[sflag:s31] =	ssyncadd.s32 $0xFFFFE000  }
0x14f: {  	v0 =	vld [tilespmem:s10+$0xC400]  }
0x150: {  	v1 =	vld [tilespmem:s10+$0xC410]  }
0x151: {  	v2 =	vld [tilespmem:s10+$0xC420]  }
0x152: {  	v3 =	vld [tilespmem:s10+$0xC430]  }
0x153: {  	v4 =	vld [tilespmem:s10+$0xC440]  }
0x154: {  	v5 =	vld [tilespmem:s10+$0xC450];
	v0 =	vmul.f32 $8.000000000e+00, v0  }
0x155: {  	v6 =	vld [tilespmem:s10+$0xC460];
	v1 =	vmul.f32 $8.000000000e+00, v1  }
0x156: {  	v2 =	vmul.f32 $8.000000000e+00, v2;
	[tilespmem:s10+$0xC400] =	vst v0;
	v0 =	vld [tilespmem:s10+$0xC470]  }
0x157: {  	v3 =	vmul.f32 $8.000000000e+00, v3;
	[tilespmem:s10+$0xC410] =	vst v1;
	v1 =	vld [tilespmem:s10+$0xC480]  }
0x158: {  	v4 =	vmul.f32 $8.000000000e+00, v4;
	[tilespmem:s10+$0xC420] =	vst v2;
	v2 =	vld [tilespmem:s10+$0xC490]  }
0x159: {  	v5 =	vmul.f32 $8.000000000e+00, v5;
	[tilespmem:s10+$0xC430] =	vst v3;
	v3 =	vld [tilespmem:s10+$0xC4A0]  }
0x15a: {  	v6 =	vmul.f32 $8.000000000e+00, v6;
	[tilespmem:s10+$0xC440] =	vst v4;
	v4 =	vld [tilespmem:s10+$0xC4B0]  }
0x15b: {  	[tilespmem:s10+$0xC450] =	vst v5;
	v5 =	vld [tilespmem:s10+$0xC4C0];
	v0 =	vmul.f32 $8.000000000e+00, v0  }
0x15c: {  	[tilespmem:s10+$0xC460] =	vst v6;
	v6 =	vld [tilespmem:s10+$0xC4D0];
	v1 =	vmul.f32 $8.000000000e+00, v1  }
0x15d: {  	v2 =	vmul.f32 $8.000000000e+00, v2;
	[tilespmem:s10+$0xC470] =	vst v0;
	v0 =	vld [tilespmem:s10+$0xC4E0]  }
0x15e: {  	v3 =	vmul.f32 $8.000000000e+00, v3;
	[tilespmem:s10+$0xC480] =	vst v1;
	v1 =	vld [tilespmem:s10+$0xC4F0]  }
0x15f: {  	v4 =	vmul.f32 $8.000000000e+00, v4;
	[tilespmem:s10+$0xC490] =	vst v2;
	v2 =	vld [tilespmem:s10+$0xC500]  }
0x160: {  	v5 =	vmul.f32 $8.000000000e+00, v5;
	[tilespmem:s10+$0xC4A0] =	vst v3;
	v3 =	vld [tilespmem:s10+$0xC510]  }
0x161: {  	v6 =	vmul.f32 $8.000000000e+00, v6;
	[tilespmem:s10+$0xC4B0] =	vst v4;
	v4 =	vld [tilespmem:s10+$0xC520]  }
0x162: {  	[tilespmem:s10+$0xC4C0] =	vst v5;
	v5 =	vld [tilespmem:s10+$0xC530];
	v0 =	vmul.f32 $8.000000000e+00, v0  }
0x163: {  	[tilespmem:s10+$0xC4D0] =	vst v6;
	v6 =	vld [tilespmem:s10+$0xC540]  }
0x164: {  	v1 =	vmul.f32 $8.000000000e+00, v1;
	[tilespmem:s10+$0xC4E0] =	vst v0;
	v0 =	vld [tilespmem:s10+$0xC550]  }
0x165: {  	v2 =	vmul.f32 $8.000000000e+00, v2  }
0x166: {  	[tilespmem:s10+$0xC4F0] =	vst v1;
	v1 =	vmul.f32 $8.000000000e+00, v3;
	v3 =	vld [tilespmem:s10+$0xC570]  }
0x167: {  	v7 =	vld [tilespmem:s10+$0xC560];
	[tilespmem:s10+$0xC500] =	vst v2;
	v2 =	vmul.f32 $8.000000000e+00, v4  }
0x168: {  	v4 =	vld [tilespmem:s10+$0xC580];
	[tilespmem:s10+$0xC510] =	vst v1;
	v1 =	vmul.f32 $8.000000000e+00, v5  }
0x169: {  	[tilespmem:s10+$0xC520] =	vst v2;
	v5 =	vld [tilespmem:s10+$0xC590];
	v2 =	vmul.f32 $8.000000000e+00, v6;
	v6 =	vmul.f32 $8.000000000e+00, v0  }
0x16a: {  	[tilespmem:s10+$0xC530] =	vst v1;
	v1 =	vld [tilespmem:s10+$0xC5A0]  }
0x16b: {  	v0 =	vld [tilespmem:s10+$0xC5B0];
	[tilespmem:s10+$0xC550] =	vst v6;
	v6 =	vmul.f32 $8.000000000e+00, v3  }
0x16c: {  	v7 =	vmul.f32 $8.000000000e+00, v7;
	[tilespmem:s10+$0xC540] =	vst v2;
	v2 =	vld [tilespmem:s10+$0xC5C0]  }
0x16d: {  	v3 =	vld [tilespmem:s10+$0xC5D0];
	[tilespmem:s10+$0xC570] =	vst v6;
	v6 =	vmul.f32 $8.000000000e+00, v4  }
0x16e: {  	s7 =	simm.s32 $0x800;
	[tilespmem:s10+$0xC560] =	vst v7;
	v5 =	vmul.f32 $8.000000000e+00, v5;
	v4 =	vld [tilespmem:s10+$0xC5E0]  }
.LBB2_9:
0x16f: {  	s15 =	sshra.s32 s7, $0x2;
	p0 =	sne.s32 s7, $0xF800;
	[tilespmem:s10+$0xC580] =	vst v6;
	v1 =	vmul.f32 $8.000000000e+00, v1;
	v6 =	vld [tilespmem:s10+$0xC5F0]  }
0x170: {  	v7 =	vld [tilespmem:s15+$0xC400];
	[tilespmem:s10+$0xC590] =	vst v5;
	v0 =	vmul.f32 $8.000000000e+00, v0  }
0x171: {  	v5 =	vld [tilespmem:s15+$0xC410];
	[tilespmem:s10+$0xC5A0] =	vst v1;
	v1 =	vmul.f32 $8.000000000e+00, v2  }
0x172: {  	v2 =	vld [tilespmem:s15+$0xC420];
	[tilespmem:s10+$0xC5B0] =	vst v0;
	v0 =	vmul.f32 $8.000000000e+00, v3  }
0x173: {  	v3 =	vld [tilespmem:s15+$0xC430];
	[tilespmem:s10+$0xC5C0] =	vst v1;
	v1 =	vmul.f32 $8.000000000e+00, v4  }
0x174: {  	v4 =	vld [tilespmem:s15+$0xC440];
	[tilespmem:s10+$0xC5D0] =	vst v0;
	v0 =	vmul.f32 $8.000000000e+00, v6  }
0x175: {  	v6 =	vmul.f32 $8.000000000e+00, v7;
	v7 =	vld [tilespmem:s15+$0xC450];
	[tilespmem:s10+$0xC5E0] =	vst v1  }
0x176: {  	v1 =	vmul.f32 $8.000000000e+00, v5;
	v5 =	vld [tilespmem:s15+$0xC460];
	[tilespmem:s10+$0xC5F0] =	vst v0;
	s10 =	smov.u32 s15  }
0x177: {  	[tilespmem:s10+$0xC400] =	vst v6;
	v0 =	vmul.f32 $8.000000000e+00, v2;
	v2 =	vld [tilespmem:s10+$0xC470]  }
0x178: {  	[tilespmem:s10+$0xC410] =	vst v1;
	v1 =	vmul.f32 $8.000000000e+00, v3;
	v3 =	vld [tilespmem:s10+$0xC480]  }
0x179: {  	[tilespmem:s10+$0xC420] =	vst v0;
	v0 =	vmul.f32 $8.000000000e+00, v4;
	v4 =	vld [tilespmem:s10+$0xC490]  }
0x17a: {  	[tilespmem:s10+$0xC430] =	vst v1;
	v1 =	vmul.f32 $8.000000000e+00, v7;
	v6 =	vld [tilespmem:s10+$0xC4A0]  }
0x17b: {  	[tilespmem:s10+$0xC440] =	vst v0;
	v0 =	vmul.f32 $8.000000000e+00, v5;
	v5 =	vld [tilespmem:s10+$0xC4B0]  }
0x17c: {  	[tilespmem:s10+$0xC450] =	vst v1;
	v1 =	vmul.f32 $8.000000000e+00, v2;
	v2 =	vld [tilespmem:s10+$0xC4C0]  }
0x17d: {  	[tilespmem:s10+$0xC460] =	vst v0;
	v0 =	vmul.f32 $8.000000000e+00, v3;
	v3 =	vld [tilespmem:s10+$0xC4D0]  }
0x17e: {  	[tilespmem:s10+$0xC470] =	vst v1;
	v1 =	vmul.f32 $8.000000000e+00, v4;
	v4 =	vld [tilespmem:s10+$0xC4E0]  }
0x17f: {  	[tilespmem:s10+$0xC480] =	vst v0;
	v0 =	vmul.f32 $8.000000000e+00, v6;
	v6 =	vld [tilespmem:s10+$0xC4F0]  }
0x180: {  	[tilespmem:s10+$0xC490] =	vst v1;
	v1 =	vmul.f32 $8.000000000e+00, v5;
	v5 =	vld [tilespmem:s10+$0xC500]  }
0x181: {  	[tilespmem:s10+$0xC4A0] =	vst v0;
	v0 =	vmul.f32 $8.000000000e+00, v2;
	v2 =	vld [tilespmem:s10+$0xC510]  }
0x182: {  	[tilespmem:s10+$0xC4B0] =	vst v1;
	v1 =	vmul.f32 $8.000000000e+00, v3;
	v3 =	vld [tilespmem:s10+$0xC520]  }
0x183: {  	[tilespmem:s10+$0xC4C0] =	vst v0;
	v0 =	vmul.f32 $8.000000000e+00, v4;
	v4 =	vld [tilespmem:s10+$0xC530]  }
0x184: {  	[tilespmem:s10+$0xC4D0] =	vst v1;
	v1 =	vmul.f32 $8.000000000e+00, v6;
	v6 =	vld [tilespmem:s10+$0xC540]  }
0x185: {  	[tilespmem:s10+$0xC4E0] =	vst v0;
	v0 =	vmul.f32 $8.000000000e+00, v5;
	v5 =	vld [tilespmem:s10+$0xC550]  }
0x186: {  	[tilespmem:s10+$0xC4F0] =	vst v1;
	v1 =	vmul.f32 $8.000000000e+00, v2;
	v2 =	vld [tilespmem:s10+$0xC560]  }
0x187: {  	[tilespmem:s10+$0xC500] =	vst v0;
	v0 =	vmul.f32 $8.000000000e+00, v3;
	v3 =	vld [tilespmem:s10+$0xC570]  }
0x188: {  	[tilespmem:s10+$0xC510] =	vst v1;
	v1 =	vmul.f32 $8.000000000e+00, v4;
	v4 =	vld [tilespmem:s10+$0xC580]  }
0x189: {  	[tilespmem:s10+$0xC520] =	vst v0;
	v0 =	vmul.f32 $8.000000000e+00, v6;
	v7 =	vld [tilespmem:s10+$0xC590]  }
.Ltmp3:
0x18a: {  	[tilespmem:s10+$0xC530] =	vst v1;
	v5 =	vmul.f32 $8.000000000e+00, v5;
	v1 =	vld [tilespmem:s10+$0xC5A0];
	(pc) =	sbr.rel @p0 .LBB2_9-.Ltmp3, $4  }
0x18b: {  	[tilespmem:s10+$0xC540] =	vst v0;
	v6 =	vmul.f32 $8.000000000e+00, v2;
	v0 =	vld [tilespmem:s10+$0xC5B0]  }
0x18c: {  	[tilespmem:s10+$0xC550] =	vst v5;
	v5 =	vmul.f32 $8.000000000e+00, v3;
	v2 =	vld [tilespmem:s10+$0xC5C0]  }
0x18d: {  	[tilespmem:s10+$0xC560] =	vst v6;
	v6 =	vmul.f32 $8.000000000e+00, v4;
	v3 =	vld [tilespmem:s10+$0xC5D0]  }
0x18e: {  	s7 =	sadd.s32 $0x800, s7;
	[tilespmem:s10+$0xC570] =	vst v5;
	v5 =	vmul.f32 $8.000000000e+00, v7;
	v4 =	vld [tilespmem:s10+$0xC5E0]  }
0x18f: {  	[tilespmem:s10+$0xC580] =	vst v6;
	v1 =	vmul.f32 $8.000000000e+00, v1;
	v59 =	vld [tilespmem:s10+$0xC5F0]  }
0x190: {  	[tilespmem:s10+$0xC590] =	vst v5;
	v0 =	vmul.f32 $8.000000000e+00, v0  }
0x191: {  	s17 =	sadd.s32 $0x1, s17;
	[tilespmem:s10+$0xC5A0] =	vst v1;
	v60 =	vmul.f32 $8.000000000e+00, v2  }
0x192: {  	p0 =	sne.s32 s17, $0x19;
	[tilespmem:s10+$0xC5B0] =	vst v0;
	v61 =	vmul.f32 $8.000000000e+00, v3  }
.Ltmp4:
0x193: {  	s7 =	sshll.u32 s9, $0xE;
	[tilespmem:s10+$0xC5C0] =	vst v60;
	v62 =	vmul.f32 $8.000000000e+00, v4;
	(pc) =	sbr.rel @p0 .LBB2_2-.Ltmp4, $4  }
0x194: {  	s7 =	sadd.s32 s8, s7;
	[tilespmem:s10+$0xC5D0] =	vst v61;
	v63 =	vmul.f32 $8.000000000e+00, v59  }
0x195: {  	s7 =	sshrl.u32 s7, $0x3;
	[tilespmem:s10+$0xC5E0] =	vst v62  }
0x196: {  	s7 =	sadd.s32 s2, s7;
	[tilespmem:s10+$0xC5F0] =	vst v63  }
0x197: {  	[hbm4b:s7+s3] =	stream.linear.scatter [tilespmem:s0], [sflag:$0x2], $0x4000, $0x38;
	[tilespmem:$0x10400] =	vst v63  }
0x198: {  	_ =	swait.ge [sflag:s24], $0x4000  }
0x199: {  	[sflag:s24] =	ssyncset.done $0x0  }
0x19a: {  	[sflag:s24] =	ssyncadd.s32 $0xFFFFC000  }
0x19b: {  	_ =	swait.ge [sflag:s24], $0x4000  }
0x19c: {  	[sflag:s24] =	ssyncset.done $0x0  }
0x19d: {  	[sflag:s24] =	ssyncadd.s32 $0xFFFFC000  }
0x19e: {  	_ =	swait.ge [sflag:s24], $0x4000  }
0x19f: {  	[sflag:s24] =	ssyncset.done $0x0  }
0x1a0: {  	[sflag:s24] =	ssyncadd.s32 $0xFFFFC000  }
0x1a1: {  	_ =	swait.ge [sflag:s24], $0x4000  }
0x1a2: {  	s9 =	rddreg [dreg:$0x7]  }
0x1a3: {  	s7 =	rddreg [dreg:$0x6];
	s9 =	sadd.s32 $0x1, s9  }
0x1a4: {  	p0 =	sne.s32 s9, s7  }
.Ltmp5:
0x1a5: {  	_ = 	snop;
	(pc) =	sbr.rel @p0 .LBB2_1-.Ltmp5, $3  }
0x1a6: {  	_ =	sdelay $0x1  }
0x1a7: {  	[sflag:s24] =	ssyncset.done $0x0  }
0x1a8: {  	[sflag:s24] =	ssyncadd.s32 $0xFFFFC000  }
0x1a9: {  	_ =	sfence.sel $0x180000  }
0x1aa: {  	[bflag:$0x0] =	sbarrier.arrive $0xFFFF  }
0x1ab: {  	_ =	strace $0x90000047  }
0x1ac: {  	s0 =	stileid.u32;
	[bflag:$0x2] =	sbarrier.arrive $0xFFFF  }
0x1ad: {  	p0 =	sne.s32 s0, $0x0;
	s0 =	rddreg [dreg:$0x2]  }
0x1ae: {  	s0 =	sadd.s32 @!p0 $0x100000, s0  }
0x1af: {  	[sflag:s0] =	ssyncadd.tile.s32 @!p0 $0x1;
	_ =	shalt  }
.Lfunc_end2:
_tile_overlayer_lowered:
.L_overlay_start_2:
0x1b0: {  	(tag) =	ssettag $0x2  }
0x1b1: {  	s0 =	rddreg [dreg:$0x0];
	s2 =	stileid.u32  }
0x1b2: {  	s1 =	rddreg [dreg:$0x1];
	p0 =	sne.s32 s2, $0x0  }
0x1b3: {  	s3 =	rddreg [dreg:$0x2];
	[bflag:$0x3] =	sbarrier.arrive $0xFFFF;
	s2 =	simm.s32 @!p0 $0x1C04  }
0x1b4: {  	[timem:s3], [sflag:s2] =	dma.local @!p0 [hbm:s0], s1  }
0x1b5: {  	s0 =	simm.s32 @!p0 $0x4  }
0x1b6: {  	_ =	swait.ge @!p0 [sflag:s0], s1  }
0x1b7: {  	s1 =	ssub.s32 @!p0 $0x0, s1;
	[sflag:s0] =	ssyncset.done @!p0 $0x0  }
0x1b8: {  	[sflag:s0] =	ssyncadd.s32 @!p0 s1  }
0x1b9: {  	[bflag:$0x3] =	sbarrier.arrive $0xFFFF  }
0x1ba: {  	_ =	shalt  }

// kernel: sparse-core-data-format-call.cloned.1.call-start
scs
called_computation_lowered:
.L_overlay_start_0:
0x0: {  	s2 =	sld [smem:$0x3FD9]  }
0x1: {  	s3 =	sld [smem:$0x3FFE];
	_ =	sdelay $0x1  }
0x2: {  	s1 =	srdreg.scid  }
0x3: {  	s0 =	sand.u32 $0x1, s1  }
0x4: {  	s18 =	sshll.u32 s0, $0xA;
	s2 =	sadd.s32 s3, s2  }
0x5: {  	s2 =	sadd.s32 s2, s18  }
0x6: {  	[smem:$0x3FC6] =	sst s2  }
0x7: {  	_ = 	snop  }
0x8: {  	s2 =	sld [smem:$0x3FD0];
	(tm) =	ssettm $0x1  }
0x9: {  	s19 =	sld [smem:$0x3FFB];
	_ =	sdelay $0x3  }
0xa: {  	_ =	strace s19  }
0xb: {  	s3 =	sld [smem:$0x3FFC];
	_ =	sdelay $0x3  }
0xc: {  	_ =	strace s3  }
0xd: {  	s3 =	sld [smem:$0x3FFD];
	_ =	sdelay $0x3  }
0xe: {  	_ =	strace s3  }
0xf: {  	_ =	strace $0x8FFFFFFF  }
0x10: {  	s20 =	sld [smem:$0x3FDB];
	_ =	sdelay $0x1  }
0x11: {  	s4 =	simm.s32 $_scs_section_size  }
0x12: {  	s5 =	simm.s32 $_size__tile_overlayer_lowered;
	s6 =	simm.s32 $_tile_overlayer_lowered  }
0x13: {  	s23 =	simm.s32 $0x1BFF;
	s22 =	sshll.u32 s6, $0x1;
	s3 =	sadd.s32 s4, s20  }
0x14: {  	s7 =	simm.s32 $0x0;
	s21 =	sshll.u32 s5, $0x1;
	s5 =	sadd.s32 s22, s3  }
0x15: {  	[timem:s7], [sflag:s23] =	dma.local [hbm:s5], s21  }
0x16: {  	_ =	swait.ge [sflag:s23], s21  }
0x17: {  	s4 =	ssub.s32 $0x0, s21;
	[sflag:s23] =	ssyncset.done $0x0  }
0x18: {  	[sflag:s23] =	ssyncadd.s32 s4;
	_ =	sdelay $0x1  }
0x19: {  	s24 =	simm.s32 $0x1B8B  }
0x1a: {  	_ =	swait.ge [sflag:s24], $0x1  }
0x1b: {  	[sflag:s24] =	ssyncset.done $0x0  }
0x1c: {  	s26 =	simm.s32 $0x1B8E;
	s25 =	sld [smem:$0x3FFE];
	[sflag:s24] =	ssyncadd.s32 $0xFFFFFFFF  }
0x1d: {  	s27 =	simm.s32 $execute0_lowered;
	[smem:$0x3FD2] =	sst s26  }
0x1e: {  	s5 =	sshll.u32 s27, $0x1;
	_ =	strace $0x80000049;
	[dreg:$0x1] =	wrdreg $0xFFFFFFFF  }
0x1f: {  	s28 =	simm.s32 $_size_execute0_lowered;
	s3 =	sadd.s32 s3, s5;
	[dreg:$0x0] =	wrdreg $0x0  }
0x20: {  	s5 =	sshll.u32 s28, $0x1;
	[dreg:$0x2] =	wrdreg s3  }
0x21: {  	[dreg:$0x3] =	wrdreg s5  }
0x22: {  	[dreg:$0x4] =	wrdreg $0xC0  }
0x23: {  	_ =	task [dreg:s7], $0x5FFFF  }
0x24: {  	[dreg:$0x1] =	wrdreg $0xFFFFFFFF  }
0x25: {  	[dreg:$0x0] =	wrdreg $0x60  }
0x26: {  	[dreg:$0x2] =	wrdreg s25  }
0x27: {  	[dreg:$0x3] =	wrdreg s2  }
0x28: {  	[dreg:$0x4] =	wrdreg $0x9  }
0x29: {  	_ =	task.clear_ibuf [dreg:s7], $0x5FFFF;
	_ =	strace $0x90000049  }
0x2a: {  	s29 =	simm.s32 $0x9;
	_ =	strace $0x8000004B  }
0x2b: {  	_ =	swait.ge [sflag:s29], $0x1  }
0x2c: {  	[sflag:s29] =	ssyncadd.s32 $0xFFFFFFFF  }
0x2d: {  	_ =	strace $0x9000004B  }
0x2e: {  	_ =	sfence  }
0x2f: {  	s30 =	sld [smem:$0x0];
	_ =	sdelay $0x2  }
0x30: {  	s31 =	sshll.u32 s1, $0xD;
	s1 =	sshrl.u32 s1, $0x2  }
0x31: {  	s3 =	sand.u32 $0x4000, s31;
	s1 =	sadd.s32 s1, s30  }
0x32: {  	s0 =	sor.u32 s3, s0;
	s1 =	sshll.u32 s1, $0x11  }
0x33: {  	s0 =	sor.u32 s1, s0  }
0x34: {  	s0 =	sadd.s32 $0x8F2B, s0  }
0x35: {  	[sflag:s0] =	ssyncadd.remote.s32 $0x1  }
0x36: {  	_ =	sfence.sel $0xFFFF  }
0x37: {  	[dreg:$0x0] =	wrdreg $0xFFFFFFFF;
	(pc) =	sbr.abs _section_cstart, $3  }
0x38: {  	[dreg:$0x1] =	wrdreg $0xFFFFFFFF  }
0x39: {  	_ =	task.clear_ibuf [dreg:s7], $0x2FFFF;
	_ =	strace $0x9FFFFFFF  }
0x3a: {  	(tm) =	ssettm $0x7FFFFFFF  }
0x3b: {  	_ =	shalt  }
tec
execute0_lowered:
.L_overlay_start_1:
0x0: {  	(tag) =	ssettag $0x1  }
0x1: {  	s0 =	srdreg.scid  }
0x2: {  	s1 =	sshll.u32 s0, $0x4  }
0x3: {  	s0 =	stileid.u32;
	s1 =	sand.u32 $0x10, s1  }
0x4: {  	s1 =	sor.u32 s0, s1  }
0x5: {  	s6 =	rddreg [dreg:$0x0];
	s4 =	simm.s32 $0x1;
	s2 =	sshll.u32 s1, $0x7  }
0x6: {  	s7 =	simm.s32 $0x2;
	s12 =	simm.s32 $0x0;
	s1 =	ssub.s32 $0x1000, s2  }
0x7: {  	s8 =	simm.s32 $0x8000;
	s13 =	simm.s32 $0x0;
	s3 =	sand.u32 $0xF80, s1  }
0x8: {  	s9 =	simm.s32 $0x0;
	s5 =	sshrl.u32 s1, $0xC;
	p0 =	sne.s32 s3, $0x0  }
.Ltmp0:
0x9: {  	s1 =	rddreg [dreg:$0x2];
	s4 =	simm.s32 @!p0 $0x0;
	(pc) =	sbr.rel .LBB1_1-.Ltmp0, $4  }
0xa: {  	s11 =	simm.s32 $0x0;
	s3 =	rddreg [dreg:$0x1];
	s5 =	sadd.s32 s4, s5  }
0xb: {  	_ =	strace $0x8000004A;
	s4 =	simm.s32 $0x1;
	s5 =	smul.u32 $0xC8, s5  }
0xc: {  	s6 =	sadd.s32 $0xA00, s6;
	s10 =	smov.u32 s2;
	[sflag:s4] =	ssyncpa.u1 $0x0  }
0xd: {  	p0 =	por $0x0, $0x0;
	[sflag:s7] =	ssyncpa.u1 $0x0;
	s7 =	sor.u32 $0x1, s5  }
.LBB1_4:
0xe: {  	s16 =	sshll.u32 s13, $0x3;
	s17 =	sand.u32 $0x78, s13  }
0xf: {  	s30 =	sand.u32 $0x7E00, s13;
	s12 =	sshll.u32 s12, $0xF;
	s16 =	sand.u32 $0xC00, s16  }
0x10: {  	[tilespmem:s15+$0x810 ss:$0x81] =	vst.msk $0xffff, v2;
	s31 =	sand.u32 $0x7, s13;
	s16 =	sor.u32 s17, s16;
	s17 =	sadd.s32 s3, s30  }
0x11: {  	[tilespmem:s15+$0x1020 ss:$0x81] =	vst.msk $0xffff, v0;
	s13 =	sshll.u32 s31, $0x12;
	s12 =	sadd.s32 s12, s17;
	s16 =	sshrl.u32 s16, $0x3  }
0x12: {  	[tilespmem:s15+$0x0 ss:$0x81] =	vst.msk $0xffff, v1;
	s13 =	sor.u32 $0x400, s13;
	s12 =	sadd.s32 s16, s12  }
0x13: {  	[hbm4b:s12+s13] =	stream.strided.scatter [tilespmem:s14], [sflag:$0x2], $0x2000, s8, s13, $0x20;
	[tilespmem:$0x8080] =	vst v63  }
.LBB1_5:
0x14: {  	s14 =	sadd.s32 $0x1, s9  }
0x15: {  	s12 =	sadd.s32 $0x1000, s10;
	s16 =	smov.u32 s10;
	p2 =	sgt.s32 s14, $0xC7  }
0x16: {  	s16 =	smov.u32 @p2 s12  }
0x17: {  	s14 =	simm.s32 @p2 $0x0;
	p2 =	sgt.s32 s16, $0xFFF  }
0x18: {  	s16 =	smov.u32 @p2 s2;
	p2 =	sne.s32 s11, s7  }
.Ltmp1:
0x19: {  	p1 =	slt.u32 s11, $0x2;
	(pc) =	sbr.rel @!p2 .LBB1_6-.Ltmp1, $4  }
0x1a: {  	s15 =	simm.s32 @!p1 $0x2  }
0x1b: {  	s13 =	smov.u32 s10;
	p0 =	por !p0, !p0;
	_ =	swait.ge @!p1 [sflag:s15], $0x2000  }
0x1c: {  	s12 =	smov.u32 s9;
	[sflag:s15] =	ssyncset.done @!p1 $0x0;
	s9 =	smov.u32 s14  }
0x1d: {  	s11 =	sadd.s32 $0x1, s11;
	[sflag:s15] =	ssyncadd.s32 @!p1 $0xFFFFE000;
	s10 =	smov.u32 s16  }
.LBB1_1:
0x1e: {  	p1 =	sge.u32 s11, s5  }
0x1f: {  	s14 =	sand.u32 @!p1 $0x1FFFFFF, s9  }
0x20: {  	s15 =	smulhi.u32 @!p1 $0x147AE15, s14;
	_ =	sdelay $0x1  }
0x21: {  	s15 =	smul.u32 @!p1 $0xC8, s15  }
0x22: {  	s16 =	sxor.u32 @!p1 $0xFFFFFFFF, s11;
	s17 =	smul.u32 @!p1 $0xC80, s10  }
0x23: {  	s31 =	sadd.s32 $0xFFFFFFFF, s11;
	s16 =	sshll.u32 @!p1 s16, $0xD;
	s14 =	ssub.s32 @!p1 s14, s15  }
0x24: {  	s15 =	sand.u32 @!p1 $0x2000, s16;
	s16 =	sadd.s32 @!p1 s6, s17;
	s14 =	sshll.u32 @!p1 s14, $0x4  }
0x25: {  	s17 =	simm.s32 @!p1 $0x6400;
	s14 =	sadd.s32 @!p1 s14, s16;
	s16 =	simm.s32 @!p1 $0x40  }
0x26: {  	[tilespmem:s15], [sflag:$0x1] =	stream.strided.gather @!p1 [hbm4b:s14+s16], $0x2000, s17, s16, $0x38;
	[tilespmem:$0x8080] =	vst v63  }
0x27: {  	p1 =	sge.u32 s31, s5  }
.Ltmp2:
0x28: {  	_ = 	snop;
	(pc) =	sbr.rel @p1 .LBB1_5-.Ltmp2, $1  }
0x29: {  	_ =	sdelay $0x3  }
0x2a: {  	s14 =	simm.s32 $0x1  }
0x2b: {  	_ =	swait.ge [sflag:s4], $0x2000;
	s14 =	simm.s32 @!p0 $0x0  }
0x2c: {  	[sflag:s4] =	ssyncset.done $0x0;
	s15 =	sshll.u32 s14, $0xD  }
0x2d: {  	[sflag:s4] =	ssyncadd.s32 $0xFFFFE000;
	s18 =	sor.u32 $0x20, s15  }
0x2e: {  	s14 =	smul.u32 $0x8100, s14;
	v3 =	vld [tilespmem:s18+$0x10]  }
0x2f: {  	s30 =	sand.u32 $0x1, s11;
	v2 =	vld [tilespmem:s18+$0xFFFFFFF0]  }
0x30: {  	s15 =	smul.u32 $0x8100, s30;
	s14 =	sshrl.u32 s14, $0x2;
	v0 =	vld [tilespmem:s18+$0x0]  }
0x31: {  	v1 =	vld [tilespmem:s18+$0xFFFFFFE0];
	s16 =	sor.u32 $0x4000, s14  }
0x32: {  	s31 =	sshrl.u32 s15, $0x2;
	s15 =	sadd.s32 $0x0, s16  }
0x33: {  	s17 =	simm.s32 $0x4;
	s18 =	sadd.s32 $0x40, s18;
	s14 =	sor.u32 $0x4000, s31;
	[tilespmem:s15+$0x1830 ss:$0x81] =	vst.msk $0xffff, v3  }
.LBB1_3:
0x34: {  	v3 =	vld [tilespmem:s18+$0x10];
	p1 =	sne.s32 s17, $0x1FC;
	[tilespmem:s15+$0x810 ss:$0x81] =	vst.msk $0xffff, v2;
	s19 =	smov.u32 s17;
	s17 =	sadd.s32 $0x4, s17  }
.Ltmp3:
0x35: {  	v2 =	vld [tilespmem:s18+$0xFFFFFFF0];
	[tilespmem:s15+$0x1020 ss:$0x81] =	vst.msk $0xffff, v0;
	(pc) =	sbr.rel @p1 .LBB1_3-.Ltmp3, $4  }
0x36: {  	v0 =	vld [tilespmem:s18+$0x0];
	[tilespmem:s15+$0x0 ss:$0x81] =	vst.msk $0xffff, v1  }
0x37: {  	s15 =	sshra.s32 s19, $0x2;
	v1 =	vld [tilespmem:s18+$0xFFFFFFE0]  }
0x38: {  	s15 =	sadd.s32 s15, s16  }
0x39: {  	s18 =	sadd.s32 $0x40, s18;
	[tilespmem:s15+$0x1830 ss:$0x81] =	vst.msk $0xffff, v3  }
.Ltmp4:
0x3a: {  	_ = 	snop;
	(pc) =	sbr.rel .LBB1_4-.Ltmp4, $1  }
0x3b: {  	_ =	sdelay $0x3  }
.LBB1_6:
0x3c: {  	_ =	sfence.sel $0x180000  }
0x3d: {  	s2 =	simm.s32 $0x1;
	[bflag:$0x0] =	sbarrier.arrive $0xFFFF  }
0x3e: {  	s31 =	simm.s32 $0x2;
	[sflag:s2] =	ssyncpa.u1 $0x1  }
0x3f: {  	[sflag:s31] =	ssyncpa.u1 $0x1  }
0x40: {  	p0 =	sne.s32 s0, $0x0;
	_ =	strace $0x9000004A  }
0x41: {  	s0 =	sadd.s32 @!p0 $0x100000, s1;
	[bflag:$0x2] =	sbarrier.arrive $0xFFFF  }
0x42: {  	[sflag:s0] =	ssyncadd.tile.s32 @!p0 $0x1;
	_ =	shalt  }
.Lfunc_end1:
_tile_overlayer_lowered:
.L_overlay_start_2:
0x43: {  	(tag) =	ssettag $0x2  }
0x44: {  	s0 =	rddreg [dreg:$0x0];
	s2 =	stileid.u32  }
0x45: {  	s1 =	rddreg [dreg:$0x1];
	p0 =	sne.s32 s2, $0x0  }
0x46: {  	s3 =	rddreg [dreg:$0x2];
	[bflag:$0x3] =	sbarrier.arrive $0xFFFF;
	s2 =	simm.s32 @!p0 $0x1C01  }
0x47: {  	[timem:s3], [sflag:s2] =	dma.local @!p0 [hbm:s0], s1  }
0x48: {  	s0 =	simm.s32 @!p0 $0x1  }
0x49: {  	_ =	swait.ge @!p0 [sflag:s0], s1  }
0x4a: {  	s1 =	ssub.s32 @!p0 $0x0, s1;
	[sflag:s0] =	ssyncset.done @!p0 $0x0  }
0x4b: {  	[sflag:s0] =	ssyncadd.s32 @!p0 s1  }
0x4c: {  	[bflag:$0x3] =	sbarrier.arrive $0xFFFF  }
0x4d: {  	_ =	shalt  }

</sc_bundles>
